<compile_context>
chip_gen: v7x
topology: tpu7x:2x2x1
jax: 0.10.2.dev20260603
libtpu: 0.0.44.dev20260713+nightly
codegen_flags: <defaults>
</compile_context>

<pallas_src>
import functools

import jax
import jax.numpy as jnp
from jax import lax
from jax.experimental import pallas as pl
from jax.experimental.pallas import tpu as pltpu
from jax.experimental.pallas import tpu_sc as plsc

E = 8
TOPK = 2
R = 8
DIM = 2048
ALPHA = 16
SCALING = ALPHA / R
ER = E * R

BN = 1024

NC = 1
NS = 16
NW = NC * NS
L = 16


def _fwd_body(x_ref, wg_ref, bg_ref, w1_ref, logits_t_ref, act_ref):
    xb = x_ref[...]
    dn_bt = (((1,), (1,)), ((), ()))
    logits_t_ref[...] = (
        lax.dot_general(
            wg_ref[...], xb, dn_bt, preferred_element_type=jnp.float32
        )
        + bg_ref[...]
    )
    h = lax.dot_general(
        xb, w1_ref[...], dn_bt, preferred_element_type=jnp.float32
    )
    act_ref[...] = h * 0.5 * (1.0 + lax.erf(h * (2.0 ** -0.5)))


def _combine_body(gates_t_ref, act_ref, expand_ref, w2f_ref, out_ref):
    dn_at = (((0,), (0,)), ((), ()))
    gr = lax.dot_general(
        gates_t_ref[...],
        expand_ref[...],
        dn_at,
        preferred_element_type=jnp.float32,
    )
    out_ref[...] = jnp.dot(
        gr * act_ref[...], w2f_ref[...], preferred_element_type=jnp.float32
    )


def _route_body(logits_t_hbm, gates_t_hbm, lg_v, gt_v, sem, tpw, n):
    wid = lax.axis_index("s") * NC + lax.axis_index("c")
    base = wid * tpw
    copies = [
        pltpu.async_copy(
            logits_t_hbm.at[pl.ds(e * n + base, tpw)],
            lg_v.at[pl.ds(e * tpw, tpw)],
            sem,
        )
        for e in range(E)
    ]
    for c in copies:
        c.wait()
    for g in range(tpw // L):
        ls = [lg_v[pl.ds(e * tpw + g * L, L)] for e in range(E)]
        m1 = ls[0]
        for e in range(1, E):
            m1 = jnp.maximum(m1, ls[e])
        i1 = jnp.full((L,), E, jnp.int32)
        for e in range(E - 1, -1, -1):
            i1 = jnp.where(ls[e] == m1, jnp.int32(e), i1)
        m2 = None
        for e in range(E):
            le = jnp.where(i1 == e, jnp.float32(-jnp.inf), ls[e])
            m2 = le if m2 is None else jnp.maximum(m2, le)
        i2 = jnp.full((L,), E, jnp.int32)
        for e in range(E - 1, -1, -1):
            cand = jnp.logical_and(ls[e] == m2, i1 != e)
            i2 = jnp.where(cand, jnp.int32(e), i2)
        g1 = 1.0 / (1.0 + jnp.exp(m2 - m1))
        g2 = 1.0 - g1
        for e in range(E):
            ge = jnp.where(
                i1 == e, g1, jnp.where(i2 == e, g2, jnp.float32(0.0))
            )
            gt_v[pl.ds(e * tpw + g * L, L)] = ge
    out_copies = [
        pltpu.async_copy(
            gt_v.at[pl.ds(e * tpw, tpw)],
            gates_t_hbm.at[pl.ds(e * n + base, tpw)],
            sem,
        )
        for e in range(E)
    ]
    for c in out_copies:
        c.wait()


def _route(logits_t_flat, n):
    tpw = n // NW
    mesh = plsc.VectorSubcoreMesh(core_axis_name="c", subcore_axis_name="s", num_cores=1)
    body = functools.partial(_route_body, tpw=tpw, n=n)
    return pl.kernel(
        body,
        out_type=jax.ShapeDtypeStruct((E * n,), jnp.float32),
        mesh=mesh,
        scratch_types=[
            pltpu.VMEM((E * tpw,), jnp.float32),
            pltpu.VMEM((E * tpw,), jnp.float32),
            pltpu.SemaphoreType.DMA,
        ],
        name="moe_route_sc",
    )(logits_t_flat)


def kernel(x, Wg, bg, W1, W2):
    orig_shape = x.shape
    x_flat = x.reshape(-1, x.shape[-1])
    n = x_flat.shape[0]

    w1 = W1.reshape(ER, DIM)
    w2f = (W2 * SCALING).transpose(0, 2, 1).reshape(ER, DIM)
    bg2 = bg.reshape(E, 1)
    expand = jnp.repeat(jnp.eye(E, dtype=jnp.float32), R, axis=1)

    grid = (n // BN,)
    logits_t, act = pl.pallas_call(
        _fwd_body,
        grid=grid,
        in_specs=[
            pl.BlockSpec((BN, DIM), lambda i: (i, 0)),
            pl.BlockSpec((E, DIM), lambda i: (0, 0)),
            pl.BlockSpec((E, 1), lambda i: (0, 0)),
            pl.BlockSpec((ER, DIM), lambda i: (0, 0)),
        ],
        out_specs=[
            pl.BlockSpec((E, BN), lambda i: (0, i)),
            pl.BlockSpec((BN, ER), lambda i: (i, 0)),
        ],
        out_shape=[
            jax.ShapeDtypeStruct((E, n), jnp.float32),
            jax.ShapeDtypeStruct((n, ER), jnp.float32),
        ],
        name="moe_fwd_tc",
    )(x_flat, Wg, bg2, w1)

    gates_t = _route(logits_t.reshape(E * n), n).reshape(E, n)

    out = pl.pallas_call(
        _combine_body,
        grid=grid,
        in_specs=[
            pl.BlockSpec((E, BN), lambda i: (0, i)),
            pl.BlockSpec((BN, ER), lambda i: (i, 0)),
            pl.BlockSpec((E, ER), lambda i: (0, 0)),
            pl.BlockSpec((ER, DIM), lambda i: (0, 0)),
        ],
        out_specs=pl.BlockSpec((BN, DIM), lambda i: (i, 0)),
        out_shape=jax.ShapeDtypeStruct((n, DIM), jnp.float32),
        name="moe_combine_tc",
    )(gates_t, act, expand, w2f)

    return out.reshape(orig_shape)

# --- scband reference (transcript-rebuilt; emitter-appended) ---
"""Pipeline reference for scband-mo-elo-ra-21260088115991 (READ-ONLY COPY).

The authoritative reference and input builder live on the scoring server;
editing this copy changes nothing except your own understanding.
"""

import jax, jax.numpy as jnp
import numpy as np

E = 8
TOPK = 2
R = 8
DIM = 2048
ALPHA = 16
SCALING = ALPHA / R
B, S = 1, 2048


def setup_inputs(seed: int = 0) -> dict:
    key = jax.random.key(seed)
    k1, k2, k3, k4 = jax.random.split(key, 4)
    x = jax.random.normal(k1, (B, S, DIM), dtype=jnp.float32)
    # router gate: nn.Linear(dim, num_experts)
    Wg = jax.random.normal(k2, (E, DIM), dtype=jnp.float32) * 0.02
    bg = jnp.zeros((E,), dtype=jnp.float32)
    # per-expert LoRA weights: fc1 [r, dim], fc2 [dim, r] (torch Linear weight layout)
    W1 = jax.random.normal(k3, (E, R, DIM), dtype=jnp.float32) * 0.02
    W2 = jax.random.normal(k4, (E, DIM, R), dtype=jnp.float32) * 0.02
    return {"x": x, "Wg": Wg, "bg": bg, "W1": W1, "W2": W2}


def reference(x, Wg, bg, W1, W2):
    orig_shape = x.shape
    if x.ndim == 3:
        x_flat = x.reshape(-1, x.shape[-1])
    else:
        x_flat = x
    N = x_flat.shape[0]
    # GatingNetwork
    gate_logits = x_flat @ Wg.T + bg
    top_k_gates, top_k_indices = jax.lax.top_k(gate_logits, TOPK)
    top_k_gates = jax.nn.softmax(top_k_gates, axis=-1)
    # All expert outputs (dropout is identity in eval): scaling * fc2(gelu(fc1(x)))
    h = jnp.einsum('nd,erd->enr', x_flat, W1)
    h = jax.nn.gelu(h, approximate=False)
    expert_outputs = SCALING * jnp.einsum('enr,edr->end', h, W2)  # [E, N, dim]
    expert_out = jnp.zeros_like(x_flat)
    rows = jnp.arange(N)
    for i in range(TOPK):
        idx = top_k_indices[:, i]
        g = top_k_gates[:, i][:, None]
        selected = expert_outputs[idx, rows, :]
        expert_out = expert_out + g * selected
    return expert_out.reshape(orig_shape)

if __name__ == "__main__":
    import jax
    _d = setup_inputs()
    print(jax.jit(kernel)(*tuple(_d.values())))

</pallas_src>

<mosaic_0001>
#map = affine_map<(d0, d1) -> (0)>
module attributes {stable_mosaic.version = 14 : i64} {
  func.func @moe_route_sc(%arg0: i32, %arg1: i32, %arg2: memref<16384xf32, #tpu.memory_space<hbm>>, %arg3: memref<16384xf32, #tpu.memory_space<hbm>>, %arg4: memref<1024xf32, #tpu.memory_space<vmem>>, %arg5: memref<1024xf32, #tpu.memory_space<vmem>>, %arg6: memref<!tpu.dma_semaphore, #tpu.memory_space<semaphore_mem>>) attributes {dimension_semantics = [#tpu.dimension_semantics<core_parallel>, #tpu.dimension_semantics<subcore_parallel>], iteration_bounds = array<i64: 1, 16>, scalar_prefetch = 0 : i64, scratch_operands = 3 : i64, tpu.core_type = #tpu.core_type<sc_vector_subcore>, window_params = [{transform_indices = #map}, {transform_indices = #map}]} {
    %mul3A = arith.constant 1 : i32
    %mul3A_0 = arith.muli %arg1, %mul3A : i32
    %add3A = arith.addi %mul3A_0, %arg0 : i32
    %mul3A_1 = arith.constant 128 : i32
    %mul3A_2 = arith.muli %add3A, %mul3A_1 : i32
    %add3A_3 = arith.constant 0 : i32
    %add3A_4 = arith.addi %add3A_3, %mul3A_2 : i32
    %dma_start3A = arith.constant 0 : i32
    %dma_start3A_5 = tpu.memref_slice %arg4[%dma_start3A] : memref<1024xf32, #tpu.memory_space<vmem>> -> memref<128xf32, #tpu.memory_space<vmem>>
    %dma_start3A_6 = tpu.memref_slice %arg2[%add3A_4] : memref<16384xf32, #tpu.memory_space<hbm>> -> memref<128xf32, #tpu.memory_space<hbm>>
    %dma_start3A_7 = arith.constant 0 : i32
    %dma_start3A_8 = tpu.memref_slice %arg4[%dma_start3A_7] : memref<1024xf32, #tpu.memory_space<vmem>> -> memref<128xf32, #tpu.memory_space<vmem>>
    %dma_start3A_9 = tpu.memref_slice %arg2[%add3A_4] : memref<16384xf32, #tpu.memory_space<hbm>> -> memref<128xf32, #tpu.memory_space<hbm>>
    tpu.enqueue_dma source(%dma_start3A_9 : memref<128xf32, #tpu.memory_space<hbm>>) target(%dma_start3A_8 : memref<128xf32, #tpu.memory_space<vmem>>) target_semaphore(%arg6 : memref<!tpu.dma_semaphore, #tpu.memory_space<semaphore_mem>>)
    %add3A_10 = arith.constant 2048 : i32
    %add3A_11 = arith.addi %add3A_10, %mul3A_2 : i32
    %dma_start3A_12 = arith.constant 128 : i32
    %dma_start3A_13 = tpu.memref_slice %arg4[%dma_start3A_12] : memref<1024xf32, #tpu.memory_space<vmem>> -> memref<128xf32, #tpu.memory_space<vmem>>
    %dma_start3A_14 = tpu.memref_slice %arg2[%add3A_11] : memref<16384xf32, #tpu.memory_space<hbm>> -> memref<128xf32, #tpu.memory_space<hbm>>
    %dma_start3A_15 = arith.constant 128 : i32
    %dma_start3A_16 = tpu.memref_slice %arg4[%dma_start3A_15] : memref<1024xf32, #tpu.memory_space<vmem>> -> memref<128xf32, #tpu.memory_space<vmem>>
    %dma_start3A_17 = tpu.memref_slice %arg2[%add3A_11] : memref<16384xf32, #tpu.memory_space<hbm>> -> memref<128xf32, #tpu.memory_space<hbm>>
    tpu.enqueue_dma source(%dma_start3A_17 : memref<128xf32, #tpu.memory_space<hbm>>) target(%dma_start3A_16 : memref<128xf32, #tpu.memory_space<vmem>>) target_semaphore(%arg6 : memref<!tpu.dma_semaphore, #tpu.memory_space<semaphore_mem>>)
    %add3A_18 = arith.constant 4096 : i32
    %add3A_19 = arith.addi %add3A_18, %mul3A_2 : i32
    %dma_start3A_20 = arith.constant 256 : i32
    %dma_start3A_21 = tpu.memref_slice %arg4[%dma_start3A_20] : memref<1024xf32, #tpu.memory_space<vmem>> -> memref<128xf32, #tpu.memory_space<vmem>>
    %dma_start3A_22 = tpu.memref_slice %arg2[%add3A_19] : memref<16384xf32, #tpu.memory_space<hbm>> -> memref<128xf32, #tpu.memory_space<hbm>>
    %dma_start3A_23 = arith.constant 256 : i32
    %dma_start3A_24 = tpu.memref_slice %arg4[%dma_start3A_23] : memref<1024xf32, #tpu.memory_space<vmem>> -> memref<128xf32, #tpu.memory_space<vmem>>
    %dma_start3A_25 = tpu.memref_slice %arg2[%add3A_19] : memref<16384xf32, #tpu.memory_space<hbm>> -> memref<128xf32, #tpu.memory_space<hbm>>
    tpu.enqueue_dma source(%dma_start3A_25 : memref<128xf32, #tpu.memory_space<hbm>>) target(%dma_start3A_24 : memref<128xf32, #tpu.memory_space<vmem>>) target_semaphore(%arg6 : memref<!tpu.dma_semaphore, #tpu.memory_space<semaphore_mem>>)
    %add3A_26 = arith.constant 6144 : i32
    %add3A_27 = arith.addi %add3A_26, %mul3A_2 : i32
    %dma_start3A_28 = arith.constant 384 : i32
    %dma_start3A_29 = tpu.memref_slice %arg4[%dma_start3A_28] : memref<1024xf32, #tpu.memory_space<vmem>> -> memref<128xf32, #tpu.memory_space<vmem>>
    %dma_start3A_30 = tpu.memref_slice %arg2[%add3A_27] : memref<16384xf32, #tpu.memory_space<hbm>> -> memref<128xf32, #tpu.memory_space<hbm>>
    %dma_start3A_31 = arith.constant 384 : i32
    %dma_start3A_32 = tpu.memref_slice %arg4[%dma_start3A_31] : memref<1024xf32, #tpu.memory_space<vmem>> -> memref<128xf32, #tpu.memory_space<vmem>>
    %dma_start3A_33 = tpu.memref_slice %arg2[%add3A_27] : memref<16384xf32, #tpu.memory_space<hbm>> -> memref<128xf32, #tpu.memory_space<hbm>>
    tpu.enqueue_dma source(%dma_start3A_33 : memref<128xf32, #tpu.memory_space<hbm>>) target(%dma_start3A_32 : memref<128xf32, #tpu.memory_space<vmem>>) target_semaphore(%arg6 : memref<!tpu.dma_semaphore, #tpu.memory_space<semaphore_mem>>)
    %add3A_34 = arith.constant 8192 : i32
    %add3A_35 = arith.addi %add3A_34, %mul3A_2 : i32
    %dma_start3A_36 = arith.constant 512 : i32
    %dma_start3A_37 = tpu.memref_slice %arg4[%dma_start3A_36] : memref<1024xf32, #tpu.memory_space<vmem>> -> memref<128xf32, #tpu.memory_space<vmem>>
    %dma_start3A_38 = tpu.memref_slice %arg2[%add3A_35] : memref<16384xf32, #tpu.memory_space<hbm>> -> memref<128xf32, #tpu.memory_space<hbm>>
    %dma_start3A_39 = arith.constant 512 : i32
    %dma_start3A_40 = tpu.memref_slice %arg4[%dma_start3A_39] : memref<1024xf32, #tpu.memory_space<vmem>> -> memref<128xf32, #tpu.memory_space<vmem>>
    %dma_start3A_41 = tpu.memref_slice %arg2[%add3A_35] : memref<16384xf32, #tpu.memory_space<hbm>> -> memref<128xf32, #tpu.memory_space<hbm>>
    tpu.enqueue_dma source(%dma_start3A_41 : memref<128xf32, #tpu.memory_space<hbm>>) target(%dma_start3A_40 : memref<128xf32, #tpu.memory_space<vmem>>) target_semaphore(%arg6 : memref<!tpu.dma_semaphore, #tpu.memory_space<semaphore_mem>>)
    %add3A_42 = arith.constant 10240 : i32
    %add3A_43 = arith.addi %add3A_42, %mul3A_2 : i32
    %dma_start3A_44 = arith.constant 640 : i32
    %dma_start3A_45 = tpu.memref_slice %arg4[%dma_start3A_44] : memref<1024xf32, #tpu.memory_space<vmem>> -> memref<128xf32, #tpu.memory_space<vmem>>
    %dma_start3A_46 = tpu.memref_slice %arg2[%add3A_43] : memref<16384xf32, #tpu.memory_space<hbm>> -> memref<128xf32, #tpu.memory_space<hbm>>
    %dma_start3A_47 = arith.constant 640 : i32
    %dma_start3A_48 = tpu.memref_slice %arg4[%dma_start3A_47] : memref<1024xf32, #tpu.memory_space<vmem>> -> memref<128xf32, #tpu.memory_space<vmem>>
    %dma_start3A_49 = tpu.memref_slice %arg2[%add3A_43] : memref<16384xf32, #tpu.memory_space<hbm>> -> memref<128xf32, #tpu.memory_space<hbm>>
    tpu.enqueue_dma source(%dma_start3A_49 : memref<128xf32, #tpu.memory_space<hbm>>) target(%dma_start3A_48 : memref<128xf32, #tpu.memory_space<vmem>>) target_semaphore(%arg6 : memref<!tpu.dma_semaphore, #tpu.memory_space<semaphore_mem>>)
    %add3A_50 = arith.constant 12288 : i32
    %add3A_51 = arith.addi %add3A_50, %mul3A_2 : i32
    %dma_start3A_52 = arith.constant 768 : i32
    %dma_start3A_53 = tpu.memref_slice %arg4[%dma_start3A_52] : memref<1024xf32, #tpu.memory_space<vmem>> -> memref<128xf32, #tpu.memory_space<vmem>>
    %dma_start3A_54 = tpu.memref_slice %arg2[%add3A_51] : memref<16384xf32, #tpu.memory_space<hbm>> -> memref<128xf32, #tpu.memory_space<hbm>>
    %dma_start3A_55 = arith.constant 768 : i32
    %dma_start3A_56 = tpu.memref_slice %arg4[%dma_start3A_55] : memref<1024xf32, #tpu.memory_space<vmem>> -> memref<128xf32, #tpu.memory_space<vmem>>
    %dma_start3A_57 = tpu.memref_slice %arg2[%add3A_51] : memref<16384xf32, #tpu.memory_space<hbm>> -> memref<128xf32, #tpu.memory_space<hbm>>
    tpu.enqueue_dma source(%dma_start3A_57 : memref<128xf32, #tpu.memory_space<hbm>>) target(%dma_start3A_56 : memref<128xf32, #tpu.memory_space<vmem>>) target_semaphore(%arg6 : memref<!tpu.dma_semaphore, #tpu.memory_space<semaphore_mem>>)
    %add3A_58 = arith.constant 14336 : i32
    %add3A_59 = arith.addi %add3A_58, %mul3A_2 : i32
    %dma_start3A_60 = arith.constant 896 : i32
    %dma_start3A_61 = tpu.memref_slice %arg4[%dma_start3A_60] : memref<1024xf32, #tpu.memory_space<vmem>> -> memref<128xf32, #tpu.memory_space<vmem>>
    %dma_start3A_62 = tpu.memref_slice %arg2[%add3A_59] : memref<16384xf32, #tpu.memory_space<hbm>> -> memref<128xf32, #tpu.memory_space<hbm>>
    %dma_start3A_63 = arith.constant 896 : i32
    %dma_start3A_64 = tpu.memref_slice %arg4[%dma_start3A_63] : memref<1024xf32, #tpu.memory_space<vmem>> -> memref<128xf32, #tpu.memory_space<vmem>>
    %dma_start3A_65 = tpu.memref_slice %arg2[%add3A_59] : memref<16384xf32, #tpu.memory_space<hbm>> -> memref<128xf32, #tpu.memory_space<hbm>>
    tpu.enqueue_dma source(%dma_start3A_65 : memref<128xf32, #tpu.memory_space<hbm>>) target(%dma_start3A_64 : memref<128xf32, #tpu.memory_space<vmem>>) target_semaphore(%arg6 : memref<!tpu.dma_semaphore, #tpu.memory_space<semaphore_mem>>)
    %dma_wait3A = arith.constant 0 : i32
    %dma_wait3A_66 = tpu.memref_slice %arg4[%dma_wait3A] : memref<1024xf32, #tpu.memory_space<vmem>> -> memref<128xf32, #tpu.memory_space<vmem>>
    %dma_wait3A_67 = tpu.memref_slice %arg2[%add3A_4] : memref<16384xf32, #tpu.memory_space<hbm>> -> memref<128xf32, #tpu.memory_space<hbm>>
    %dma_wait3A_68 = arith.constant 0 : i32
    %dma_wait3A_69 = tpu.memref_slice %arg4[%dma_wait3A_68] : memref<1024xf32, #tpu.memory_space<vmem>> -> memref<128xf32, #tpu.memory_space<vmem>>
    %dma_wait3A_70 = tpu.memref_slice %arg2[%add3A_4] : memref<16384xf32, #tpu.memory_space<hbm>> -> memref<128xf32, #tpu.memory_space<hbm>>
    tpu.wait_dma2 semaphore(%arg6 : memref<!tpu.dma_semaphore, #tpu.memory_space<semaphore_mem>>) src(%dma_wait3A_70 : memref<128xf32, #tpu.memory_space<hbm>>) dst(%dma_wait3A_69 : memref<128xf32, #tpu.memory_space<vmem>>)
    %dma_wait3A_71 = arith.constant 128 : i32
    %dma_wait3A_72 = tpu.memref_slice %arg4[%dma_wait3A_71] : memref<1024xf32, #tpu.memory_space<vmem>> -> memref<128xf32, #tpu.memory_space<vmem>>
    %dma_wait3A_73 = tpu.memref_slice %arg2[%add3A_11] : memref<16384xf32, #tpu.memory_space<hbm>> -> memref<128xf32, #tpu.memory_space<hbm>>
    %dma_wait3A_74 = arith.constant 128 : i32
    %dma_wait3A_75 = tpu.memref_slice %arg4[%dma_wait3A_74] : memref<1024xf32, #tpu.memory_space<vmem>> -> memref<128xf32, #tpu.memory_space<vmem>>
    %dma_wait3A_76 = tpu.memref_slice %arg2[%add3A_11] : memref<16384xf32, #tpu.memory_space<hbm>> -> memref<128xf32, #tpu.memory_space<hbm>>
    tpu.wait_dma2 semaphore(%arg6 : memref<!tpu.dma_semaphore, #tpu.memory_space<semaphore_mem>>) src(%dma_wait3A_76 : memref<128xf32, #tpu.memory_space<hbm>>) dst(%dma_wait3A_75 : memref<128xf32, #tpu.memory_space<vmem>>)
    %dma_wait3A_77 = arith.constant 256 : i32
    %dma_wait3A_78 = tpu.memref_slice %arg4[%dma_wait3A_77] : memref<1024xf32, #tpu.memory_space<vmem>> -> memref<128xf32, #tpu.memory_space<vmem>>
    %dma_wait3A_79 = tpu.memref_slice %arg2[%add3A_19] : memref<16384xf32, #tpu.memory_space<hbm>> -> memref<128xf32, #tpu.memory_space<hbm>>
    %dma_wait3A_80 = arith.constant 256 : i32
    %dma_wait3A_81 = tpu.memref_slice %arg4[%dma_wait3A_80] : memref<1024xf32, #tpu.memory_space<vmem>> -> memref<128xf32, #tpu.memory_space<vmem>>
    %dma_wait3A_82 = tpu.memref_slice %arg2[%add3A_19] : memref<16384xf32, #tpu.memory_space<hbm>> -> memref<128xf32, #tpu.memory_space<hbm>>
    tpu.wait_dma2 semaphore(%arg6 : memref<!tpu.dma_semaphore, #tpu.memory_space<semaphore_mem>>) src(%dma_wait3A_82 : memref<128xf32, #tpu.memory_space<hbm>>) dst(%dma_wait3A_81 : memref<128xf32, #tpu.memory_space<vmem>>)
    %dma_wait3A_83 = arith.constant 384 : i32
    %dma_wait3A_84 = tpu.memref_slice %arg4[%dma_wait3A_83] : memref<1024xf32, #tpu.memory_space<vmem>> -> memref<128xf32, #tpu.memory_space<vmem>>
    %dma_wait3A_85 = tpu.memref_slice %arg2[%add3A_27] : memref<16384xf32, #tpu.memory_space<hbm>> -> memref<128xf32, #tpu.memory_space<hbm>>
    %dma_wait3A_86 = arith.constant 384 : i32
    %dma_wait3A_87 = tpu.memref_slice %arg4[%dma_wait3A_86] : memref<1024xf32, #tpu.memory_space<vmem>> -> memref<128xf32, #tpu.memory_space<vmem>>
    %dma_wait3A_88 = tpu.memref_slice %arg2[%add3A_27] : memref<16384xf32, #tpu.memory_space<hbm>> -> memref<128xf32, #tpu.memory_space<hbm>>
    tpu.wait_dma2 semaphore(%arg6 : memref<!tpu.dma_semaphore, #tpu.memory_space<semaphore_mem>>) src(%dma_wait3A_88 : memref<128xf32, #tpu.memory_space<hbm>>) dst(%dma_wait3A_87 : memref<128xf32, #tpu.memory_space<vmem>>)
    %dma_wait3A_89 = arith.constant 512 : i32
    %dma_wait3A_90 = tpu.memref_slice %arg4[%dma_wait3A_89] : memref<1024xf32, #tpu.memory_space<vmem>> -> memref<128xf32, #tpu.memory_space<vmem>>
    %dma_wait3A_91 = tpu.memref_slice %arg2[%add3A_35] : memref<16384xf32, #tpu.memory_space<hbm>> -> memref<128xf32, #tpu.memory_space<hbm>>
    %dma_wait3A_92 = arith.constant 512 : i32
    %dma_wait3A_93 = tpu.memref_slice %arg4[%dma_wait3A_92] : memref<1024xf32, #tpu.memory_space<vmem>> -> memref<128xf32, #tpu.memory_space<vmem>>
    %dma_wait3A_94 = tpu.memref_slice %arg2[%add3A_35] : memref<16384xf32, #tpu.memory_space<hbm>> -> memref<128xf32, #tpu.memory_space<hbm>>
    tpu.wait_dma2 semaphore(%arg6 : memref<!tpu.dma_semaphore, #tpu.memory_space<semaphore_mem>>) src(%dma_wait3A_94 : memref<128xf32, #tpu.memory_space<hbm>>) dst(%dma_wait3A_93 : memref<128xf32, #tpu.memory_space<vmem>>)
    %dma_wait3A_95 = arith.constant 640 : i32
    %dma_wait3A_96 = tpu.memref_slice %arg4[%dma_wait3A_95] : memref<1024xf32, #tpu.memory_space<vmem>> -> memref<128xf32, #tpu.memory_space<vmem>>
    %dma_wait3A_97 = tpu.memref_slice %arg2[%add3A_43] : memref<16384xf32, #tpu.memory_space<hbm>> -> memref<128xf32, #tpu.memory_space<hbm>>
    %dma_wait3A_98 = arith.constant 640 : i32
    %dma_wait3A_99 = tpu.memref_slice %arg4[%dma_wait3A_98] : memref<1024xf32, #tpu.memory_space<vmem>> -> memref<128xf32, #tpu.memory_space<vmem>>
    %dma_wait3A_100 = tpu.memref_slice %arg2[%add3A_43] : memref<16384xf32, #tpu.memory_space<hbm>> -> memref<128xf32, #tpu.memory_space<hbm>>
    tpu.wait_dma2 semaphore(%arg6 : memref<!tpu.dma_semaphore, #tpu.memory_space<semaphore_mem>>) src(%dma_wait3A_100 : memref<128xf32, #tpu.memory_space<hbm>>) dst(%dma_wait3A_99 : memref<128xf32, #tpu.memory_space<vmem>>)
    %dma_wait3A_101 = arith.constant 768 : i32
    %dma_wait3A_102 = tpu.memref_slice %arg4[%dma_wait3A_101] : memref<1024xf32, #tpu.memory_space<vmem>> -> memref<128xf32, #tpu.memory_space<vmem>>
    %dma_wait3A_103 = tpu.memref_slice %arg2[%add3A_51] : memref<16384xf32, #tpu.memory_space<hbm>> -> memref<128xf32, #tpu.memory_space<hbm>>
    %dma_wait3A_104 = arith.constant 768 : i32
    %dma_wait3A_105 = tpu.memref_slice %arg4[%dma_wait3A_104] : memref<1024xf32, #tpu.memory_space<vmem>> -> memref<128xf32, #tpu.memory_space<vmem>>
    %dma_wait3A_106 = tpu.memref_slice %arg2[%add3A_51] : memref<16384xf32, #tpu.memory_space<hbm>> -> memref<128xf32, #tpu.memory_space<hbm>>
    tpu.wait_dma2 semaphore(%arg6 : memref<!tpu.dma_semaphore, #tpu.memory_space<semaphore_mem>>) src(%dma_wait3A_106 : memref<128xf32, #tpu.memory_space<hbm>>) dst(%dma_wait3A_105 : memref<128xf32, #tpu.memory_space<vmem>>)
    %dma_wait3A_107 = arith.constant 896 : i32
    %dma_wait3A_108 = tpu.memref_slice %arg4[%dma_wait3A_107] : memref<1024xf32, #tpu.memory_space<vmem>> -> memref<128xf32, #tpu.memory_space<vmem>>
    %dma_wait3A_109 = tpu.memref_slice %arg2[%add3A_59] : memref<16384xf32, #tpu.memory_space<hbm>> -> memref<128xf32, #tpu.memory_space<hbm>>
    %dma_wait3A_110 = arith.constant 896 : i32
    %dma_wait3A_111 = tpu.memref_slice %arg4[%dma_wait3A_110] : memref<1024xf32, #tpu.memory_space<vmem>> -> memref<128xf32, #tpu.memory_space<vmem>>
    %dma_wait3A_112 = tpu.memref_slice %arg2[%add3A_59] : memref<16384xf32, #tpu.memory_space<hbm>> -> memref<128xf32, #tpu.memory_space<hbm>>
    tpu.wait_dma2 semaphore(%arg6 : memref<!tpu.dma_semaphore, #tpu.memory_space<semaphore_mem>>) src(%dma_wait3A_112 : memref<128xf32, #tpu.memory_space<hbm>>) dst(%dma_wait3A_111 : memref<128xf32, #tpu.memory_space<vmem>>)
    %get3A = arith.constant 0 : index
    %get3A_113 = tpu.vector_load %arg4[%get3A] {strides = array<i32>} : memref<1024xf32, #tpu.memory_space<vmem>>, vector<16xf32>,
    %get3A_114 = vector.shape_cast %get3A_113 : vector<16xf32> to vector<16xf32>
    %get3A_115 = arith.constant 128 : index
    %get3A_116 = tpu.vector_load %arg4[%get3A_115] {strides = array<i32>} : memref<1024xf32, #tpu.memory_space<vmem>>, vector<16xf32>,
    %get3A_117 = vector.shape_cast %get3A_116 : vector<16xf32> to vector<16xf32>
    %get3A_118 = arith.constant 256 : index
    %get3A_119 = tpu.vector_load %arg4[%get3A_118] {strides = array<i32>} : memref<1024xf32, #tpu.memory_space<vmem>>, vector<16xf32>,
    %get3A_120 = vector.shape_cast %get3A_119 : vector<16xf32> to vector<16xf32>
    %get3A_121 = arith.constant 384 : index
    %get3A_122 = tpu.vector_load %arg4[%get3A_121] {strides = array<i32>} : memref<1024xf32, #tpu.memory_space<vmem>>, vector<16xf32>,
    %get3A_123 = vector.shape_cast %get3A_122 : vector<16xf32> to vector<16xf32>
    %get3A_124 = arith.constant 512 : index
    %get3A_125 = tpu.vector_load %arg4[%get3A_124] {strides = array<i32>} : memref<1024xf32, #tpu.memory_space<vmem>>, vector<16xf32>,
    %get3A_126 = vector.shape_cast %get3A_125 : vector<16xf32> to vector<16xf32>
    %get3A_127 = arith.constant 640 : index
    %get3A_128 = tpu.vector_load %arg4[%get3A_127] {strides = array<i32>} : memref<1024xf32, #tpu.memory_space<vmem>>, vector<16xf32>,
    %get3A_129 = vector.shape_cast %get3A_128 : vector<16xf32> to vector<16xf32>
    %get3A_130 = arith.constant 768 : index
    %get3A_131 = tpu.vector_load %arg4[%get3A_130] {strides = array<i32>} : memref<1024xf32, #tpu.memory_space<vmem>>, vector<16xf32>,
    %get3A_132 = vector.shape_cast %get3A_131 : vector<16xf32> to vector<16xf32>
    %get3A_133 = arith.constant 896 : index
    %get3A_134 = tpu.vector_load %arg4[%get3A_133] {strides = array<i32>} : memref<1024xf32, #tpu.memory_space<vmem>>, vector<16xf32>,
    %get3A_135 = vector.shape_cast %get3A_134 : vector<16xf32> to vector<16xf32>
    %max3A = arith.maximumf %get3A_114, %get3A_117 : vector<16xf32>
    %max3A_136 = arith.maximumf %max3A, %get3A_120 : vector<16xf32>
    %max3A_137 = arith.maximumf %max3A_136, %get3A_123 : vector<16xf32>
    %max3A_138 = arith.maximumf %max3A_137, %get3A_126 : vector<16xf32>
    %max3A_139 = arith.maximumf %max3A_138, %get3A_129 : vector<16xf32>
    %max3A_140 = arith.maximumf %max3A_139, %get3A_132 : vector<16xf32>
    %max3A_141 = arith.maximumf %max3A_140, %get3A_135 : vector<16xf32>
    %broadcast_in_dim3A = arith.constant 8 : i32
    %broadcast_in_dim3A_142 = vector.broadcast %broadcast_in_dim3A : i32 to vector<16xi32>
    %eq3A = arith.cmpf oeq, %get3A_135, %max3A_141 : vector<16xf32>
    %jit3A = arith.constant 7 : i32
    %broadcast_in_dim3A_143 = vector.broadcast %jit3A : i32 to vector<16xi32>
    %select_n3A = arith.select %eq3A, %broadcast_in_dim3A_143, %broadcast_in_dim3A_142 : vector<16xi1>, vector<16xi32>
    %eq3A_144 = arith.cmpf oeq, %get3A_132, %max3A_141 : vector<16xf32>
    %jit3A_145 = arith.constant 6 : i32
    %broadcast_in_dim3A_146 = vector.broadcast %jit3A_145 : i32 to vector<16xi32>
    %select_n3A_147 = arith.select %eq3A_144, %broadcast_in_dim3A_146, %select_n3A : vector<16xi1>, vector<16xi32>
    %eq3A_148 = arith.cmpf oeq, %get3A_129, %max3A_141 : vector<16xf32>
    %jit3A_149 = arith.constant 5 : i32
    %broadcast_in_dim3A_150 = vector.broadcast %jit3A_149 : i32 to vector<16xi32>
    %select_n3A_151 = arith.select %eq3A_148, %broadcast_in_dim3A_150, %select_n3A_147 : vector<16xi1>, vector<16xi32>
    %eq3A_152 = arith.cmpf oeq, %get3A_126, %max3A_141 : vector<16xf32>
    %jit3A_153 = arith.constant 4 : i32
    %broadcast_in_dim3A_154 = vector.broadcast %jit3A_153 : i32 to vector<16xi32>
    %select_n3A_155 = arith.select %eq3A_152, %broadcast_in_dim3A_154, %select_n3A_151 : vector<16xi1>, vector<16xi32>
    %eq3A_156 = arith.cmpf oeq, %get3A_123, %max3A_141 : vector<16xf32>
    %jit3A_157 = arith.constant 3 : i32
    %broadcast_in_dim3A_158 = vector.broadcast %jit3A_157 : i32 to vector<16xi32>
    %select_n3A_159 = arith.select %eq3A_156, %broadcast_in_dim3A_158, %select_n3A_155 : vector<16xi1>, vector<16xi32>
    %eq3A_160 = arith.cmpf oeq, %get3A_120, %max3A_141 : vector<16xf32>
    %jit3A_161 = arith.constant 2 : i32
    %broadcast_in_dim3A_162 = vector.broadcast %jit3A_161 : i32 to vector<16xi32>
    %select_n3A_163 = arith.select %eq3A_160, %broadcast_in_dim3A_162, %select_n3A_159 : vector<16xi1>, vector<16xi32>
    %eq3A_164 = arith.cmpf oeq, %get3A_117, %max3A_141 : vector<16xf32>
    %jit3A_165 = arith.constant 1 : i32
    %broadcast_in_dim3A_166 = vector.broadcast %jit3A_165 : i32 to vector<16xi32>
    %select_n3A_167 = arith.select %eq3A_164, %broadcast_in_dim3A_166, %select_n3A_163 : vector<16xi1>, vector<16xi32>
    %eq3A_168 = arith.cmpf oeq, %get3A_114, %max3A_141 : vector<16xf32>
    %jit3A_169 = arith.constant 0 : i32
    %broadcast_in_dim3A_170 = vector.broadcast %jit3A_169 : i32 to vector<16xi32>
    %select_n3A_171 = arith.select %eq3A_168, %broadcast_in_dim3A_170, %select_n3A_167 : vector<16xi1>, vector<16xi32>
    %eq3A_172 = arith.constant 0 : i32
    %eq3A_173 = vector.broadcast %eq3A_172 : i32 to vector<16xi32>
    %eq3A_174 = arith.cmpi eq, %select_n3A_171, %eq3A_173 : vector<16xi32>
    %jit3A_175 = arith.constant 0xFF800000 : f32
    %broadcast_in_dim3A_176 = vector.broadcast %jit3A_175 : f32 to vector<16xf32>
    %select_n3A_177 = arith.select %eq3A_174, %broadcast_in_dim3A_176, %get3A_114 : vector<16xi1>, vector<16xf32>
    %eq3A_178 = arith.constant 1 : i32
    %eq3A_179 = vector.broadcast %eq3A_178 : i32 to vector<16xi32>
    %eq3A_180 = arith.cmpi eq, %select_n3A_171, %eq3A_179 : vector<16xi32>
    %jit3A_181 = arith.constant 0xFF800000 : f32
    %broadcast_in_dim3A_182 = vector.broadcast %jit3A_181 : f32 to vector<16xf32>
    %select_n3A_183 = arith.select %eq3A_180, %broadcast_in_dim3A_182, %get3A_117 : vector<16xi1>, vector<16xf32>
    %max3A_184 = arith.maximumf %select_n3A_177, %select_n3A_183 : vector<16xf32>
    %eq3A_185 = arith.constant 2 : i32
    %eq3A_186 = vector.broadcast %eq3A_185 : i32 to vector<16xi32>
    %eq3A_187 = arith.cmpi eq, %select_n3A_171, %eq3A_186 : vector<16xi32>
    %jit3A_188 = arith.constant 0xFF800000 : f32
    %broadcast_in_dim3A_189 = vector.broadcast %jit3A_188 : f32 to vector<16xf32>
    %select_n3A_190 = arith.select %eq3A_187, %broadcast_in_dim3A_189, %get3A_120 : vector<16xi1>, vector<16xf32>
    %max3A_191 = arith.maximumf %max3A_184, %select_n3A_190 : vector<16xf32>
    %eq3A_192 = arith.constant 3 : i32
    %eq3A_193 = vector.broadcast %eq3A_192 : i32 to vector<16xi32>
    %eq3A_194 = arith.cmpi eq, %select_n3A_171, %eq3A_193 : vector<16xi32>
    %jit3A_195 = arith.constant 0xFF800000 : f32
    %broadcast_in_dim3A_196 = vector.broadcast %jit3A_195 : f32 to vector<16xf32>
    %select_n3A_197 = arith.select %eq3A_194, %broadcast_in_dim3A_196, %get3A_123 : vector<16xi1>, vector<16xf32>
    %max3A_198 = arith.maximumf %max3A_191, %select_n3A_197 : vector<16xf32>
    %eq3A_199 = arith.constant 4 : i32
    %eq3A_200 = vector.broadcast %eq3A_199 : i32 to vector<16xi32>
    %eq3A_201 = arith.cmpi eq, %select_n3A_171, %eq3A_200 : vector<16xi32>
    %jit3A_202 = arith.constant 0xFF800000 : f32
    %broadcast_in_dim3A_203 = vector.broadcast %jit3A_202 : f32 to vector<16xf32>
    %select_n3A_204 = arith.select %eq3A_201, %broadcast_in_dim3A_203, %get3A_126 : vector<16xi1>, vector<16xf32>
    %max3A_205 = arith.maximumf %max3A_198, %select_n3A_204 : vector<16xf32>
    %eq3A_206 = arith.constant 5 : i32
    %eq3A_207 = vector.broadcast %eq3A_206 : i32 to vector<16xi32>
    %eq3A_208 = arith.cmpi eq, %select_n3A_171, %eq3A_207 : vector<16xi32>
    %jit3A_209 = arith.constant 0xFF800000 : f32
    %broadcast_in_dim3A_210 = vector.broadcast %jit3A_209 : f32 to vector<16xf32>
    %select_n3A_211 = arith.select %eq3A_208, %broadcast_in_dim3A_210, %get3A_129 : vector<16xi1>, vector<16xf32>
    %max3A_212 = arith.maximumf %max3A_205, %select_n3A_211 : vector<16xf32>
    %eq3A_213 = arith.constant 6 : i32
    %eq3A_214 = vector.broadcast %eq3A_213 : i32 to vector<16xi32>
    %eq3A_215 = arith.cmpi eq, %select_n3A_171, %eq3A_214 : vector<16xi32>
    %jit3A_216 = arith.constant 0xFF800000 : f32
    %broadcast_in_dim3A_217 = vector.broadcast %jit3A_216 : f32 to vector<16xf32>
    %select_n3A_218 = arith.select %eq3A_215, %broadcast_in_dim3A_217, %get3A_132 : vector<16xi1>, vector<16xf32>
    %max3A_219 = arith.maximumf %max3A_212, %select_n3A_218 : vector<16xf32>
    %eq3A_220 = arith.constant 7 : i32
    %eq3A_221 = vector.broadcast %eq3A_220 : i32 to vector<16xi32>
    %eq3A_222 = arith.cmpi eq, %select_n3A_171, %eq3A_221 : vector<16xi32>
    %jit3A_223 = arith.constant 0xFF800000 : f32
    %broadcast_in_dim3A_224 = vector.broadcast %jit3A_223 : f32 to vector<16xf32>
    %select_n3A_225 = arith.select %eq3A_222, %broadcast_in_dim3A_224, %get3A_135 : vector<16xi1>, vector<16xf32>
    %max3A_226 = arith.maximumf %max3A_219, %select_n3A_225 : vector<16xf32>
    %broadcast_in_dim3A_227 = arith.constant 8 : i32
    %broadcast_in_dim3A_228 = vector.broadcast %broadcast_in_dim3A_227 : i32 to vector<16xi32>
    %eq3A_229 = arith.cmpf oeq, %get3A_135, %max3A_226 : vector<16xf32>
    %ne3A = arith.constant 7 : i32
    %ne3A_230 = vector.broadcast %ne3A : i32 to vector<16xi32>
    %ne3A_231 = arith.cmpi ne, %select_n3A_171, %ne3A_230 : vector<16xi32>
    %and3A = arith.andi %eq3A_229, %ne3A_231 : vector<16xi1>
    %jit3A_232 = arith.constant 7 : i32
    %broadcast_in_dim3A_233 = vector.broadcast %jit3A_232 : i32 to vector<16xi32>
    %select_n3A_234 = arith.select %and3A, %broadcast_in_dim3A_233, %broadcast_in_dim3A_228 : vector<16xi1>, vector<16xi32>
    %eq3A_235 = arith.cmpf oeq, %get3A_132, %max3A_226 : vector<16xf32>
    %ne3A_236 = arith.constant 6 : i32
    %ne3A_237 = vector.broadcast %ne3A_236 : i32 to vector<16xi32>
    %ne3A_238 = arith.cmpi ne, %select_n3A_171, %ne3A_237 : vector<16xi32>
    %and3A_239 = arith.andi %eq3A_235, %ne3A_238 : vector<16xi1>
    %jit3A_240 = arith.constant 6 : i32
    %broadcast_in_dim3A_241 = vector.broadcast %jit3A_240 : i32 to vector<16xi32>
    %select_n3A_242 = arith.select %and3A_239, %broadcast_in_dim3A_241, %select_n3A_234 : vector<16xi1>, vector<16xi32>
    %eq3A_243 = arith.cmpf oeq, %get3A_129, %max3A_226 : vector<16xf32>
    %ne3A_244 = arith.constant 5 : i32
    %ne3A_245 = vector.broadcast %ne3A_244 : i32 to vector<16xi32>
    %ne3A_246 = arith.cmpi ne, %select_n3A_171, %ne3A_245 : vector<16xi32>
    %and3A_247 = arith.andi %eq3A_243, %ne3A_246 : vector<16xi1>
    %jit3A_248 = arith.constant 5 : i32
    %broadcast_in_dim3A_249 = vector.broadcast %jit3A_248 : i32 to vector<16xi32>
    %select_n3A_250 = arith.select %and3A_247, %broadcast_in_dim3A_249, %select_n3A_242 : vector<16xi1>, vector<16xi32>
    %eq3A_251 = arith.cmpf oeq, %get3A_126, %max3A_226 : vector<16xf32>
    %ne3A_252 = arith.constant 4 : i32
    %ne3A_253 = vector.broadcast %ne3A_252 : i32 to vector<16xi32>
    %ne3A_254 = arith.cmpi ne, %select_n3A_171, %ne3A_253 : vector<16xi32>
    %and3A_255 = arith.andi %eq3A_251, %ne3A_254 : vector<16xi1>
    %jit3A_256 = arith.constant 4 : i32
    %broadcast_in_dim3A_257 = vector.broadcast %jit3A_256 : i32 to vector<16xi32>
    %select_n3A_258 = arith.select %and3A_255, %broadcast_in_dim3A_257, %select_n3A_250 : vector<16xi1>, vector<16xi32>
    %eq3A_259 = arith.cmpf oeq, %get3A_123, %max3A_226 : vector<16xf32>
    %ne3A_260 = arith.constant 3 : i32
    %ne3A_261 = vector.broadcast %ne3A_260 : i32 to vector<16xi32>
    %ne3A_262 = arith.cmpi ne, %select_n3A_171, %ne3A_261 : vector<16xi32>
    %and3A_263 = arith.andi %eq3A_259, %ne3A_262 : vector<16xi1>
    %jit3A_264 = arith.constant 3 : i32
    %broadcast_in_dim3A_265 = vector.broadcast %jit3A_264 : i32 to vector<16xi32>
    %select_n3A_266 = arith.select %and3A_263, %broadcast_in_dim3A_265, %select_n3A_258 : vector<16xi1>, vector<16xi32>
    %eq3A_267 = arith.cmpf oeq, %get3A_120, %max3A_226 : vector<16xf32>
    %ne3A_268 = arith.constant 2 : i32
    %ne3A_269 = vector.broadcast %ne3A_268 : i32 to vector<16xi32>
    %ne3A_270 = arith.cmpi ne, %select_n3A_171, %ne3A_269 : vector<16xi32>
    %and3A_271 = arith.andi %eq3A_267, %ne3A_270 : vector<16xi1>
    %jit3A_272 = arith.constant 2 : i32
    %broadcast_in_dim3A_273 = vector.broadcast %jit3A_272 : i32 to vector<16xi32>
    %select_n3A_274 = arith.select %and3A_271, %broadcast_in_dim3A_273, %select_n3A_266 : vector<16xi1>, vector<16xi32>
    %eq3A_275 = arith.cmpf oeq, %get3A_117, %max3A_226 : vector<16xf32>
    %ne3A_276 = arith.constant 1 : i32
    %ne3A_277 = vector.broadcast %ne3A_276 : i32 to vector<16xi32>
    %ne3A_278 = arith.cmpi ne, %select_n3A_171, %ne3A_277 : vector<16xi32>
    %and3A_279 = arith.andi %eq3A_275, %ne3A_278 : vector<16xi1>
    %jit3A_280 = arith.constant 1 : i32
    %broadcast_in_dim3A_281 = vector.broadcast %jit3A_280 : i32 to vector<16xi32>
    %select_n3A_282 = arith.select %and3A_279, %broadcast_in_dim3A_281, %select_n3A_274 : vector<16xi1>, vector<16xi32>
    %eq3A_283 = arith.cmpf oeq, %get3A_114, %max3A_226 : vector<16xf32>
    %ne3A_284 = arith.constant 0 : i32
    %ne3A_285 = vector.broadcast %ne3A_284 : i32 to vector<16xi32>
    %ne3A_286 = arith.cmpi ne, %select_n3A_171, %ne3A_285 : vector<16xi32>
    %and3A_287 = arith.andi %eq3A_283, %ne3A_286 : vector<16xi1>
    %jit3A_288 = arith.constant 0 : i32
    %broadcast_in_dim3A_289 = vector.broadcast %jit3A_288 : i32 to vector<16xi32>
    %select_n3A_290 = arith.select %and3A_287, %broadcast_in_dim3A_289, %select_n3A_282 : vector<16xi1>, vector<16xi32>
    %sub3A = arith.subf %max3A_226, %max3A_141 : vector<16xf32>
    %exp3A = math.exp %sub3A : vector<16xf32>
    %add3A_291 = arith.constant 1.000000e+00 : f32
    %add3A_292 = vector.broadcast %add3A_291 : f32 to vector<16xf32>
    %add3A_293 = arith.addf %add3A_292, %exp3A : vector<16xf32>
    %div3A = arith.constant 1.000000e+00 : f32
    %div3A_294 = vector.broadcast %div3A : f32 to vector<16xf32>
    %div3A_295 = arith.divf %div3A_294, %add3A_293 : vector<16xf32>
    %sub3A_296 = arith.constant 1.000000e+00 : f32
    %sub3A_297 = vector.broadcast %sub3A_296 : f32 to vector<16xf32>
    %sub3A_298 = arith.subf %sub3A_297, %div3A_295 : vector<16xf32>
    %eq3A_299 = arith.constant 0 : i32
    %eq3A_300 = vector.broadcast %eq3A_299 : i32 to vector<16xi32>
    %eq3A_301 = arith.cmpi eq, %select_n3A_171, %eq3A_300 : vector<16xi32>
    %eq3A_302 = arith.constant 0 : i32
    %eq3A_303 = vector.broadcast %eq3A_302 : i32 to vector<16xi32>
    %eq3A_304 = arith.cmpi eq, %select_n3A_290, %eq3A_303 : vector<16xi32>
    %jit3A_305 = arith.constant 0.000000e+00 : f32
    %broadcast_in_dim3A_306 = vector.broadcast %jit3A_305 : f32 to vector<16xf32>
    %select_n3A_307 = arith.select %eq3A_304, %sub3A_298, %broadcast_in_dim3A_306 : vector<16xi1>, vector<16xf32>
    %select_n3A_308 = arith.select %eq3A_301, %div3A_295, %select_n3A_307 : vector<16xi1>, vector<16xf32>
    %swap3A = arith.constant 0 : index
    %swap3A_309 = tpu.vector_load %arg5[%swap3A] {strides = array<i32>} : memref<1024xf32, #tpu.memory_space<vmem>>, vector<16xf32>,
    %swap3A_310 = vector.shape_cast %swap3A_309 : vector<16xf32> to vector<16xf32>
    %swap3A_311 = vector.shape_cast %select_n3A_308 : vector<16xf32> to vector<16xf32>
    tpu.vector_store %arg5[%swap3A], %swap3A_311 {strides = array<i32>} : memref<1024xf32, #tpu.memory_space<vmem>>, vector<16xf32>,
    %eq3A_312 = arith.constant 1 : i32
    %eq3A_313 = vector.broadcast %eq3A_312 : i32 to vector<16xi32>
    %eq3A_314 = arith.cmpi eq, %select_n3A_171, %eq3A_313 : vector<16xi32>
    %eq3A_315 = arith.constant 1 : i32
    %eq3A_316 = vector.broadcast %eq3A_315 : i32 to vector<16xi32>
    %eq3A_317 = arith.cmpi eq, %select_n3A_290, %eq3A_316 : vector<16xi32>
    %jit3A_318 = arith.constant 0.000000e+00 : f32
    %broadcast_in_dim3A_319 = vector.broadcast %jit3A_318 : f32 to vector<16xf32>
    %select_n3A_320 = arith.select %eq3A_317, %sub3A_298, %broadcast_in_dim3A_319 : vector<16xi1>, vector<16xf32>
    %select_n3A_321 = arith.select %eq3A_314, %div3A_295, %select_n3A_320 : vector<16xi1>, vector<16xf32>
    %swap3A_322 = arith.constant 128 : index
    %swap3A_323 = tpu.vector_load %arg5[%swap3A_322] {strides = array<i32>} : memref<1024xf32, #tpu.memory_space<vmem>>, vector<16xf32>,
    %swap3A_324 = vector.shape_cast %swap3A_323 : vector<16xf32> to vector<16xf32>
    %swap3A_325 = vector.shape_cast %select_n3A_321 : vector<16xf32> to vector<16xf32>
    tpu.vector_store %arg5[%swap3A_322], %swap3A_325 {strides = array<i32>} : memref<1024xf32, #tpu.memory_space<vmem>>, vector<16xf32>,
    %eq3A_326 = arith.constant 2 : i32
    %eq3A_327 = vector.broadcast %eq3A_326 : i32 to vector<16xi32>
    %eq3A_328 = arith.cmpi eq, %select_n3A_171, %eq3A_327 : vector<16xi32>
    %eq3A_329 = arith.constant 2 : i32
    %eq3A_330 = vector.broadcast %eq3A_329 : i32 to vector<16xi32>
    %eq3A_331 = arith.cmpi eq, %select_n3A_290, %eq3A_330 : vector<16xi32>
    %jit3A_332 = arith.constant 0.000000e+00 : f32
    %broadcast_in_dim3A_333 = vector.broadcast %jit3A_332 : f32 to vector<16xf32>
    %select_n3A_334 = arith.select %eq3A_331, %sub3A_298, %broadcast_in_dim3A_333 : vector<16xi1>, vector<16xf32>
    %select_n3A_335 = arith.select %eq3A_328, %div3A_295, %select_n3A_334 : vector<16xi1>, vector<16xf32>
    %swap3A_336 = arith.constant 256 : index
    %swap3A_337 = tpu.vector_load %arg5[%swap3A_336] {strides = array<i32>} : memref<1024xf32, #tpu.memory_space<vmem>>, vector<16xf32>,
    %swap3A_338 = vector.shape_cast %swap3A_337 : vector<16xf32> to vector<16xf32>
    %swap3A_339 = vector.shape_cast %select_n3A_335 : vector<16xf32> to vector<16xf32>
    tpu.vector_store %arg5[%swap3A_336], %swap3A_339 {strides = array<i32>} : memref<1024xf32, #tpu.memory_space<vmem>>, vector<16xf32>,
    %eq3A_340 = arith.constant 3 : i32
    %eq3A_341 = vector.broadcast %eq3A_340 : i32 to vector<16xi32>
    %eq3A_342 = arith.cmpi eq, %select_n3A_171, %eq3A_341 : vector<16xi32>
    %eq3A_343 = arith.constant 3 : i32
    %eq3A_344 = vector.broadcast %eq3A_343 : i32 to vector<16xi32>
    %eq3A_345 = arith.cmpi eq, %select_n3A_290, %eq3A_344 : vector<16xi32>
    %jit3A_346 = arith.constant 0.000000e+00 : f32
    %broadcast_in_dim3A_347 = vector.broadcast %jit3A_346 : f32 to vector<16xf32>
    %select_n3A_348 = arith.select %eq3A_345, %sub3A_298, %broadcast_in_dim3A_347 : vector<16xi1>, vector<16xf32>
    %select_n3A_349 = arith.select %eq3A_342, %div3A_295, %select_n3A_348 : vector<16xi1>, vector<16xf32>
    %swap3A_350 = arith.constant 384 : index
    %swap3A_351 = tpu.vector_load %arg5[%swap3A_350] {strides = array<i32>} : memref<1024xf32, #tpu.memory_space<vmem>>, vector<16xf32>,
    %swap3A_352 = vector.shape_cast %swap3A_351 : vector<16xf32> to vector<16xf32>
    %swap3A_353 = vector.shape_cast %select_n3A_349 : vector<16xf32> to vector<16xf32>
    tpu.vector_store %arg5[%swap3A_350], %swap3A_353 {strides = array<i32>} : memref<1024xf32, #tpu.memory_space<vmem>>, vector<16xf32>,
    %eq3A_354 = arith.constant 4 : i32
    %eq3A_355 = vector.broadcast %eq3A_354 : i32 to vector<16xi32>
    %eq3A_356 = arith.cmpi eq, %select_n3A_171, %eq3A_355 : vector<16xi32>
    %eq3A_357 = arith.constant 4 : i32
    %eq3A_358 = vector.broadcast %eq3A_357 : i32 to vector<16xi32>
    %eq3A_359 = arith.cmpi eq, %select_n3A_290, %eq3A_358 : vector<16xi32>
    %jit3A_360 = arith.constant 0.000000e+00 : f32
    %broadcast_in_dim3A_361 = vector.broadcast %jit3A_360 : f32 to vector<16xf32>
    %select_n3A_362 = arith.select %eq3A_359, %sub3A_298, %broadcast_in_dim3A_361 : vector<16xi1>, vector<16xf32>
    %select_n3A_363 = arith.select %eq3A_356, %div3A_295, %select_n3A_362 : vector<16xi1>, vector<16xf32>
    %swap3A_364 = arith.constant 512 : index
    %swap3A_365 = tpu.vector_load %arg5[%swap3A_364] {strides = array<i32>} : memref<1024xf32, #tpu.memory_space<vmem>>, vector<16xf32>,
    %swap3A_366 = vector.shape_cast %swap3A_365 : vector<16xf32> to vector<16xf32>
    %swap3A_367 = vector.shape_cast %select_n3A_363 : vector<16xf32> to vector<16xf32>
    tpu.vector_store %arg5[%swap3A_364], %swap3A_367 {strides = array<i32>} : memref<1024xf32, #tpu.memory_space<vmem>>, vector<16xf32>,
    %eq3A_368 = arith.constant 5 : i32
    %eq3A_369 = vector.broadcast %eq3A_368 : i32 to vector<16xi32>
    %eq3A_370 = arith.cmpi eq, %select_n3A_171, %eq3A_369 : vector<16xi32>
    %eq3A_371 = arith.constant 5 : i32
    %eq3A_372 = vector.broadcast %eq3A_371 : i32 to vector<16xi32>
    %eq3A_373 = arith.cmpi eq, %select_n3A_290, %eq3A_372 : vector<16xi32>
    %jit3A_374 = arith.constant 0.000000e+00 : f32
    %broadcast_in_dim3A_375 = vector.broadcast %jit3A_374 : f32 to vector<16xf32>
    %select_n3A_376 = arith.select %eq3A_373, %sub3A_298, %broadcast_in_dim3A_375 : vector<16xi1>, vector<16xf32>
    %select_n3A_377 = arith.select %eq3A_370, %div3A_295, %select_n3A_376 : vector<16xi1>, vector<16xf32>
    %swap3A_378 = arith.constant 640 : index
    %swap3A_379 = tpu.vector_load %arg5[%swap3A_378] {strides = array<i32>} : memref<1024xf32, #tpu.memory_space<vmem>>, vector<16xf32>,
    %swap3A_380 = vector.shape_cast %swap3A_379 : vector<16xf32> to vector<16xf32>
    %swap3A_381 = vector.shape_cast %select_n3A_377 : vector<16xf32> to vector<16xf32>
    tpu.vector_store %arg5[%swap3A_378], %swap3A_381 {strides = array<i32>} : memref<1024xf32, #tpu.memory_space<vmem>>, vector<16xf32>,
    %eq3A_382 = arith.constant 6 : i32
    %eq3A_383 = vector.broadcast %eq3A_382 : i32 to vector<16xi32>
    %eq3A_384 = arith.cmpi eq, %select_n3A_171, %eq3A_383 : vector<16xi32>
    %eq3A_385 = arith.constant 6 : i32
    %eq3A_386 = vector.broadcast %eq3A_385 : i32 to vector<16xi32>
    %eq3A_387 = arith.cmpi eq, %select_n3A_290, %eq3A_386 : vector<16xi32>
    %jit3A_388 = arith.constant 0.000000e+00 : f32
    %broadcast_in_dim3A_389 = vector.broadcast %jit3A_388 : f32 to vector<16xf32>
    %select_n3A_390 = arith.select %eq3A_387, %sub3A_298, %broadcast_in_dim3A_389 : vector<16xi1>, vector<16xf32>
    %select_n3A_391 = arith.select %eq3A_384, %div3A_295, %select_n3A_390 : vector<16xi1>, vector<16xf32>
    %swap3A_392 = arith.constant 768 : index
    %swap3A_393 = tpu.vector_load %arg5[%swap3A_392] {strides = array<i32>} : memref<1024xf32, #tpu.memory_space<vmem>>, vector<16xf32>,
    %swap3A_394 = vector.shape_cast %swap3A_393 : vector<16xf32> to vector<16xf32>
    %swap3A_395 = vector.shape_cast %select_n3A_391 : vector<16xf32> to vector<16xf32>
    tpu.vector_store %arg5[%swap3A_392], %swap3A_395 {strides = array<i32>} : memref<1024xf32, #tpu.memory_space<vmem>>, vector<16xf32>,
    %eq3A_396 = arith.constant 7 : i32
    %eq3A_397 = vector.broadcast %eq3A_396 : i32 to vector<16xi32>
    %eq3A_398 = arith.cmpi eq, %select_n3A_171, %eq3A_397 : vector<16xi32>
    %eq3A_399 = arith.constant 7 : i32
    %eq3A_400 = vector.broadcast %eq3A_399 : i32 to vector<16xi32>
    %eq3A_401 = arith.cmpi eq, %select_n3A_290, %eq3A_400 : vector<16xi32>
    %jit3A_402 = arith.constant 0.000000e+00 : f32
    %broadcast_in_dim3A_403 = vector.broadcast %jit3A_402 : f32 to vector<16xf32>
    %select_n3A_404 = arith.select %eq3A_401, %sub3A_298, %broadcast_in_dim3A_403 : vector<16xi1>, vector<16xf32>
    %select_n3A_405 = arith.select %eq3A_398, %div3A_295, %select_n3A_404 : vector<16xi1>, vector<16xf32>
    %swap3A_406 = arith.constant 896 : index
    %swap3A_407 = tpu.vector_load %arg5[%swap3A_406] {strides = array<i32>} : memref<1024xf32, #tpu.memory_space<vmem>>, vector<16xf32>,
    %swap3A_408 = vector.shape_cast %swap3A_407 : vector<16xf32> to vector<16xf32>
    %swap3A_409 = vector.shape_cast %select_n3A_405 : vector<16xf32> to vector<16xf32>
    tpu.vector_store %arg5[%swap3A_406], %swap3A_409 {strides = array<i32>} : memref<1024xf32, #tpu.memory_space<vmem>>, vector<16xf32>,
    %get3A_410 = arith.constant 16 : index
    %get3A_411 = tpu.vector_load %arg4[%get3A_410] {strides = array<i32>} : memref<1024xf32, #tpu.memory_space<vmem>>, vector<16xf32>,
    %get3A_412 = vector.shape_cast %get3A_411 : vector<16xf32> to vector<16xf32>
    %get3A_413 = arith.constant 144 : index
    %get3A_414 = tpu.vector_load %arg4[%get3A_413] {strides = array<i32>} : memref<1024xf32, #tpu.memory_space<vmem>>, vector<16xf32>,
    %get3A_415 = vector.shape_cast %get3A_414 : vector<16xf32> to vector<16xf32>
    %get3A_416 = arith.constant 272 : index
    %get3A_417 = tpu.vector_load %arg4[%get3A_416] {strides = array<i32>} : memref<1024xf32, #tpu.memory_space<vmem>>, vector<16xf32>,
    %get3A_418 = vector.shape_cast %get3A_417 : vector<16xf32> to vector<16xf32>
    %get3A_419 = arith.constant 400 : index
    %get3A_420 = tpu.vector_load %arg4[%get3A_419] {strides = array<i32>} : memref<1024xf32, #tpu.memory_space<vmem>>, vector<16xf32>,
    %get3A_421 = vector.shape_cast %get3A_420 : vector<16xf32> to vector<16xf32>
    %get3A_422 = arith.constant 528 : index
    %get3A_423 = tpu.vector_load %arg4[%get3A_422] {strides = array<i32>} : memref<1024xf32, #tpu.memory_space<vmem>>, vector<16xf32>,
    %get3A_424 = vector.shape_cast %get3A_423 : vector<16xf32> to vector<16xf32>
    %get3A_425 = arith.constant 656 : index
    %get3A_426 = tpu.vector_load %arg4[%get3A_425] {strides = array<i32>} : memref<1024xf32, #tpu.memory_space<vmem>>, vector<16xf32>,
    %get3A_427 = vector.shape_cast %get3A_426 : vector<16xf32> to vector<16xf32>
    %get3A_428 = arith.constant 784 : index
    %get3A_429 = tpu.vector_load %arg4[%get3A_428] {strides = array<i32>} : memref<1024xf32, #tpu.memory_space<vmem>>, vector<16xf32>,
    %get3A_430 = vector.shape_cast %get3A_429 : vector<16xf32> to vector<16xf32>
    %get3A_431 = arith.constant 912 : index
    %get3A_432 = tpu.vector_load %arg4[%get3A_431] {strides = array<i32>} : memref<1024xf32, #tpu.memory_space<vmem>>, vector<16xf32>,
    %get3A_433 = vector.shape_cast %get3A_432 : vector<16xf32> to vector<16xf32>
    %max3A_434 = arith.maximumf %get3A_412, %get3A_415 : vector<16xf32>
    %max3A_435 = arith.maximumf %max3A_434, %get3A_418 : vector<16xf32>
    %max3A_436 = arith.maximumf %max3A_435, %get3A_421 : vector<16xf32>
    %max3A_437 = arith.maximumf %max3A_436, %get3A_424 : vector<16xf32>
    %max3A_438 = arith.maximumf %max3A_437, %get3A_427 : vector<16xf32>
    %max3A_439 = arith.maximumf %max3A_438, %get3A_430 : vector<16xf32>
    %max3A_440 = arith.maximumf %max3A_439, %get3A_433 : vector<16xf32>
    %broadcast_in_dim3A_441 = arith.constant 8 : i32
    %broadcast_in_dim3A_442 = vector.broadcast %broadcast_in_dim3A_441 : i32 to vector<16xi32>
    %eq3A_443 = arith.cmpf oeq, %get3A_433, %max3A_440 : vector<16xf32>
    %jit3A_444 = arith.constant 7 : i32
    %broadcast_in_dim3A_445 = vector.broadcast %jit3A_444 : i32 to vector<16xi32>
    %select_n3A_446 = arith.select %eq3A_443, %broadcast_in_dim3A_445, %broadcast_in_dim3A_442 : vector<16xi1>, vector<16xi32>
    %eq3A_447 = arith.cmpf oeq, %get3A_430, %max3A_440 : vector<16xf32>
    %jit3A_448 = arith.constant 6 : i32
    %broadcast_in_dim3A_449 = vector.broadcast %jit3A_448 : i32 to vector<16xi32>
    %select_n3A_450 = arith.select %eq3A_447, %broadcast_in_dim3A_449, %select_n3A_446 : vector<16xi1>, vector<16xi32>
    %eq3A_451 = arith.cmpf oeq, %get3A_427, %max3A_440 : vector<16xf32>
    %jit3A_452 = arith.constant 5 : i32
    %broadcast_in_dim3A_453 = vector.broadcast %jit3A_452 : i32 to vector<16xi32>
    %select_n3A_454 = arith.select %eq3A_451, %broadcast_in_dim3A_453, %select_n3A_450 : vector<16xi1>, vector<16xi32>
    %eq3A_455 = arith.cmpf oeq, %get3A_424, %max3A_440 : vector<16xf32>
    %jit3A_456 = arith.constant 4 : i32
    %broadcast_in_dim3A_457 = vector.broadcast %jit3A_456 : i32 to vector<16xi32>
    %select_n3A_458 = arith.select %eq3A_455, %broadcast_in_dim3A_457, %select_n3A_454 : vector<16xi1>, vector<16xi32>
    %eq3A_459 = arith.cmpf oeq, %get3A_421, %max3A_440 : vector<16xf32>
    %jit3A_460 = arith.constant 3 : i32
    %broadcast_in_dim3A_461 = vector.broadcast %jit3A_460 : i32 to vector<16xi32>
    %select_n3A_462 = arith.select %eq3A_459, %broadcast_in_dim3A_461, %select_n3A_458 : vector<16xi1>, vector<16xi32>
    %eq3A_463 = arith.cmpf oeq, %get3A_418, %max3A_440 : vector<16xf32>
    %jit3A_464 = arith.constant 2 : i32
    %broadcast_in_dim3A_465 = vector.broadcast %jit3A_464 : i32 to vector<16xi32>
    %select_n3A_466 = arith.select %eq3A_463, %broadcast_in_dim3A_465, %select_n3A_462 : vector<16xi1>, vector<16xi32>
    %eq3A_467 = arith.cmpf oeq, %get3A_415, %max3A_440 : vector<16xf32>
    %jit3A_468 = arith.constant 1 : i32
    %broadcast_in_dim3A_469 = vector.broadcast %jit3A_468 : i32 to vector<16xi32>
    %select_n3A_470 = arith.select %eq3A_467, %broadcast_in_dim3A_469, %select_n3A_466 : vector<16xi1>, vector<16xi32>
    %eq3A_471 = arith.cmpf oeq, %get3A_412, %max3A_440 : vector<16xf32>
    %jit3A_472 = arith.constant 0 : i32
    %broadcast_in_dim3A_473 = vector.broadcast %jit3A_472 : i32 to vector<16xi32>
    %select_n3A_474 = arith.select %eq3A_471, %broadcast_in_dim3A_473, %select_n3A_470 : vector<16xi1>, vector<16xi32>
    %eq3A_475 = arith.constant 0 : i32
    %eq3A_476 = vector.broadcast %eq3A_475 : i32 to vector<16xi32>
    %eq3A_477 = arith.cmpi eq, %select_n3A_474, %eq3A_476 : vector<16xi32>
    %jit3A_478 = arith.constant 0xFF800000 : f32
    %broadcast_in_dim3A_479 = vector.broadcast %jit3A_478 : f32 to vector<16xf32>
    %select_n3A_480 = arith.select %eq3A_477, %broadcast_in_dim3A_479, %get3A_412 : vector<16xi1>, vector<16xf32>
    %eq3A_481 = arith.constant 1 : i32
    %eq3A_482 = vector.broadcast %eq3A_481 : i32 to vector<16xi32>
    %eq3A_483 = arith.cmpi eq, %select_n3A_474, %eq3A_482 : vector<16xi32>
    %jit3A_484 = arith.constant 0xFF800000 : f32
    %broadcast_in_dim3A_485 = vector.broadcast %jit3A_484 : f32 to vector<16xf32>
    %select_n3A_486 = arith.select %eq3A_483, %broadcast_in_dim3A_485, %get3A_415 : vector<16xi1>, vector<16xf32>
    %max3A_487 = arith.maximumf %select_n3A_480, %select_n3A_486 : vector<16xf32>
    %eq3A_488 = arith.constant 2 : i32
    %eq3A_489 = vector.broadcast %eq3A_488 : i32 to vector<16xi32>
    %eq3A_490 = arith.cmpi eq, %select_n3A_474, %eq3A_489 : vector<16xi32>
    %jit3A_491 = arith.constant 0xFF800000 : f32
    %broadcast_in_dim3A_492 = vector.broadcast %jit3A_491 : f32 to vector<16xf32>
    %select_n3A_493 = arith.select %eq3A_490, %broadcast_in_dim3A_492, %get3A_418 : vector<16xi1>, vector<16xf32>
    %max3A_494 = arith.maximumf %max3A_487, %select_n3A_493 : vector<16xf32>
    %eq3A_495 = arith.constant 3 : i32
    %eq3A_496 = vector.broadcast %eq3A_495 : i32 to vector<16xi32>
    %eq3A_497 = arith.cmpi eq, %select_n3A_474, %eq3A_496 : vector<16xi32>
    %jit3A_498 = arith.constant 0xFF800000 : f32
    %broadcast_in_dim3A_499 = vector.broadcast %jit3A_498 : f32 to vector<16xf32>
    %select_n3A_500 = arith.select %eq3A_497, %broadcast_in_dim3A_499, %get3A_421 : vector<16xi1>, vector<16xf32>
    %max3A_501 = arith.maximumf %max3A_494, %select_n3A_500 : vector<16xf32>
    %eq3A_502 = arith.constant 4 : i32
    %eq3A_503 = vector.broadcast %eq3A_502 : i32 to vector<16xi32>
    %eq3A_504 = arith.cmpi eq, %select_n3A_474, %eq3A_503 : vector<16xi32>
    %jit3A_505 = arith.constant 0xFF800000 : f32
    %broadcast_in_dim3A_506 = vector.broadcast %jit3A_505 : f32 to vector<16xf32>
    %select_n3A_507 = arith.select %eq3A_504, %broadcast_in_dim3A_506, %get3A_424 : vector<16xi1>, vector<16xf32>
    %max3A_508 = arith.maximumf %max3A_501, %select_n3A_507 : vector<16xf32>
    %eq3A_509 = arith.constant 5 : i32
    %eq3A_510 = vector.broadcast %eq3A_509 : i32 to vector<16xi32>
    %eq3A_511 = arith.cmpi eq, %select_n3A_474, %eq3A_510 : vector<16xi32>
    %jit3A_512 = arith.constant 0xFF800000 : f32
    %broadcast_in_dim3A_513 = vector.broadcast %jit3A_512 : f32 to vector<16xf32>
    %select_n3A_514 = arith.select %eq3A_511, %broadcast_in_dim3A_513, %get3A_427 : vector<16xi1>, vector<16xf32>
    %max3A_515 = arith.maximumf %max3A_508, %select_n3A_514 : vector<16xf32>
    %eq3A_516 = arith.constant 6 : i32
    %eq3A_517 = vector.broadcast %eq3A_516 : i32 to vector<16xi32>
    %eq3A_518 = arith.cmpi eq, %select_n3A_474, %eq3A_517 : vector<16xi32>
    %jit3A_519 = arith.constant 0xFF800000 : f32
    %broadcast_in_dim3A_520 = vector.broadcast %jit3A_519 : f32 to vector<16xf32>
    %select_n3A_521 = arith.select %eq3A_518, %broadcast_in_dim3A_520, %get3A_430 : vector<16xi1>, vector<16xf32>
    %max3A_522 = arith.maximumf %max3A_515, %select_n3A_521 : vector<16xf32>
    %eq3A_523 = arith.constant 7 : i32
    %eq3A_524 = vector.broadcast %eq3A_523 : i32 to vector<16xi32>
    %eq3A_525 = arith.cmpi eq, %select_n3A_474, %eq3A_524 : vector<16xi32>
    %jit3A_526 = arith.constant 0xFF800000 : f32
    %broadcast_in_dim3A_527 = vector.broadcast %jit3A_526 : f32 to vector<16xf32>
    %select_n3A_528 = arith.select %eq3A_525, %broadcast_in_dim3A_527, %get3A_433 : vector<16xi1>, vector<16xf32>
    %max3A_529 = arith.maximumf %max3A_522, %select_n3A_528 : vector<16xf32>
    %broadcast_in_dim3A_530 = arith.constant 8 : i32
    %broadcast_in_dim3A_531 = vector.broadcast %broadcast_in_dim3A_530 : i32 to vector<16xi32>
    %eq3A_532 = arith.cmpf oeq, %get3A_433, %max3A_529 : vector<16xf32>
    %ne3A_533 = arith.constant 7 : i32
    %ne3A_534 = vector.broadcast %ne3A_533 : i32 to vector<16xi32>
    %ne3A_535 = arith.cmpi ne, %select_n3A_474, %ne3A_534 : vector<16xi32>
    %and3A_536 = arith.andi %eq3A_532, %ne3A_535 : vector<16xi1>
    %jit3A_537 = arith.constant 7 : i32
    %broadcast_in_dim3A_538 = vector.broadcast %jit3A_537 : i32 to vector<16xi32>
    %select_n3A_539 = arith.select %and3A_536, %broadcast_in_dim3A_538, %broadcast_in_dim3A_531 : vector<16xi1>, vector<16xi32>
    %eq3A_540 = arith.cmpf oeq, %get3A_430, %max3A_529 : vector<16xf32>
    %ne3A_541 = arith.constant 6 : i32
    %ne3A_542 = vector.broadcast %ne3A_541 : i32 to vector<16xi32>
    %ne3A_543 = arith.cmpi ne, %select_n3A_474, %ne3A_542 : vector<16xi32>
    %and3A_544 = arith.andi %eq3A_540, %ne3A_543 : vector<16xi1>
    %jit3A_545 = arith.constant 6 : i32
    %broadcast_in_dim3A_546 = vector.broadcast %jit3A_545 : i32 to vector<16xi32>
    %select_n3A_547 = arith.select %and3A_544, %broadcast_in_dim3A_546, %select_n3A_539 : vector<16xi1>, vector<16xi32>
    %eq3A_548 = arith.cmpf oeq, %get3A_427, %max3A_529 : vector<16xf32>
    %ne3A_549 = arith.constant 5 : i32
    %ne3A_550 = vector.broadcast %ne3A_549 : i32 to vector<16xi32>
    %ne3A_551 = arith.cmpi ne, %select_n3A_474, %ne3A_550 : vector<16xi32>
    %and3A_552 = arith.andi %eq3A_548, %ne3A_551 : vector<16xi1>
    %jit3A_553 = arith.constant 5 : i32
    %broadcast_in_dim3A_554 = vector.broadcast %jit3A_553 : i32 to vector<16xi32>
    %select_n3A_555 = arith.select %and3A_552, %broadcast_in_dim3A_554, %select_n3A_547 : vector<16xi1>, vector<16xi32>
    %eq3A_556 = arith.cmpf oeq, %get3A_424, %max3A_529 : vector<16xf32>
    %ne3A_557 = arith.constant 4 : i32
    %ne3A_558 = vector.broadcast %ne3A_557 : i32 to vector<16xi32>
    %ne3A_559 = arith.cmpi ne, %select_n3A_474, %ne3A_558 : vector<16xi32>
    %and3A_560 = arith.andi %eq3A_556, %ne3A_559 : vector<16xi1>
    %jit3A_561 = arith.constant 4 : i32
    %broadcast_in_dim3A_562 = vector.broadcast %jit3A_561 : i32 to vector<16xi32>
    %select_n3A_563 = arith.select %and3A_560, %broadcast_in_dim3A_562, %select_n3A_555 : vector<16xi1>, vector<16xi32>
    %eq3A_564 = arith.cmpf oeq, %get3A_421, %max3A_529 : vector<16xf32>
    %ne3A_565 = arith.constant 3 : i32
    %ne3A_566 = vector.broadcast %ne3A_565 : i32 to vector<16xi32>
    %ne3A_567 = arith.cmpi ne, %select_n3A_474, %ne3A_566 : vector<16xi32>
    %and3A_568 = arith.andi %eq3A_564, %ne3A_567 : vector<16xi1>
    %jit3A_569 = arith.constant 3 : i32
    %broadcast_in_dim3A_570 = vector.broadcast %jit3A_569 : i32 to vector<16xi32>
    %select_n3A_571 = arith.select %and3A_568, %broadcast_in_dim3A_570, %select_n3A_563 : vector<16xi1>, vector<16xi32>
    %eq3A_572 = arith.cmpf oeq, %get3A_418, %max3A_529 : vector<16xf32>
    %ne3A_573 = arith.constant 2 : i32
    %ne3A_574 = vector.broadcast %ne3A_573 : i32 to vector<16xi32>
    %ne3A_575 = arith.cmpi ne, %select_n3A_474, %ne3A_574 : vector<16xi32>
    %and3A_576 = arith.andi %eq3A_572, %ne3A_575 : vector<16xi1>
    %jit3A_577 = arith.constant 2 : i32
    %broadcast_in_dim3A_578 = vector.broadcast %jit3A_577 : i32 to vector<16xi32>
    %select_n3A_579 = arith.select %and3A_576, %broadcast_in_dim3A_578, %select_n3A_571 : vector<16xi1>, vector<16xi32>
    %eq3A_580 = arith.cmpf oeq, %get3A_415, %max3A_529 : vector<16xf32>
    %ne3A_581 = arith.constant 1 : i32
    %ne3A_582 = vector.broadcast %ne3A_581 : i32 to vector<16xi32>
    %ne3A_583 = arith.cmpi ne, %select_n3A_474, %ne3A_582 : vector<16xi32>
    %and3A_584 = arith.andi %eq3A_580, %ne3A_583 : vector<16xi1>
    %jit3A_585 = arith.constant 1 : i32
    %broadcast_in_dim3A_586 = vector.broadcast %jit3A_585 : i32 to vector<16xi32>
    %select_n3A_587 = arith.select %and3A_584, %broadcast_in_dim3A_586, %select_n3A_579 : vector<16xi1>, vector<16xi32>
    %eq3A_588 = arith.cmpf oeq, %get3A_412, %max3A_529 : vector<16xf32>
    %ne3A_589 = arith.constant 0 : i32
    %ne3A_590 = vector.broadcast %ne3A_589 : i32 to vector<16xi32>
    %ne3A_591 = arith.cmpi ne, %select_n3A_474, %ne3A_590 : vector<16xi32>
    %and3A_592 = arith.andi %eq3A_588, %ne3A_591 : vector<16xi1>
    %jit3A_593 = arith.constant 0 : i32
    %broadcast_in_dim3A_594 = vector.broadcast %jit3A_593 : i32 to vector<16xi32>
    %select_n3A_595 = arith.select %and3A_592, %broadcast_in_dim3A_594, %select_n3A_587 : vector<16xi1>, vector<16xi32>
    %sub3A_596 = arith.subf %max3A_529, %max3A_440 : vector<16xf32>
    %exp3A_597 = math.exp %sub3A_596 : vector<16xf32>
    %add3A_598 = arith.constant 1.000000e+00 : f32
    %add3A_599 = vector.broadcast %add3A_598 : f32 to vector<16xf32>
    %add3A_600 = arith.addf %add3A_599, %exp3A_597 : vector<16xf32>
    %div3A_601 = arith.constant 1.000000e+00 : f32
    %div3A_602 = vector.broadcast %div3A_601 : f32 to vector<16xf32>
    %div3A_603 = arith.divf %div3A_602, %add3A_600 : vector<16xf32>
    %sub3A_604 = arith.constant 1.000000e+00 : f32
    %sub3A_605 = vector.broadcast %sub3A_604 : f32 to vector<16xf32>
    %sub3A_606 = arith.subf %sub3A_605, %div3A_603 : vector<16xf32>
    %eq3A_607 = arith.constant 0 : i32
    %eq3A_608 = vector.broadcast %eq3A_607 : i32 to vector<16xi32>
    %eq3A_609 = arith.cmpi eq, %select_n3A_474, %eq3A_608 : vector<16xi32>
    %eq3A_610 = arith.constant 0 : i32
    %eq3A_611 = vector.broadcast %eq3A_610 : i32 to vector<16xi32>
    %eq3A_612 = arith.cmpi eq, %select_n3A_595, %eq3A_611 : vector<16xi32>
    %jit3A_613 = arith.constant 0.000000e+00 : f32
    %broadcast_in_dim3A_614 = vector.broadcast %jit3A_613 : f32 to vector<16xf32>
    %select_n3A_615 = arith.select %eq3A_612, %sub3A_606, %broadcast_in_dim3A_614 : vector<16xi1>, vector<16xf32>
    %select_n3A_616 = arith.select %eq3A_609, %div3A_603, %select_n3A_615 : vector<16xi1>, vector<16xf32>
    %swap3A_617 = arith.constant 16 : index
    %swap3A_618 = tpu.vector_load %arg5[%swap3A_617] {strides = array<i32>} : memref<1024xf32, #tpu.memory_space<vmem>>, vector<16xf32>,
    %swap3A_619 = vector.shape_cast %swap3A_618 : vector<16xf32> to vector<16xf32>
    %swap3A_620 = vector.shape_cast %select_n3A_616 : vector<16xf32> to vector<16xf32>
    tpu.vector_store %arg5[%swap3A_617], %swap3A_620 {strides = array<i32>} : memref<1024xf32, #tpu.memory_space<vmem>>, vector<16xf32>,
    %eq3A_621 = arith.constant 1 : i32
    %eq3A_622 = vector.broadcast %eq3A_621 : i32 to vector<16xi32>
    %eq3A_623 = arith.cmpi eq, %select_n3A_474, %eq3A_622 : vector<16xi32>
    %eq3A_624 = arith.constant 1 : i32
    %eq3A_625 = vector.broadcast %eq3A_624 : i32 to vector<16xi32>
    %eq3A_626 = arith.cmpi eq, %select_n3A_595, %eq3A_625 : vector<16xi32>
    %jit3A_627 = arith.constant 0.000000e+00 : f32
    %broadcast_in_dim3A_628 = vector.broadcast %jit3A_627 : f32 to vector<16xf32>
    %select_n3A_629 = arith.select %eq3A_626, %sub3A_606, %broadcast_in_dim3A_628 : vector<16xi1>, vector<16xf32>
    %select_n3A_630 = arith.select %eq3A_623, %div3A_603, %select_n3A_629 : vector<16xi1>, vector<16xf32>
    %swap3A_631 = arith.constant 144 : index
    %swap3A_632 = tpu.vector_load %arg5[%swap3A_631] {strides = array<i32>} : memref<1024xf32, #tpu.memory_space<vmem>>, vector<16xf32>,
    %swap3A_633 = vector.shape_cast %swap3A_632 : vector<16xf32> to vector<16xf32>
    %swap3A_634 = vector.shape_cast %select_n3A_630 : vector<16xf32> to vector<16xf32>
    tpu.vector_store %arg5[%swap3A_631], %swap3A_634 {strides = array<i32>} : memref<1024xf32, #tpu.memory_space<vmem>>, vector<16xf32>,
    %eq3A_635 = arith.constant 2 : i32
    %eq3A_636 = vector.broadcast %eq3A_635 : i32 to vector<16xi32>
    %eq3A_637 = arith.cmpi eq, %select_n3A_474, %eq3A_636 : vector<16xi32>
    %eq3A_638 = arith.constant 2 : i32
    %eq3A_639 = vector.broadcast %eq3A_638 : i32 to vector<16xi32>
    %eq3A_640 = arith.cmpi eq, %select_n3A_595, %eq3A_639 : vector<16xi32>
    %jit3A_641 = arith.constant 0.000000e+00 : f32
    %broadcast_in_dim3A_642 = vector.broadcast %jit3A_641 : f32 to vector<16xf32>
    %select_n3A_643 = arith.select %eq3A_640, %sub3A_606, %broadcast_in_dim3A_642 : vector<16xi1>, vector<16xf32>
    %select_n3A_644 = arith.select %eq3A_637, %div3A_603, %select_n3A_643 : vector<16xi1>, vector<16xf32>
    %swap3A_645 = arith.constant 272 : index
    %swap3A_646 = tpu.vector_load %arg5[%swap3A_645] {strides = array<i32>} : memref<1024xf32, #tpu.memory_space<vmem>>, vector<16xf32>,
    %swap3A_647 = vector.shape_cast %swap3A_646 : vector<16xf32> to vector<16xf32>
    %swap3A_648 = vector.shape_cast %select_n3A_644 : vector<16xf32> to vector<16xf32>
    tpu.vector_store %arg5[%swap3A_645], %swap3A_648 {strides = array<i32>} : memref<1024xf32, #tpu.memory_space<vmem>>, vector<16xf32>,
    %eq3A_649 = arith.constant 3 : i32
    %eq3A_650 = vector.broadcast %eq3A_649 : i32 to vector<16xi32>
    %eq3A_651 = arith.cmpi eq, %select_n3A_474, %eq3A_650 : vector<16xi32>
    %eq3A_652 = arith.constant 3 : i32
    %eq3A_653 = vector.broadcast %eq3A_652 : i32 to vector<16xi32>
    %eq3A_654 = arith.cmpi eq, %select_n3A_595, %eq3A_653 : vector<16xi32>
    %jit3A_655 = arith.constant 0.000000e+00 : f32
    %broadcast_in_dim3A_656 = vector.broadcast %jit3A_655 : f32 to vector<16xf32>
    %select_n3A_657 = arith.select %eq3A_654, %sub3A_606, %broadcast_in_dim3A_656 : vector<16xi1>, vector<16xf32>
    %select_n3A_658 = arith.select %eq3A_651, %div3A_603, %select_n3A_657 : vector<16xi1>, vector<16xf32>
    %swap3A_659 = arith.constant 400 : index
    %swap3A_660 = tpu.vector_load %arg5[%swap3A_659] {strides = array<i32>} : memref<1024xf32, #tpu.memory_space<vmem>>, vector<16xf32>,
    %swap3A_661 = vector.shape_cast %swap3A_660 : vector<16xf32> to vector<16xf32>
    %swap3A_662 = vector.shape_cast %select_n3A_658 : vector<16xf32> to vector<16xf32>
    tpu.vector_store %arg5[%swap3A_659], %swap3A_662 {strides = array<i32>} : memref<1024xf32, #tpu.memory_space<vmem>>, vector<16xf32>,
    %eq3A_663 = arith.constant 4 : i32
    %eq3A_664 = vector.broadcast %eq3A_663 : i32 to vector<16xi32>
    %eq3A_665 = arith.cmpi eq, %select_n3A_474, %eq3A_664 : vector<16xi32>
    %eq3A_666 = arith.constant 4 : i32
    %eq3A_667 = vector.broadcast %eq3A_666 : i32 to vector<16xi32>
    %eq3A_668 = arith.cmpi eq, %select_n3A_595, %eq3A_667 : vector<16xi32>
    %jit3A_669 = arith.constant 0.000000e+00 : f32
    %broadcast_in_dim3A_670 = vector.broadcast %jit3A_669 : f32 to vector<16xf32>
    %select_n3A_671 = arith.select %eq3A_668, %sub3A_606, %broadcast_in_dim3A_670 : vector<16xi1>, vector<16xf32>
    %select_n3A_672 = arith.select %eq3A_665, %div3A_603, %select_n3A_671 : vector<16xi1>, vector<16xf32>
    %swap3A_673 = arith.constant 528 : index
    %swap3A_674 = tpu.vector_load %arg5[%swap3A_673] {strides = array<i32>} : memref<1024xf32, #tpu.memory_space<vmem>>, vector<16xf32>,
    %swap3A_675 = vector.shape_cast %swap3A_674 : vector<16xf32> to vector<16xf32>
    %swap3A_676 = vector.shape_cast %select_n3A_672 : vector<16xf32> to vector<16xf32>
    tpu.vector_store %arg5[%swap3A_673], %swap3A_676 {strides = array<i32>} : memref<1024xf32, #tpu.memory_space<vmem>>, vector<16xf32>,
    %eq3A_677 = arith.constant 5 : i32
    %eq3A_678 = vector.broadcast %eq3A_677 : i32 to vector<16xi32>
    %eq3A_679 = arith.cmpi eq, %select_n3A_474, %eq3A_678 : vector<16xi32>
    %eq3A_680 = arith.constant 5 : i32
    %eq3A_681 = vector.broadcast %eq3A_680 : i32 to vector<16xi32>
    %eq3A_682 = arith.cmpi eq, %select_n3A_595, %eq3A_681 : vector<16xi32>
    %jit3A_683 = arith.constant 0.000000e+00 : f32
    %broadcast_in_dim3A_684 = vector.broadcast %jit3A_683 : f32 to vector<16xf32>
    %select_n3A_685 = arith.select %eq3A_682, %sub3A_606, %broadcast_in_dim3A_684 : vector<16xi1>, vector<16xf32>
    %select_n3A_686 = arith.select %eq3A_679, %div3A_603, %select_n3A_685 : vector<16xi1>, vector<16xf32>
    %swap3A_687 = arith.constant 656 : index
    %swap3A_688 = tpu.vector_load %arg5[%swap3A_687] {strides = array<i32>} : memref<1024xf32, #tpu.memory_space<vmem>>, vector<16xf32>,
    %swap3A_689 = vector.shape_cast %swap3A_688 : vector<16xf32> to vector<16xf32>
    %swap3A_690 = vector.shape_cast %select_n3A_686 : vector<16xf32> to vector<16xf32>
    tpu.vector_store %arg5[%swap3A_687], %swap3A_690 {strides = array<i32>} : memref<1024xf32, #tpu.memory_space<vmem>>, vector<16xf32>,
    %eq3A_691 = arith.constant 6 : i32
    %eq3A_692 = vector.broadcast %eq3A_691 : i32 to vector<16xi32>
    %eq3A_693 = arith.cmpi eq, %select_n3A_474, %eq3A_692 : vector<16xi32>
    %eq3A_694 = arith.constant 6 : i32
    %eq3A_695 = vector.broadcast %eq3A_694 : i32 to vector<16xi32>
    %eq3A_696 = arith.cmpi eq, %select_n3A_595, %eq3A_695 : vector<16xi32>
    %jit3A_697 = arith.constant 0.000000e+00 : f32
    %broadcast_in_dim3A_698 = vector.broadcast %jit3A_697 : f32 to vector<16xf32>
    %select_n3A_699 = arith.select %eq3A_696, %sub3A_606, %broadcast_in_dim3A_698 : vector<16xi1>, vector<16xf32>
    %select_n3A_700 = arith.select %eq3A_693, %div3A_603, %select_n3A_699 : vector<16xi1>, vector<16xf32>
    %swap3A_701 = arith.constant 784 : index
    %swap3A_702 = tpu.vector_load %arg5[%swap3A_701] {strides = array<i32>} : memref<1024xf32, #tpu.memory_space<vmem>>, vector<16xf32>,
    %swap3A_703 = vector.shape_cast %swap3A_702 : vector<16xf32> to vector<16xf32>
    %swap3A_704 = vector.shape_cast %select_n3A_700 : vector<16xf32> to vector<16xf32>
    tpu.vector_store %arg5[%swap3A_701], %swap3A_704 {strides = array<i32>} : memref<1024xf32, #tpu.memory_space<vmem>>, vector<16xf32>,
    %eq3A_705 = arith.constant 7 : i32
    %eq3A_706 = vector.broadcast %eq3A_705 : i32 to vector<16xi32>
    %eq3A_707 = arith.cmpi eq, %select_n3A_474, %eq3A_706 : vector<16xi32>
    %eq3A_708 = arith.constant 7 : i32
    %eq3A_709 = vector.broadcast %eq3A_708 : i32 to vector<16xi32>
    %eq3A_710 = arith.cmpi eq, %select_n3A_595, %eq3A_709 : vector<16xi32>
    %jit3A_711 = arith.constant 0.000000e+00 : f32
    %broadcast_in_dim3A_712 = vector.broadcast %jit3A_711 : f32 to vector<16xf32>
    %select_n3A_713 = arith.select %eq3A_710, %sub3A_606, %broadcast_in_dim3A_712 : vector<16xi1>, vector<16xf32>
    %select_n3A_714 = arith.select %eq3A_707, %div3A_603, %select_n3A_713 : vector<16xi1>, vector<16xf32>
    %swap3A_715 = arith.constant 912 : index
    %swap3A_716 = tpu.vector_load %arg5[%swap3A_715] {strides = array<i32>} : memref<1024xf32, #tpu.memory_space<vmem>>, vector<16xf32>,
    %swap3A_717 = vector.shape_cast %swap3A_716 : vector<16xf32> to vector<16xf32>
    %swap3A_718 = vector.shape_cast %select_n3A_714 : vector<16xf32> to vector<16xf32>
    tpu.vector_store %arg5[%swap3A_715], %swap3A_718 {strides = array<i32>} : memref<1024xf32, #tpu.memory_space<vmem>>, vector<16xf32>,
    %get3A_719 = arith.constant 32 : index
    %get3A_720 = tpu.vector_load %arg4[%get3A_719] {strides = array<i32>} : memref<1024xf32, #tpu.memory_space<vmem>>, vector<16xf32>,
    %get3A_721 = vector.shape_cast %get3A_720 : vector<16xf32> to vector<16xf32>
    %get3A_722 = arith.constant 160 : index
    %get3A_723 = tpu.vector_load %arg4[%get3A_722] {strides = array<i32>} : memref<1024xf32, #tpu.memory_space<vmem>>, vector<16xf32>,
    %get3A_724 = vector.shape_cast %get3A_723 : vector<16xf32> to vector<16xf32>
    %get3A_725 = arith.constant 288 : index
    %get3A_726 = tpu.vector_load %arg4[%get3A_725] {strides = array<i32>} : memref<1024xf32, #tpu.memory_space<vmem>>, vector<16xf32>,
    %get3A_727 = vector.shape_cast %get3A_726 : vector<16xf32> to vector<16xf32>
    %get3A_728 = arith.constant 416 : index
    %get3A_729 = tpu.vector_load %arg4[%get3A_728] {strides = array<i32>} : memref<1024xf32, #tpu.memory_space<vmem>>, vector<16xf32>,
    %get3A_730 = vector.shape_cast %get3A_729 : vector<16xf32> to vector<16xf32>
    %get3A_731 = arith.constant 544 : index
    %get3A_732 = tpu.vector_load %arg4[%get3A_731] {strides = array<i32>} : memref<1024xf32, #tpu.memory_space<vmem>>, vector<16xf32>,
    %get3A_733 = vector.shape_cast %get3A_732 : vector<16xf32> to vector<16xf32>
    %get3A_734 = arith.constant 672 : index
    %get3A_735 = tpu.vector_load %arg4[%get3A_734] {strides = array<i32>} : memref<1024xf32, #tpu.memory_space<vmem>>, vector<16xf32>,
    %get3A_736 = vector.shape_cast %get3A_735 : vector<16xf32> to vector<16xf32>
    %get3A_737 = arith.constant 800 : index
    %get3A_738 = tpu.vector_load %arg4[%get3A_737] {strides = array<i32>} : memref<1024xf32, #tpu.memory_space<vmem>>, vector<16xf32>,
    %get3A_739 = vector.shape_cast %get3A_738 : vector<16xf32> to vector<16xf32>
    %get3A_740 = arith.constant 928 : index
    %get3A_741 = tpu.vector_load %arg4[%get3A_740] {strides = array<i32>} : memref<1024xf32, #tpu.memory_space<vmem>>, vector<16xf32>,
    %get3A_742 = vector.shape_cast %get3A_741 : vector<16xf32> to vector<16xf32>
    %max3A_743 = arith.maximumf %get3A_721, %get3A_724 : vector<16xf32>
    %max3A_744 = arith.maximumf %max3A_743, %get3A_727 : vector<16xf32>
    %max3A_745 = arith.maximumf %max3A_744, %get3A_730 : vector<16xf32>
    %max3A_746 = arith.maximumf %max3A_745, %get3A_733 : vector<16xf32>
    %max3A_747 = arith.maximumf %max3A_746, %get3A_736 : vector<16xf32>
    %max3A_748 = arith.maximumf %max3A_747, %get3A_739 : vector<16xf32>
    %max3A_749 = arith.maximumf %max3A_748, %get3A_742 : vector<16xf32>
    %broadcast_in_dim3A_750 = arith.constant 8 : i32
    %broadcast_in_dim3A_751 = vector.broadcast %broadcast_in_dim3A_750 : i32 to vector<16xi32>
    %eq3A_752 = arith.cmpf oeq, %get3A_742, %max3A_749 : vector<16xf32>
    %jit3A_753 = arith.constant 7 : i32
    %broadcast_in_dim3A_754 = vector.broadcast %jit3A_753 : i32 to vector<16xi32>
    %select_n3A_755 = arith.select %eq3A_752, %broadcast_in_dim3A_754, %broadcast_in_dim3A_751 : vector<16xi1>, vector<16xi32>
    %eq3A_756 = arith.cmpf oeq, %get3A_739, %max3A_749 : vector<16xf32>
    %jit3A_757 = arith.constant 6 : i32
    %broadcast_in_dim3A_758 = vector.broadcast %jit3A_757 : i32 to vector<16xi32>
    %select_n3A_759 = arith.select %eq3A_756, %broadcast_in_dim3A_758, %select_n3A_755 : vector<16xi1>, vector<16xi32>
    %eq3A_760 = arith.cmpf oeq, %get3A_736, %max3A_749 : vector<16xf32>
    %jit3A_761 = arith.constant 5 : i32
    %broadcast_in_dim3A_762 = vector.broadcast %jit3A_761 : i32 to vector<16xi32>
    %select_n3A_763 = arith.select %eq3A_760, %broadcast_in_dim3A_762, %select_n3A_759 : vector<16xi1>, vector<16xi32>
    %eq3A_764 = arith.cmpf oeq, %get3A_733, %max3A_749 : vector<16xf32>
    %jit3A_765 = arith.constant 4 : i32
    %broadcast_in_dim3A_766 = vector.broadcast %jit3A_765 : i32 to vector<16xi32>
    %select_n3A_767 = arith.select %eq3A_764, %broadcast_in_dim3A_766, %select_n3A_763 : vector<16xi1>, vector<16xi32>
    %eq3A_768 = arith.cmpf oeq, %get3A_730, %max3A_749 : vector<16xf32>
    %jit3A_769 = arith.constant 3 : i32
    %broadcast_in_dim3A_770 = vector.broadcast %jit3A_769 : i32 to vector<16xi32>
    %select_n3A_771 = arith.select %eq3A_768, %broadcast_in_dim3A_770, %select_n3A_767 : vector<16xi1>, vector<16xi32>
    %eq3A_772 = arith.cmpf oeq, %get3A_727, %max3A_749 : vector<16xf32>
    %jit3A_773 = arith.constant 2 : i32
    %broadcast_in_dim3A_774 = vector.broadcast %jit3A_773 : i32 to vector<16xi32>
    %select_n3A_775 = arith.select %eq3A_772, %broadcast_in_dim3A_774, %select_n3A_771 : vector<16xi1>, vector<16xi32>
    %eq3A_776 = arith.cmpf oeq, %get3A_724, %max3A_749 : vector<16xf32>
    %jit3A_777 = arith.constant 1 : i32
    %broadcast_in_dim3A_778 = vector.broadcast %jit3A_777 : i32 to vector<16xi32>
    %select_n3A_779 = arith.select %eq3A_776, %broadcast_in_dim3A_778, %select_n3A_775 : vector<16xi1>, vector<16xi32>
    %eq3A_780 = arith.cmpf oeq, %get3A_721, %max3A_749 : vector<16xf32>
    %jit3A_781 = arith.constant 0 : i32
    %broadcast_in_dim3A_782 = vector.broadcast %jit3A_781 : i32 to vector<16xi32>
    %select_n3A_783 = arith.select %eq3A_780, %broadcast_in_dim3A_782, %select_n3A_779 : vector<16xi1>, vector<16xi32>
    %eq3A_784 = arith.constant 0 : i32
    %eq3A_785 = vector.broadcast %eq3A_784 : i32 to vector<16xi32>
    %eq3A_786 = arith.cmpi eq, %select_n3A_783, %eq3A_785 : vector<16xi32>
    %jit3A_787 = arith.constant 0xFF800000 : f32
    %broadcast_in_dim3A_788 = vector.broadcast %jit3A_787 : f32 to vector<16xf32>
    %select_n3A_789 = arith.select %eq3A_786, %broadcast_in_dim3A_788, %get3A_721 : vector<16xi1>, vector<16xf32>
    %eq3A_790 = arith.constant 1 : i32
    %eq3A_791 = vector.broadcast %eq3A_790 : i32 to vector<16xi32>
    %eq3A_792 = arith.cmpi eq, %select_n3A_783, %eq3A_791 : vector<16xi32>
    %jit3A_793 = arith.constant 0xFF800000 : f32
    %broadcast_in_dim3A_794 = vector.broadcast %jit3A_793 : f32 to vector<16xf32>
    %select_n3A_795 = arith.select %eq3A_792, %broadcast_in_dim3A_794, %get3A_724 : vector<16xi1>, vector<16xf32>
    %max3A_796 = arith.maximumf %select_n3A_789, %select_n3A_795 : vector<16xf32>
    %eq3A_797 = arith.constant 2 : i32
    %eq3A_798 = vector.broadcast %eq3A_797 : i32 to vector<16xi32>
    %eq3A_799 = arith.cmpi eq, %select_n3A_783, %eq3A_798 : vector<16xi32>
    %jit3A_800 = arith.constant 0xFF800000 : f32
    %broadcast_in_dim3A_801 = vector.broadcast %jit3A_800 : f32 to vector<16xf32>
    %select_n3A_802 = arith.select %eq3A_799, %broadcast_in_dim3A_801, %get3A_727 : vector<16xi1>, vector<16xf32>
    %max3A_803 = arith.maximumf %max3A_796, %select_n3A_802 : vector<16xf32>
    %eq3A_804 = arith.constant 3 : i32
    %eq3A_805 = vector.broadcast %eq3A_804 : i32 to vector<16xi32>
    %eq3A_806 = arith.cmpi eq, %select_n3A_783, %eq3A_805 : vector<16xi32>
    %jit3A_807 = arith.constant 0xFF800000 : f32
    %broadcast_in_dim3A_808 = vector.broadcast %jit3A_807 : f32 to vector<16xf32>
    %select_n3A_809 = arith.select %eq3A_806, %broadcast_in_dim3A_808, %get3A_730 : vector<16xi1>, vector<16xf32>
    %max3A_810 = arith.maximumf %max3A_803, %select_n3A_809 : vector<16xf32>
    %eq3A_811 = arith.constant 4 : i32
    %eq3A_812 = vector.broadcast %eq3A_811 : i32 to vector<16xi32>
    %eq3A_813 = arith.cmpi eq, %select_n3A_783, %eq3A_812 : vector<16xi32>
    %jit3A_814 = arith.constant 0xFF800000 : f32
    %broadcast_in_dim3A_815 = vector.broadcast %jit3A_814 : f32 to vector<16xf32>
    %select_n3A_816 = arith.select %eq3A_813, %broadcast_in_dim3A_815, %get3A_733 : vector<16xi1>, vector<16xf32>
    %max3A_817 = arith.maximumf %max3A_810, %select_n3A_816 : vector<16xf32>
    %eq3A_818 = arith.constant 5 : i32
    %eq3A_819 = vector.broadcast %eq3A_818 : i32 to vector<16xi32>
    %eq3A_820 = arith.cmpi eq, %select_n3A_783, %eq3A_819 : vector<16xi32>
    %jit3A_821 = arith.constant 0xFF800000 : f32
    %broadcast_in_dim3A_822 = vector.broadcast %jit3A_821 : f32 to vector<16xf32>
    %select_n3A_823 = arith.select %eq3A_820, %broadcast_in_dim3A_822, %get3A_736 : vector<16xi1>, vector<16xf32>
    %max3A_824 = arith.maximumf %max3A_817, %select_n3A_823 : vector<16xf32>
    %eq3A_825 = arith.constant 6 : i32
    %eq3A_826 = vector.broadcast %eq3A_825 : i32 to vector<16xi32>
    %eq3A_827 = arith.cmpi eq, %select_n3A_783, %eq3A_826 : vector<16xi32>
    %jit3A_828 = arith.constant 0xFF800000 : f32
    %broadcast_in_dim3A_829 = vector.broadcast %jit3A_828 : f32 to vector<16xf32>
    %select_n3A_830 = arith.select %eq3A_827, %broadcast_in_dim3A_829, %get3A_739 : vector<16xi1>, vector<16xf32>
    %max3A_831 = arith.maximumf %max3A_824, %select_n3A_830 : vector<16xf32>
    %eq3A_832 = arith.constant 7 : i32
    %eq3A_833 = vector.broadcast %eq3A_832 : i32 to vector<16xi32>
    %eq3A_834 = arith.cmpi eq, %select_n3A_783, %eq3A_833 : vector<16xi32>
    %jit3A_835 = arith.constant 0xFF800000 : f32
    %broadcast_in_dim3A_836 = vector.broadcast %jit3A_835 : f32 to vector<16xf32>
    %select_n3A_837 = arith.select %eq3A_834, %broadcast_in_dim3A_836, %get3A_742 : vector<16xi1>, vector<16xf32>
    %max3A_838 = arith.maximumf %max3A_831, %select_n3A_837 : vector<16xf32>
    %broadcast_in_dim3A_839 = arith.constant 8 : i32
    %broadcast_in_dim3A_840 = vector.broadcast %broadcast_in_dim3A_839 : i32 to vector<16xi32>
    %eq3A_841 = arith.cmpf oeq, %get3A_742, %max3A_838 : vector<16xf32>
    %ne3A_842 = arith.constant 7 : i32
    %ne3A_843 = vector.broadcast %ne3A_842 : i32 to vector<16xi32>
    %ne3A_844 = arith.cmpi ne, %select_n3A_783, %ne3A_843 : vector<16xi32>
    %and3A_845 = arith.andi %eq3A_841, %ne3A_844 : vector<16xi1>
    %jit3A_846 = arith.constant 7 : i32
    %broadcast_in_dim3A_847 = vector.broadcast %jit3A_846 : i32 to vector<16xi32>
    %select_n3A_848 = arith.select %and3A_845, %broadcast_in_dim3A_847, %broadcast_in_dim3A_840 : vector<16xi1>, vector<16xi32>
    %eq3A_849 = arith.cmpf oeq, %get3A_739, %max3A_838 : vector<16xf32>
    %ne3A_850 = arith.constant 6 : i32
    %ne3A_851 = vector.broadcast %ne3A_850 : i32 to vector<16xi32>
    %ne3A_852 = arith.cmpi ne, %select_n3A_783, %ne3A_851 : vector<16xi32>
    %and3A_853 = arith.andi %eq3A_849, %ne3A_852 : vector<16xi1>
    %jit3A_854 = arith.constant 6 : i32
    %broadcast_in_dim3A_855 = vector.broadcast %jit3A_854 : i32 to vector<16xi32>
    %select_n3A_856 = arith.select %and3A_853, %broadcast_in_dim3A_855, %select_n3A_848 : vector<16xi1>, vector<16xi32>
    %eq3A_857 = arith.cmpf oeq, %get3A_736, %max3A_838 : vector<16xf32>
    %ne3A_858 = arith.constant 5 : i32
    %ne3A_859 = vector.broadcast %ne3A_858 : i32 to vector<16xi32>
    %ne3A_860 = arith.cmpi ne, %select_n3A_783, %ne3A_859 : vector<16xi32>
    %and3A_861 = arith.andi %eq3A_857, %ne3A_860 : vector<16xi1>
    %jit3A_862 = arith.constant 5 : i32
    %broadcast_in_dim3A_863 = vector.broadcast %jit3A_862 : i32 to vector<16xi32>
    %select_n3A_864 = arith.select %and3A_861, %broadcast_in_dim3A_863, %select_n3A_856 : vector<16xi1>, vector<16xi32>
    %eq3A_865 = arith.cmpf oeq, %get3A_733, %max3A_838 : vector<16xf32>
    %ne3A_866 = arith.constant 4 : i32
    %ne3A_867 = vector.broadcast %ne3A_866 : i32 to vector<16xi32>
    %ne3A_868 = arith.cmpi ne, %select_n3A_783, %ne3A_867 : vector<16xi32>
    %and3A_869 = arith.andi %eq3A_865, %ne3A_868 : vector<16xi1>
    %jit3A_870 = arith.constant 4 : i32
    %broadcast_in_dim3A_871 = vector.broadcast %jit3A_870 : i32 to vector<16xi32>
    %select_n3A_872 = arith.select %and3A_869, %broadcast_in_dim3A_871, %select_n3A_864 : vector<16xi1>, vector<16xi32>
    %eq3A_873 = arith.cmpf oeq, %get3A_730, %max3A_838 : vector<16xf32>
    %ne3A_874 = arith.constant 3 : i32
    %ne3A_875 = vector.broadcast %ne3A_874 : i32 to vector<16xi32>
    %ne3A_876 = arith.cmpi ne, %select_n3A_783, %ne3A_875 : vector<16xi32>
    %and3A_877 = arith.andi %eq3A_873, %ne3A_876 : vector<16xi1>
    %jit3A_878 = arith.constant 3 : i32
    %broadcast_in_dim3A_879 = vector.broadcast %jit3A_878 : i32 to vector<16xi32>
    %select_n3A_880 = arith.select %and3A_877, %broadcast_in_dim3A_879, %select_n3A_872 : vector<16xi1>, vector<16xi32>
    %eq3A_881 = arith.cmpf oeq, %get3A_727, %max3A_838 : vector<16xf32>
    %ne3A_882 = arith.constant 2 : i32
    %ne3A_883 = vector.broadcast %ne3A_882 : i32 to vector<16xi32>
    %ne3A_884 = arith.cmpi ne, %select_n3A_783, %ne3A_883 : vector<16xi32>
    %and3A_885 = arith.andi %eq3A_881, %ne3A_884 : vector<16xi1>
    %jit3A_886 = arith.constant 2 : i32
    %broadcast_in_dim3A_887 = vector.broadcast %jit3A_886 : i32 to vector<16xi32>
    %select_n3A_888 = arith.select %and3A_885, %broadcast_in_dim3A_887, %select_n3A_880 : vector<16xi1>, vector<16xi32>
    %eq3A_889 = arith.cmpf oeq, %get3A_724, %max3A_838 : vector<16xf32>
    %ne3A_890 = arith.constant 1 : i32
    %ne3A_891 = vector.broadcast %ne3A_890 : i32 to vector<16xi32>
    %ne3A_892 = arith.cmpi ne, %select_n3A_783, %ne3A_891 : vector<16xi32>
    %and3A_893 = arith.andi %eq3A_889, %ne3A_892 : vector<16xi1>
    %jit3A_894 = arith.constant 1 : i32
    %broadcast_in_dim3A_895 = vector.broadcast %jit3A_894 : i32 to vector<16xi32>
    %select_n3A_896 = arith.select %and3A_893, %broadcast_in_dim3A_895, %select_n3A_888 : vector<16xi1>, vector<16xi32>
    %eq3A_897 = arith.cmpf oeq, %get3A_721, %max3A_838 : vector<16xf32>
    %ne3A_898 = arith.constant 0 : i32
    %ne3A_899 = vector.broadcast %ne3A_898 : i32 to vector<16xi32>
    %ne3A_900 = arith.cmpi ne, %select_n3A_783, %ne3A_899 : vector<16xi32>
    %and3A_901 = arith.andi %eq3A_897, %ne3A_900 : vector<16xi1>
    %jit3A_902 = arith.constant 0 : i32
    %broadcast_in_dim3A_903 = vector.broadcast %jit3A_902 : i32 to vector<16xi32>
    %select_n3A_904 = arith.select %and3A_901, %broadcast_in_dim3A_903, %select_n3A_896 : vector<16xi1>, vector<16xi32>
    %sub3A_905 = arith.subf %max3A_838, %max3A_749 : vector<16xf32>
    %exp3A_906 = math.exp %sub3A_905 : vector<16xf32>
    %add3A_907 = arith.constant 1.000000e+00 : f32
    %add3A_908 = vector.broadcast %add3A_907 : f32 to vector<16xf32>
    %add3A_909 = arith.addf %add3A_908, %exp3A_906 : vector<16xf32>
    %div3A_910 = arith.constant 1.000000e+00 : f32
    %div3A_911 = vector.broadcast %div3A_910 : f32 to vector<16xf32>
    %div3A_912 = arith.divf %div3A_911, %add3A_909 : vector<16xf32>
    %sub3A_913 = arith.constant 1.000000e+00 : f32
    %sub3A_914 = vector.broadcast %sub3A_913 : f32 to vector<16xf32>
    %sub3A_915 = arith.subf %sub3A_914, %div3A_912 : vector<16xf32>
    %eq3A_916 = arith.constant 0 : i32
    %eq3A_917 = vector.broadcast %eq3A_916 : i32 to vector<16xi32>
    %eq3A_918 = arith.cmpi eq, %select_n3A_783, %eq3A_917 : vector<16xi32>
    %eq3A_919 = arith.constant 0 : i32
    %eq3A_920 = vector.broadcast %eq3A_919 : i32 to vector<16xi32>
    %eq3A_921 = arith.cmpi eq, %select_n3A_904, %eq3A_920 : vector<16xi32>
    %jit3A_922 = arith.constant 0.000000e+00 : f32
    %broadcast_in_dim3A_923 = vector.broadcast %jit3A_922 : f32 to vector<16xf32>
    %select_n3A_924 = arith.select %eq3A_921, %sub3A_915, %broadcast_in_dim3A_923 : vector<16xi1>, vector<16xf32>
    %select_n3A_925 = arith.select %eq3A_918, %div3A_912, %select_n3A_924 : vector<16xi1>, vector<16xf32>
    %swap3A_926 = arith.constant 32 : index
    %swap3A_927 = tpu.vector_load %arg5[%swap3A_926] {strides = array<i32>} : memref<1024xf32, #tpu.memory_space<vmem>>, vector<16xf32>,
    %swap3A_928 = vector.shape_cast %swap3A_927 : vector<16xf32> to vector<16xf32>
    %swap3A_929 = vector.shape_cast %select_n3A_925 : vector<16xf32> to vector<16xf32>
    tpu.vector_store %arg5[%swap3A_926], %swap3A_929 {strides = array<i32>} : memref<1024xf32, #tpu.memory_space<vmem>>, vector<16xf32>,
    %eq3A_930 = arith.constant 1 : i32
    %eq3A_931 = vector.broadcast %eq3A_930 : i32 to vector<16xi32>
    %eq3A_932 = arith.cmpi eq, %select_n3A_783, %eq3A_931 : vector<16xi32>
    %eq3A_933 = arith.constant 1 : i32
    %eq3A_934 = vector.broadcast %eq3A_933 : i32 to vector<16xi32>
    %eq3A_935 = arith.cmpi eq, %select_n3A_904, %eq3A_934 : vector<16xi32>
    %jit3A_936 = arith.constant 0.000000e+00 : f32
    %broadcast_in_dim3A_937 = vector.broadcast %jit3A_936 : f32 to vector<16xf32>
    %select_n3A_938 = arith.select %eq3A_935, %sub3A_915, %broadcast_in_dim3A_937 : vector<16xi1>, vector<16xf32>
    %select_n3A_939 = arith.select %eq3A_932, %div3A_912, %select_n3A_938 : vector<16xi1>, vector<16xf32>
    %swap3A_940 = arith.constant 160 : index
    %swap3A_941 = tpu.vector_load %arg5[%swap3A_940] {strides = array<i32>} : memref<1024xf32, #tpu.memory_space<vmem>>, vector<16xf32>,
    %swap3A_942 = vector.shape_cast %swap3A_941 : vector<16xf32> to vector<16xf32>
    %swap3A_943 = vector.shape_cast %select_n3A_939 : vector<16xf32> to vector<16xf32>
    tpu.vector_store %arg5[%swap3A_940], %swap3A_943 {strides = array<i32>} : memref<1024xf32, #tpu.memory_space<vmem>>, vector<16xf32>,
    %eq3A_944 = arith.constant 2 : i32
    %eq3A_945 = vector.broadcast %eq3A_944 : i32 to vector<16xi32>
    %eq3A_946 = arith.cmpi eq, %select_n3A_783, %eq3A_945 : vector<16xi32>
    %eq3A_947 = arith.constant 2 : i32
    %eq3A_948 = vector.broadcast %eq3A_947 : i32 to vector<16xi32>
    %eq3A_949 = arith.cmpi eq, %select_n3A_904, %eq3A_948 : vector<16xi32>
    %jit3A_950 = arith.constant 0.000000e+00 : f32
    %broadcast_in_dim3A_951 = vector.broadcast %jit3A_950 : f32 to vector<16xf32>
    %select_n3A_952 = arith.select %eq3A_949, %sub3A_915, %broadcast_in_dim3A_951 : vector<16xi1>, vector<16xf32>
    %select_n3A_953 = arith.select %eq3A_946, %div3A_912, %select_n3A_952 : vector<16xi1>, vector<16xf32>
    %swap3A_954 = arith.constant 288 : index
    %swap3A_955 = tpu.vector_load %arg5[%swap3A_954] {strides = array<i32>} : memref<1024xf32, #tpu.memory_space<vmem>>, vector<16xf32>,
    %swap3A_956 = vector.shape_cast %swap3A_955 : vector<16xf32> to vector<16xf32>
    %swap3A_957 = vector.shape_cast %select_n3A_953 : vector<16xf32> to vector<16xf32>
    tpu.vector_store %arg5[%swap3A_954], %swap3A_957 {strides = array<i32>} : memref<1024xf32, #tpu.memory_space<vmem>>, vector<16xf32>,
    %eq3A_958 = arith.constant 3 : i32
    %eq3A_959 = vector.broadcast %eq3A_958 : i32 to vector<16xi32>
    %eq3A_960 = arith.cmpi eq, %select_n3A_783, %eq3A_959 : vector<16xi32>
    %eq3A_961 = arith.constant 3 : i32
    %eq3A_962 = vector.broadcast %eq3A_961 : i32 to vector<16xi32>
    %eq3A_963 = arith.cmpi eq, %select_n3A_904, %eq3A_962 : vector<16xi32>
    %jit3A_964 = arith.constant 0.000000e+00 : f32
    %broadcast_in_dim3A_965 = vector.broadcast %jit3A_964 : f32 to vector<16xf32>
    %select_n3A_966 = arith.select %eq3A_963, %sub3A_915, %broadcast_in_dim3A_965 : vector<16xi1>, vector<16xf32>
    %select_n3A_967 = arith.select %eq3A_960, %div3A_912, %select_n3A_966 : vector<16xi1>, vector<16xf32>
    %swap3A_968 = arith.constant 416 : index
    %swap3A_969 = tpu.vector_load %arg5[%swap3A_968] {strides = array<i32>} : memref<1024xf32, #tpu.memory_space<vmem>>, vector<16xf32>,
    %swap3A_970 = vector.shape_cast %swap3A_969 : vector<16xf32> to vector<16xf32>
    %swap3A_971 = vector.shape_cast %select_n3A_967 : vector<16xf32> to vector<16xf32>
    tpu.vector_store %arg5[%swap3A_968], %swap3A_971 {strides = array<i32>} : memref<1024xf32, #tpu.memory_space<vmem>>, vector<16xf32>,
    %eq3A_972 = arith.constant 4 : i32
    %eq3A_973 = vector.broadcast %eq3A_972 : i32 to vector<16xi32>
    %eq3A_974 = arith.cmpi eq, %select_n3A_783, %eq3A_973 : vector<16xi32>
    %eq3A_975 = arith.constant 4 : i32
    %eq3A_976 = vector.broadcast %eq3A_975 : i32 to vector<16xi32>
    %eq3A_977 = arith.cmpi eq, %select_n3A_904, %eq3A_976 : vector<16xi32>
    %jit3A_978 = arith.constant 0.000000e+00 : f32
    %broadcast_in_dim3A_979 = vector.broadcast %jit3A_978 : f32 to vector<16xf32>
    %select_n3A_980 = arith.select %eq3A_977, %sub3A_915, %broadcast_in_dim3A_979 : vector<16xi1>, vector<16xf32>
    %select_n3A_981 = arith.select %eq3A_974, %div3A_912, %select_n3A_980 : vector<16xi1>, vector<16xf32>
    %swap3A_982 = arith.constant 544 : index
    %swap3A_983 = tpu.vector_load %arg5[%swap3A_982] {strides = array<i32>} : memref<1024xf32, #tpu.memory_space<vmem>>, vector<16xf32>,
    %swap3A_984 = vector.shape_cast %swap3A_983 : vector<16xf32> to vector<16xf32>
    %swap3A_985 = vector.shape_cast %select_n3A_981 : vector<16xf32> to vector<16xf32>
    tpu.vector_store %arg5[%swap3A_982], %swap3A_985 {strides = array<i32>} : memref<1024xf32, #tpu.memory_space<vmem>>, vector<16xf32>,
    %eq3A_986 = arith.constant 5 : i32
    %eq3A_987 = vector.broadcast %eq3A_986 : i32 to vector<16xi32>
    %eq3A_988 = arith.cmpi eq, %select_n3A_783, %eq3A_987 : vector<16xi32>
    %eq3A_989 = arith.constant 5 : i32
    %eq3A_990 = vector.broadcast %eq3A_989 : i32 to vector<16xi32>
    %eq3A_991 = arith.cmpi eq, %select_n3A_904, %eq3A_990 : vector<16xi32>
    %jit3A_992 = arith.constant 0.000000e+00 : f32
    %broadcast_in_dim3A_993 = vector.broadcast %jit3A_992 : f32 to vector<16xf32>
    %select_n3A_994 = arith.select %eq3A_991, %sub3A_915, %broadcast_in_dim3A_993 : vector<16xi1>, vector<16xf32>
    %select_n3A_995 = arith.select %eq3A_988, %div3A_912, %select_n3A_994 : vector<16xi1>, vector<16xf32>
    %swap3A_996 = arith.constant 672 : index
    %swap3A_997 = tpu.vector_load %arg5[%swap3A_996] {strides = array<i32>} : memref<1024xf32, #tpu.memory_space<vmem>>, vector<16xf32>,
    %swap3A_998 = vector.shape_cast %swap3A_997 : vector<16xf32> to vector<16xf32>
    %swap3A_999 = vector.shape_cast %select_n3A_995 : vector<16xf32> to vector<16xf32>
    tpu.vector_store %arg5[%swap3A_996], %swap3A_999 {strides = array<i32>} : memref<1024xf32, #tpu.memory_space<vmem>>, vector<16xf32>,
    %eq3A_1000 = arith.constant 6 : i32
    %eq3A_1001 = vector.broadcast %eq3A_1000 : i32 to vector<16xi32>
    %eq3A_1002 = arith.cmpi eq, %select_n3A_783, %eq3A_1001 : vector<16xi32>
    %eq3A_1003 = arith.constant 6 : i32
    %eq3A_1004 = vector.broadcast %eq3A_1003 : i32 to vector<16xi32>
    %eq3A_1005 = arith.cmpi eq, %select_n3A_904, %eq3A_1004 : vector<16xi32>
    %jit3A_1006 = arith.constant 0.000000e+00 : f32
    %broadcast_in_dim3A_1007 = vector.broadcast %jit3A_1006 : f32 to vector<16xf32>
    %select_n3A_1008 = arith.select %eq3A_1005, %sub3A_915, %broadcast_in_dim3A_1007 : vector<16xi1>, vector<16xf32>
    %select_n3A_1009 = arith.select %eq3A_1002, %div3A_912, %select_n3A_1008 : vector<16xi1>, vector<16xf32>
    %swap3A_1010 = arith.constant 800 : index
    %swap3A_1011 = tpu.vector_load %arg5[%swap3A_1010] {strides = array<i32>} : memref<1024xf32, #tpu.memory_space<vmem>>, vector<16xf32>,
    %swap3A_1012 = vector.shape_cast %swap3A_1011 : vector<16xf32> to vector<16xf32>
    %swap3A_1013 = vector.shape_cast %select_n3A_1009 : vector<16xf32> to vector<16xf32>
    tpu.vector_store %arg5[%swap3A_1010], %swap3A_1013 {strides = array<i32>} : memref<1024xf32, #tpu.memory_space<vmem>>, vector<16xf32>,
    %eq3A_1014 = arith.constant 7 : i32
    %eq3A_1015 = vector.broadcast %eq3A_1014 : i32 to vector<16xi32>
    %eq3A_1016 = arith.cmpi eq, %select_n3A_783, %eq3A_1015 : vector<16xi32>
    %eq3A_1017 = arith.constant 7 : i32
    %eq3A_1018 = vector.broadcast %eq3A_1017 : i32 to vector<16xi32>
    %eq3A_1019 = arith.cmpi eq, %select_n3A_904, %eq3A_1018 : vector<16xi32>
    %jit3A_1020 = arith.constant 0.000000e+00 : f32
    %broadcast_in_dim3A_1021 = vector.broadcast %jit3A_1020 : f32 to vector<16xf32>
    %select_n3A_1022 = arith.select %eq3A_1019, %sub3A_915, %broadcast_in_dim3A_1021 : vector<16xi1>, vector<16xf32>
    %select_n3A_1023 = arith.select %eq3A_1016, %div3A_912, %select_n3A_1022 : vector<16xi1>, vector<16xf32>
    %swap3A_1024 = arith.constant 928 : index
    %swap3A_1025 = tpu.vector_load %arg5[%swap3A_1024] {strides = array<i32>} : memref<1024xf32, #tpu.memory_space<vmem>>, vector<16xf32>,
    %swap3A_1026 = vector.shape_cast %swap3A_1025 : vector<16xf32> to vector<16xf32>
    %swap3A_1027 = vector.shape_cast %select_n3A_1023 : vector<16xf32> to vector<16xf32>
    tpu.vector_store %arg5[%swap3A_1024], %swap3A_1027 {strides = array<i32>} : memref<1024xf32, #tpu.memory_space<vmem>>, vector<16xf32>,
    %get3A_1028 = arith.constant 48 : index
    %get3A_1029 = tpu.vector_load %arg4[%get3A_1028] {strides = array<i32>} : memref<1024xf32, #tpu.memory_space<vmem>>, vector<16xf32>,
    %get3A_1030 = vector.shape_cast %get3A_1029 : vector<16xf32> to vector<16xf32>
    %get3A_1031 = arith.constant 176 : index
    %get3A_1032 = tpu.vector_load %arg4[%get3A_1031] {strides = array<i32>} : memref<1024xf32, #tpu.memory_space<vmem>>, vector<16xf32>,
    %get3A_1033 = vector.shape_cast %get3A_1032 : vector<16xf32> to vector<16xf32>
    %get3A_1034 = arith.constant 304 : index
    %get3A_1035 = tpu.vector_load %arg4[%get3A_1034] {strides = array<i32>} : memref<1024xf32, #tpu.memory_space<vmem>>, vector<16xf32>,
    %get3A_1036 = vector.shape_cast %get3A_1035 : vector<16xf32> to vector<16xf32>
    %get3A_1037 = arith.constant 432 : index
    %get3A_1038 = tpu.vector_load %arg4[%get3A_1037] {strides = array<i32>} : memref<1024xf32, #tpu.memory_space<vmem>>, vector<16xf32>,
    %get3A_1039 = vector.shape_cast %get3A_1038 : vector<16xf32> to vector<16xf32>
    %get3A_1040 = arith.constant 560 : index
    %get3A_1041 = tpu.vector_load %arg4[%get3A_1040] {strides = array<i32>} : memref<1024xf32, #tpu.memory_space<vmem>>, vector<16xf32>,
    %get3A_1042 = vector.shape_cast %get3A_1041 : vector<16xf32> to vector<16xf32>
    %get3A_1043 = arith.constant 688 : index
    %get3A_1044 = tpu.vector_load %arg4[%get3A_1043] {strides = array<i32>} : memref<1024xf32, #tpu.memory_space<vmem>>, vector<16xf32>,
    %get3A_1045 = vector.shape_cast %get3A_1044 : vector<16xf32> to vector<16xf32>
    %get3A_1046 = arith.constant 816 : index
    %get3A_1047 = tpu.vector_load %arg4[%get3A_1046] {strides = array<i32>} : memref<1024xf32, #tpu.memory_space<vmem>>, vector<16xf32>,
    %get3A_1048 = vector.shape_cast %get3A_1047 : vector<16xf32> to vector<16xf32>
    %get3A_1049 = arith.constant 944 : index
    %get3A_1050 = tpu.vector_load %arg4[%get3A_1049] {strides = array<i32>} : memref<1024xf32, #tpu.memory_space<vmem>>, vector<16xf32>,
    %get3A_1051 = vector.shape_cast %get3A_1050 : vector<16xf32> to vector<16xf32>
    %max3A_1052 = arith.maximumf %get3A_1030, %get3A_1033 : vector<16xf32>
    %max3A_1053 = arith.maximumf %max3A_1052, %get3A_1036 : vector<16xf32>
    %max3A_1054 = arith.maximumf %max3A_1053, %get3A_1039 : vector<16xf32>
    %max3A_1055 = arith.maximumf %max3A_1054, %get3A_1042 : vector<16xf32>
    %max3A_1056 = arith.maximumf %max3A_1055, %get3A_1045 : vector<16xf32>
    %max3A_1057 = arith.maximumf %max3A_1056, %get3A_1048 : vector<16xf32>
    %max3A_1058 = arith.maximumf %max3A_1057, %get3A_1051 : vector<16xf32>
    %broadcast_in_dim3A_1059 = arith.constant 8 : i32
    %broadcast_in_dim3A_1060 = vector.broadcast %broadcast_in_dim3A_1059 : i32 to vector<16xi32>
    %eq3A_1061 = arith.cmpf oeq, %get3A_1051, %max3A_1058 : vector<16xf32>
    %jit3A_1062 = arith.constant 7 : i32
    %broadcast_in_dim3A_1063 = vector.broadcast %jit3A_1062 : i32 to vector<16xi32>
    %select_n3A_1064 = arith.select %eq3A_1061, %broadcast_in_dim3A_1063, %broadcast_in_dim3A_1060 : vector<16xi1>, vector<16xi32>
    %eq3A_1065 = arith.cmpf oeq, %get3A_1048, %max3A_1058 : vector<16xf32>
    %jit3A_1066 = arith.constant 6 : i32
    %broadcast_in_dim3A_1067 = vector.broadcast %jit3A_1066 : i32 to vector<16xi32>
    %select_n3A_1068 = arith.select %eq3A_1065, %broadcast_in_dim3A_1067, %select_n3A_1064 : vector<16xi1>, vector<16xi32>
    %eq3A_1069 = arith.cmpf oeq, %get3A_1045, %max3A_1058 : vector<16xf32>
    %jit3A_1070 = arith.constant 5 : i32
    %broadcast_in_dim3A_1071 = vector.broadcast %jit3A_1070 : i32 to vector<16xi32>
    %select_n3A_1072 = arith.select %eq3A_1069, %broadcast_in_dim3A_1071, %select_n3A_1068 : vector<16xi1>, vector<16xi32>
    %eq3A_1073 = arith.cmpf oeq, %get3A_1042, %max3A_1058 : vector<16xf32>
    %jit3A_1074 = arith.constant 4 : i32
    %broadcast_in_dim3A_1075 = vector.broadcast %jit3A_1074 : i32 to vector<16xi32>
    %select_n3A_1076 = arith.select %eq3A_1073, %broadcast_in_dim3A_1075, %select_n3A_1072 : vector<16xi1>, vector<16xi32>
    %eq3A_1077 = arith.cmpf oeq, %get3A_1039, %max3A_1058 : vector<16xf32>
    %jit3A_1078 = arith.constant 3 : i32
    %broadcast_in_dim3A_1079 = vector.broadcast %jit3A_1078 : i32 to vector<16xi32>
    %select_n3A_1080 = arith.select %eq3A_1077, %broadcast_in_dim3A_1079, %select_n3A_1076 : vector<16xi1>, vector<16xi32>
    %eq3A_1081 = arith.cmpf oeq, %get3A_1036, %max3A_1058 : vector<16xf32>
    %jit3A_1082 = arith.constant 2 : i32
    %broadcast_in_dim3A_1083 = vector.broadcast %jit3A_1082 : i32 to vector<16xi32>
    %select_n3A_1084 = arith.select %eq3A_1081, %broadcast_in_dim3A_1083, %select_n3A_1080 : vector<16xi1>, vector<16xi32>
    %eq3A_1085 = arith.cmpf oeq, %get3A_1033, %max3A_1058 : vector<16xf32>
    %jit3A_1086 = arith.constant 1 : i32
    %broadcast_in_dim3A_1087 = vector.broadcast %jit3A_1086 : i32 to vector<16xi32>
    %select_n3A_1088 = arith.select %eq3A_1085, %broadcast_in_dim3A_1087, %select_n3A_1084 : vector<16xi1>, vector<16xi32>
    %eq3A_1089 = arith.cmpf oeq, %get3A_1030, %max3A_1058 : vector<16xf32>
    %jit3A_1090 = arith.constant 0 : i32
    %broadcast_in_dim3A_1091 = vector.broadcast %jit3A_1090 : i32 to vector<16xi32>
    %select_n3A_1092 = arith.select %eq3A_1089, %broadcast_in_dim3A_1091, %select_n3A_1088 : vector<16xi1>, vector<16xi32>
    %eq3A_1093 = arith.constant 0 : i32
    %eq3A_1094 = vector.broadcast %eq3A_1093 : i32 to vector<16xi32>
    %eq3A_1095 = arith.cmpi eq, %select_n3A_1092, %eq3A_1094 : vector<16xi32>
    %jit3A_1096 = arith.constant 0xFF800000 : f32
    %broadcast_in_dim3A_1097 = vector.broadcast %jit3A_1096 : f32 to vector<16xf32>
    %select_n3A_1098 = arith.select %eq3A_1095, %broadcast_in_dim3A_1097, %get3A_1030 : vector<16xi1>, vector<16xf32>
    %eq3A_1099 = arith.constant 1 : i32
    %eq3A_1100 = vector.broadcast %eq3A_1099 : i32 to vector<16xi32>
    %eq3A_1101 = arith.cmpi eq, %select_n3A_1092, %eq3A_1100 : vector<16xi32>
    %jit3A_1102 = arith.constant 0xFF800000 : f32
    %broadcast_in_dim3A_1103 = vector.broadcast %jit3A_1102 : f32 to vector<16xf32>
    %select_n3A_1104 = arith.select %eq3A_1101, %broadcast_in_dim3A_1103, %get3A_1033 : vector<16xi1>, vector<16xf32>
    %max3A_1105 = arith.maximumf %select_n3A_1098, %select_n3A_1104 : vector<16xf32>
    %eq3A_1106 = arith.constant 2 : i32
    %eq3A_1107 = vector.broadcast %eq3A_1106 : i32 to vector<16xi32>
    %eq3A_1108 = arith.cmpi eq, %select_n3A_1092, %eq3A_1107 : vector<16xi32>
    %jit3A_1109 = arith.constant 0xFF800000 : f32
    %broadcast_in_dim3A_1110 = vector.broadcast %jit3A_1109 : f32 to vector<16xf32>
    %select_n3A_1111 = arith.select %eq3A_1108, %broadcast_in_dim3A_1110, %get3A_1036 : vector<16xi1>, vector<16xf32>
    %max3A_1112 = arith.maximumf %max3A_1105, %select_n3A_1111 : vector<16xf32>
    %eq3A_1113 = arith.constant 3 : i32
    %eq3A_1114 = vector.broadcast %eq3A_1113 : i32 to vector<16xi32>
    %eq3A_1115 = arith.cmpi eq, %select_n3A_1092, %eq3A_1114 : vector<16xi32>
    %jit3A_1116 = arith.constant 0xFF800000 : f32
    %broadcast_in_dim3A_1117 = vector.broadcast %jit3A_1116 : f32 to vector<16xf32>
    %select_n3A_1118 = arith.select %eq3A_1115, %broadcast_in_dim3A_1117, %get3A_1039 : vector<16xi1>, vector<16xf32>
    %max3A_1119 = arith.maximumf %max3A_1112, %select_n3A_1118 : vector<16xf32>
    %eq3A_1120 = arith.constant 4 : i32
    %eq3A_1121 = vector.broadcast %eq3A_1120 : i32 to vector<16xi32>
    %eq3A_1122 = arith.cmpi eq, %select_n3A_1092, %eq3A_1121 : vector<16xi32>
    %jit3A_1123 = arith.constant 0xFF800000 : f32
    %broadcast_in_dim3A_1124 = vector.broadcast %jit3A_1123 : f32 to vector<16xf32>
    %select_n3A_1125 = arith.select %eq3A_1122, %broadcast_in_dim3A_1124, %get3A_1042 : vector<16xi1>, vector<16xf32>
    %max3A_1126 = arith.maximumf %max3A_1119, %select_n3A_1125 : vector<16xf32>
    %eq3A_1127 = arith.constant 5 : i32
    %eq3A_1128 = vector.broadcast %eq3A_1127 : i32 to vector<16xi32>
    %eq3A_1129 = arith.cmpi eq, %select_n3A_1092, %eq3A_1128 : vector<16xi32>
    %jit3A_1130 = arith.constant 0xFF800000 : f32
    %broadcast_in_dim3A_1131 = vector.broadcast %jit3A_1130 : f32 to vector<16xf32>
    %select_n3A_1132 = arith.select %eq3A_1129, %broadcast_in_dim3A_1131, %get3A_1045 : vector<16xi1>, vector<16xf32>
    %max3A_1133 = arith.maximumf %max3A_1126, %select_n3A_1132 : vector<16xf32>
    %eq3A_1134 = arith.constant 6 : i32
    %eq3A_1135 = vector.broadcast %eq3A_1134 : i32 to vector<16xi32>
    %eq3A_1136 = arith.cmpi eq, %select_n3A_1092, %eq3A_1135 : vector<16xi32>
    %jit3A_1137 = arith.constant 0xFF800000 : f32
    %broadcast_in_dim3A_1138 = vector.broadcast %jit3A_1137 : f32 to vector<16xf32>
    %select_n3A_1139 = arith.select %eq3A_1136, %broadcast_in_dim3A_1138, %get3A_1048 : vector<16xi1>, vector<16xf32>
    %max3A_1140 = arith.maximumf %max3A_1133, %select_n3A_1139 : vector<16xf32>
    %eq3A_1141 = arith.constant 7 : i32
    %eq3A_1142 = vector.broadcast %eq3A_1141 : i32 to vector<16xi32>
    %eq3A_1143 = arith.cmpi eq, %select_n3A_1092, %eq3A_1142 : vector<16xi32>
    %jit3A_1144 = arith.constant 0xFF800000 : f32
    %broadcast_in_dim3A_1145 = vector.broadcast %jit3A_1144 : f32 to vector<16xf32>
    %select_n3A_1146 = arith.select %eq3A_1143, %broadcast_in_dim3A_1145, %get3A_1051 : vector<16xi1>, vector<16xf32>
    %max3A_1147 = arith.maximumf %max3A_1140, %select_n3A_1146 : vector<16xf32>
    %broadcast_in_dim3A_1148 = arith.constant 8 : i32
    %broadcast_in_dim3A_1149 = vector.broadcast %broadcast_in_dim3A_1148 : i32 to vector<16xi32>
    %eq3A_1150 = arith.cmpf oeq, %get3A_1051, %max3A_1147 : vector<16xf32>
    %ne3A_1151 = arith.constant 7 : i32
    %ne3A_1152 = vector.broadcast %ne3A_1151 : i32 to vector<16xi32>
    %ne3A_1153 = arith.cmpi ne, %select_n3A_1092, %ne3A_1152 : vector<16xi32>
    %and3A_1154 = arith.andi %eq3A_1150, %ne3A_1153 : vector<16xi1>
    %jit3A_1155 = arith.constant 7 : i32
    %broadcast_in_dim3A_1156 = vector.broadcast %jit3A_1155 : i32 to vector<16xi32>
    %select_n3A_1157 = arith.select %and3A_1154, %broadcast_in_dim3A_1156, %broadcast_in_dim3A_1149 : vector<16xi1>, vector<16xi32>
    %eq3A_1158 = arith.cmpf oeq, %get3A_1048, %max3A_1147 : vector<16xf32>
    %ne3A_1159 = arith.constant 6 : i32
    %ne3A_1160 = vector.broadcast %ne3A_1159 : i32 to vector<16xi32>
    %ne3A_1161 = arith.cmpi ne, %select_n3A_1092, %ne3A_1160 : vector<16xi32>
    %and3A_1162 = arith.andi %eq3A_1158, %ne3A_1161 : vector<16xi1>
    %jit3A_1163 = arith.constant 6 : i32
    %broadcast_in_dim3A_1164 = vector.broadcast %jit3A_1163 : i32 to vector<16xi32>
    %select_n3A_1165 = arith.select %and3A_1162, %broadcast_in_dim3A_1164, %select_n3A_1157 : vector<16xi1>, vector<16xi32>
    %eq3A_1166 = arith.cmpf oeq, %get3A_1045, %max3A_1147 : vector<16xf32>
    %ne3A_1167 = arith.constant 5 : i32
    %ne3A_1168 = vector.broadcast %ne3A_1167 : i32 to vector<16xi32>
    %ne3A_1169 = arith.cmpi ne, %select_n3A_1092, %ne3A_1168 : vector<16xi32>
    %and3A_1170 = arith.andi %eq3A_1166, %ne3A_1169 : vector<16xi1>
    %jit3A_1171 = arith.constant 5 : i32
    %broadcast_in_dim3A_1172 = vector.broadcast %jit3A_1171 : i32 to vector<16xi32>
    %select_n3A_1173 = arith.select %and3A_1170, %broadcast_in_dim3A_1172, %select_n3A_1165 : vector<16xi1>, vector<16xi32>
    %eq3A_1174 = arith.cmpf oeq, %get3A_1042, %max3A_1147 : vector<16xf32>
    %ne3A_1175 = arith.constant 4 : i32
    %ne3A_1176 = vector.broadcast %ne3A_1175 : i32 to vector<16xi32>
    %ne3A_1177 = arith.cmpi ne, %select_n3A_1092, %ne3A_1176 : vector<16xi32>
    %and3A_1178 = arith.andi %eq3A_1174, %ne3A_1177 : vector<16xi1>
    %jit3A_1179 = arith.constant 4 : i32
    %broadcast_in_dim3A_1180 = vector.broadcast %jit3A_1179 : i32 to vector<16xi32>
    %select_n3A_1181 = arith.select %and3A_1178, %broadcast_in_dim3A_1180, %select_n3A_1173 : vector<16xi1>, vector<16xi32>
    %eq3A_1182 = arith.cmpf oeq, %get3A_1039, %max3A_1147 : vector<16xf32>
    %ne3A_1183 = arith.constant 3 : i32
    %ne3A_1184 = vector.broadcast %ne3A_1183 : i32 to vector<16xi32>
    %ne3A_1185 = arith.cmpi ne, %select_n3A_1092, %ne3A_1184 : vector<16xi32>
    %and3A_1186 = arith.andi %eq3A_1182, %ne3A_1185 : vector<16xi1>
    %jit3A_1187 = arith.constant 3 : i32
    %broadcast_in_dim3A_1188 = vector.broadcast %jit3A_1187 : i32 to vector<16xi32>
    %select_n3A_1189 = arith.select %and3A_1186, %broadcast_in_dim3A_1188, %select_n3A_1181 : vector<16xi1>, vector<16xi32>
    %eq3A_1190 = arith.cmpf oeq, %get3A_1036, %max3A_1147 : vector<16xf32>
    %ne3A_1191 = arith.constant 2 : i32
    %ne3A_1192 = vector.broadcast %ne3A_1191 : i32 to vector<16xi32>
    %ne3A_1193 = arith.cmpi ne, %select_n3A_1092, %ne3A_1192 : vector<16xi32>
    %and3A_1194 = arith.andi %eq3A_1190, %ne3A_1193 : vector<16xi1>
    %jit3A_1195 = arith.constant 2 : i32
    %broadcast_in_dim3A_1196 = vector.broadcast %jit3A_1195 : i32 to vector<16xi32>
    %select_n3A_1197 = arith.select %and3A_1194, %broadcast_in_dim3A_1196, %select_n3A_1189 : vector<16xi1>, vector<16xi32>
    %eq3A_1198 = arith.cmpf oeq, %get3A_1033, %max3A_1147 : vector<16xf32>
    %ne3A_1199 = arith.constant 1 : i32
    %ne3A_1200 = vector.broadcast %ne3A_1199 : i32 to vector<16xi32>
    %ne3A_1201 = arith.cmpi ne, %select_n3A_1092, %ne3A_1200 : vector<16xi32>
    %and3A_1202 = arith.andi %eq3A_1198, %ne3A_1201 : vector<16xi1>
    %jit3A_1203 = arith.constant 1 : i32
    %broadcast_in_dim3A_1204 = vector.broadcast %jit3A_1203 : i32 to vector<16xi32>
    %select_n3A_1205 = arith.select %and3A_1202, %broadcast_in_dim3A_1204, %select_n3A_1197 : vector<16xi1>, vector<16xi32>
    %eq3A_1206 = arith.cmpf oeq, %get3A_1030, %max3A_1147 : vector<16xf32>
    %ne3A_1207 = arith.constant 0 : i32
    %ne3A_1208 = vector.broadcast %ne3A_1207 : i32 to vector<16xi32>
    %ne3A_1209 = arith.cmpi ne, %select_n3A_1092, %ne3A_1208 : vector<16xi32>
    %and3A_1210 = arith.andi %eq3A_1206, %ne3A_1209 : vector<16xi1>
    %jit3A_1211 = arith.constant 0 : i32
    %broadcast_in_dim3A_1212 = vector.broadcast %jit3A_1211 : i32 to vector<16xi32>
    %select_n3A_1213 = arith.select %and3A_1210, %broadcast_in_dim3A_1212, %select_n3A_1205 : vector<16xi1>, vector<16xi32>
    %sub3A_1214 = arith.subf %max3A_1147, %max3A_1058 : vector<16xf32>
    %exp3A_1215 = math.exp %sub3A_1214 : vector<16xf32>
    %add3A_1216 = arith.constant 1.000000e+00 : f32
    %add3A_1217 = vector.broadcast %add3A_1216 : f32 to vector<16xf32>
    %add3A_1218 = arith.addf %add3A_1217, %exp3A_1215 : vector<16xf32>
    %div3A_1219 = arith.constant 1.000000e+00 : f32
    %div3A_1220 = vector.broadcast %div3A_1219 : f32 to vector<16xf32>
    %div3A_1221 = arith.divf %div3A_1220, %add3A_1218 : vector<16xf32>
    %sub3A_1222 = arith.constant 1.000000e+00 : f32
    %sub3A_1223 = vector.broadcast %sub3A_1222 : f32 to vector<16xf32>
    %sub3A_1224 = arith.subf %sub3A_1223, %div3A_1221 : vector<16xf32>
    %eq3A_1225 = arith.constant 0 : i32
    %eq3A_1226 = vector.broadcast %eq3A_1225 : i32 to vector<16xi32>
    %eq3A_1227 = arith.cmpi eq, %select_n3A_1092, %eq3A_1226 : vector<16xi32>
    %eq3A_1228 = arith.constant 0 : i32
    %eq3A_1229 = vector.broadcast %eq3A_1228 : i32 to vector<16xi32>
    %eq3A_1230 = arith.cmpi eq, %select_n3A_1213, %eq3A_1229 : vector<16xi32>
    %jit3A_1231 = arith.constant 0.000000e+00 : f32
    %broadcast_in_dim3A_1232 = vector.broadcast %jit3A_1231 : f32 to vector<16xf32>
    %select_n3A_1233 = arith.select %eq3A_1230, %sub3A_1224, %broadcast_in_dim3A_1232 : vector<16xi1>, vector<16xf32>
    %select_n3A_1234 = arith.select %eq3A_1227, %div3A_1221, %select_n3A_1233 : vector<16xi1>, vector<16xf32>
    %swap3A_1235 = arith.constant 48 : index
    %swap3A_1236 = tpu.vector_load %arg5[%swap3A_1235] {strides = array<i32>} : memref<1024xf32, #tpu.memory_space<vmem>>, vector<16xf32>,
    %swap3A_1237 = vector.shape_cast %swap3A_1236 : vector<16xf32> to vector<16xf32>
    %swap3A_1238 = vector.shape_cast %select_n3A_1234 : vector<16xf32> to vector<16xf32>
    tpu.vector_store %arg5[%swap3A_1235], %swap3A_1238 {strides = array<i32>} : memref<1024xf32, #tpu.memory_space<vmem>>, vector<16xf32>,
    %eq3A_1239 = arith.constant 1 : i32
    %eq3A_1240 = vector.broadcast %eq3A_1239 : i32 to vector<16xi32>
    %eq3A_1241 = arith.cmpi eq, %select_n3A_1092, %eq3A_1240 : vector<16xi32>
    %eq3A_1242 = arith.constant 1 : i32
    %eq3A_1243 = vector.broadcast %eq3A_1242 : i32 to vector<16xi32>
    %eq3A_1244 = arith.cmpi eq, %select_n3A_1213, %eq3A_1243 : vector<16xi32>
    %jit3A_1245 = arith.constant 0.000000e+00 : f32
    %broadcast_in_dim3A_1246 = vector.broadcast %jit3A_1245 : f32 to vector<16xf32>
    %select_n3A_1247 = arith.select %eq3A_1244, %sub3A_1224, %broadcast_in_dim3A_1246 : vector<16xi1>, vector<16xf32>
    %select_n3A_1248 = arith.select %eq3A_1241, %div3A_1221, %select_n3A_1247 : vector<16xi1>, vector<16xf32>
    %swap3A_1249 = arith.constant 176 : index
    %swap3A_1250 = tpu.vector_load %arg5[%swap3A_1249] {strides = array<i32>} : memref<1024xf32, #tpu.memory_space<vmem>>, vector<16xf32>,
    %swap3A_1251 = vector.shape_cast %swap3A_1250 : vector<16xf32> to vector<16xf32>
    %swap3A_1252 = vector.shape_cast %select_n3A_1248 : vector<16xf32> to vector<16xf32>
    tpu.vector_store %arg5[%swap3A_1249], %swap3A_1252 {strides = array<i32>} : memref<1024xf32, #tpu.memory_space<vmem>>, vector<16xf32>,
    %eq3A_1253 = arith.constant 2 : i32
    %eq3A_1254 = vector.broadcast %eq3A_1253 : i32 to vector<16xi32>
    %eq3A_1255 = arith.cmpi eq, %select_n3A_1092, %eq3A_1254 : vector<16xi32>
    %eq3A_1256 = arith.constant 2 : i32
    %eq3A_1257 = vector.broadcast %eq3A_1256 : i32 to vector<16xi32>
    %eq3A_1258 = arith.cmpi eq, %select_n3A_1213, %eq3A_1257 : vector<16xi32>
    %jit3A_1259 = arith.constant 0.000000e+00 : f32
    %broadcast_in_dim3A_1260 = vector.broadcast %jit3A_1259 : f32 to vector<16xf32>
    %select_n3A_1261 = arith.select %eq3A_1258, %sub3A_1224, %broadcast_in_dim3A_1260 : vector<16xi1>, vector<16xf32>
    %select_n3A_1262 = arith.select %eq3A_1255, %div3A_1221, %select_n3A_1261 : vector<16xi1>, vector<16xf32>
    %swap3A_1263 = arith.constant 304 : index
    %swap3A_1264 = tpu.vector_load %arg5[%swap3A_1263] {strides = array<i32>} : memref<1024xf32, #tpu.memory_space<vmem>>, vector<16xf32>,
    %swap3A_1265 = vector.shape_cast %swap3A_1264 : vector<16xf32> to vector<16xf32>
    %swap3A_1266 = vector.shape_cast %select_n3A_1262 : vector<16xf32> to vector<16xf32>
    tpu.vector_store %arg5[%swap3A_1263], %swap3A_1266 {strides = array<i32>} : memref<1024xf32, #tpu.memory_space<vmem>>, vector<16xf32>,
    %eq3A_1267 = arith.constant 3 : i32
    %eq3A_1268 = vector.broadcast %eq3A_1267 : i32 to vector<16xi32>
    %eq3A_1269 = arith.cmpi eq, %select_n3A_1092, %eq3A_1268 : vector<16xi32>
    %eq3A_1270 = arith.constant 3 : i32
    %eq3A_1271 = vector.broadcast %eq3A_1270 : i32 to vector<16xi32>
    %eq3A_1272 = arith.cmpi eq, %select_n3A_1213, %eq3A_1271 : vector<16xi32>
    %jit3A_1273 = arith.constant 0.000000e+00 : f32
    %broadcast_in_dim3A_1274 = vector.broadcast %jit3A_1273 : f32 to vector<16xf32>
    %select_n3A_1275 = arith.select %eq3A_1272, %sub3A_1224, %broadcast_in_dim3A_1274 : vector<16xi1>, vector<16xf32>
    %select_n3A_1276 = arith.select %eq3A_1269, %div3A_1221, %select_n3A_1275 : vector<16xi1>, vector<16xf32>
    %swap3A_1277 = arith.constant 432 : index
    %swap3A_1278 = tpu.vector_load %arg5[%swap3A_1277] {strides = array<i32>} : memref<1024xf32, #tpu.memory_space<vmem>>, vector<16xf32>,
    %swap3A_1279 = vector.shape_cast %swap3A_1278 : vector<16xf32> to vector<16xf32>
    %swap3A_1280 = vector.shape_cast %select_n3A_1276 : vector<16xf32> to vector<16xf32>
    tpu.vector_store %arg5[%swap3A_1277], %swap3A_1280 {strides = array<i32>} : memref<1024xf32, #tpu.memory_space<vmem>>, vector<16xf32>,
    %eq3A_1281 = arith.constant 4 : i32
    %eq3A_1282 = vector.broadcast %eq3A_1281 : i32 to vector<16xi32>
    %eq3A_1283 = arith.cmpi eq, %select_n3A_1092, %eq3A_1282 : vector<16xi32>
    %eq3A_1284 = arith.constant 4 : i32
    %eq3A_1285 = vector.broadcast %eq3A_1284 : i32 to vector<16xi32>
    %eq3A_1286 = arith.cmpi eq, %select_n3A_1213, %eq3A_1285 : vector<16xi32>
    %jit3A_1287 = arith.constant 0.000000e+00 : f32
    %broadcast_in_dim3A_1288 = vector.broadcast %jit3A_1287 : f32 to vector<16xf32>
    %select_n3A_1289 = arith.select %eq3A_1286, %sub3A_1224, %broadcast_in_dim3A_1288 : vector<16xi1>, vector<16xf32>
    %select_n3A_1290 = arith.select %eq3A_1283, %div3A_1221, %select_n3A_1289 : vector<16xi1>, vector<16xf32>
    %swap3A_1291 = arith.constant 560 : index
    %swap3A_1292 = tpu.vector_load %arg5[%swap3A_1291] {strides = array<i32>} : memref<1024xf32, #tpu.memory_space<vmem>>, vector<16xf32>,
    %swap3A_1293 = vector.shape_cast %swap3A_1292 : vector<16xf32> to vector<16xf32>
    %swap3A_1294 = vector.shape_cast %select_n3A_1290 : vector<16xf32> to vector<16xf32>
    tpu.vector_store %arg5[%swap3A_1291], %swap3A_1294 {strides = array<i32>} : memref<1024xf32, #tpu.memory_space<vmem>>, vector<16xf32>,
    %eq3A_1295 = arith.constant 5 : i32
    %eq3A_1296 = vector.broadcast %eq3A_1295 : i32 to vector<16xi32>
    %eq3A_1297 = arith.cmpi eq, %select_n3A_1092, %eq3A_1296 : vector<16xi32>
    %eq3A_1298 = arith.constant 5 : i32
    %eq3A_1299 = vector.broadcast %eq3A_1298 : i32 to vector<16xi32>
    %eq3A_1300 = arith.cmpi eq, %select_n3A_1213, %eq3A_1299 : vector<16xi32>
    %jit3A_1301 = arith.constant 0.000000e+00 : f32
    %broadcast_in_dim3A_1302 = vector.broadcast %jit3A_1301 : f32 to vector<16xf32>
    %select_n3A_1303 = arith.select %eq3A_1300, %sub3A_1224, %broadcast_in_dim3A_1302 : vector<16xi1>, vector<16xf32>
    %select_n3A_1304 = arith.select %eq3A_1297, %div3A_1221, %select_n3A_1303 : vector<16xi1>, vector<16xf32>
    %swap3A_1305 = arith.constant 688 : index
    %swap3A_1306 = tpu.vector_load %arg5[%swap3A_1305] {strides = array<i32>} : memref<1024xf32, #tpu.memory_space<vmem>>, vector<16xf32>,
    %swap3A_1307 = vector.shape_cast %swap3A_1306 : vector<16xf32> to vector<16xf32>
    %swap3A_1308 = vector.shape_cast %select_n3A_1304 : vector<16xf32> to vector<16xf32>
    tpu.vector_store %arg5[%swap3A_1305], %swap3A_1308 {strides = array<i32>} : memref<1024xf32, #tpu.memory_space<vmem>>, vector<16xf32>,
    %eq3A_1309 = arith.constant 6 : i32
    %eq3A_1310 = vector.broadcast %eq3A_1309 : i32 to vector<16xi32>
    %eq3A_1311 = arith.cmpi eq, %select_n3A_1092, %eq3A_1310 : vector<16xi32>
    %eq3A_1312 = arith.constant 6 : i32
    %eq3A_1313 = vector.broadcast %eq3A_1312 : i32 to vector<16xi32>
    %eq3A_1314 = arith.cmpi eq, %select_n3A_1213, %eq3A_1313 : vector<16xi32>
    %jit3A_1315 = arith.constant 0.000000e+00 : f32
    %broadcast_in_dim3A_1316 = vector.broadcast %jit3A_1315 : f32 to vector<16xf32>
    %select_n3A_1317 = arith.select %eq3A_1314, %sub3A_1224, %broadcast_in_dim3A_1316 : vector<16xi1>, vector<16xf32>
    %select_n3A_1318 = arith.select %eq3A_1311, %div3A_1221, %select_n3A_1317 : vector<16xi1>, vector<16xf32>
    %swap3A_1319 = arith.constant 816 : index
    %swap3A_1320 = tpu.vector_load %arg5[%swap3A_1319] {strides = array<i32>} : memref<1024xf32, #tpu.memory_space<vmem>>, vector<16xf32>,
    %swap3A_1321 = vector.shape_cast %swap3A_1320 : vector<16xf32> to vector<16xf32>
    %swap3A_1322 = vector.shape_cast %select_n3A_1318 : vector<16xf32> to vector<16xf32>
    tpu.vector_store %arg5[%swap3A_1319], %swap3A_1322 {strides = array<i32>} : memref<1024xf32, #tpu.memory_space<vmem>>, vector<16xf32>,
    %eq3A_1323 = arith.constant 7 : i32
    %eq3A_1324 = vector.broadcast %eq3A_1323 : i32 to vector<16xi32>
    %eq3A_1325 = arith.cmpi eq, %select_n3A_1092, %eq3A_1324 : vector<16xi32>
    %eq3A_1326 = arith.constant 7 : i32
    %eq3A_1327 = vector.broadcast %eq3A_1326 : i32 to vector<16xi32>
    %eq3A_1328 = arith.cmpi eq, %select_n3A_1213, %eq3A_1327 : vector<16xi32>
    %jit3A_1329 = arith.constant 0.000000e+00 : f32
    %broadcast_in_dim3A_1330 = vector.broadcast %jit3A_1329 : f32 to vector<16xf32>
    %select_n3A_1331 = arith.select %eq3A_1328, %sub3A_1224, %broadcast_in_dim3A_1330 : vector<16xi1>, vector<16xf32>
    %select_n3A_1332 = arith.select %eq3A_1325, %div3A_1221, %select_n3A_1331 : vector<16xi1>, vector<16xf32>
    %swap3A_1333 = arith.constant 944 : index
    %swap3A_1334 = tpu.vector_load %arg5[%swap3A_1333] {strides = array<i32>} : memref<1024xf32, #tpu.memory_space<vmem>>, vector<16xf32>,
    %swap3A_1335 = vector.shape_cast %swap3A_1334 : vector<16xf32> to vector<16xf32>
    %swap3A_1336 = vector.shape_cast %select_n3A_1332 : vector<16xf32> to vector<16xf32>
    tpu.vector_store %arg5[%swap3A_1333], %swap3A_1336 {strides = array<i32>} : memref<1024xf32, #tpu.memory_space<vmem>>, vector<16xf32>,
    %get3A_1337 = arith.constant 64 : index
    %get3A_1338 = tpu.vector_load %arg4[%get3A_1337] {strides = array<i32>} : memref<1024xf32, #tpu.memory_space<vmem>>, vector<16xf32>,
    %get3A_1339 = vector.shape_cast %get3A_1338 : vector<16xf32> to vector<16xf32>
    %get3A_1340 = arith.constant 192 : index
    %get3A_1341 = tpu.vector_load %arg4[%get3A_1340] {strides = array<i32>} : memref<1024xf32, #tpu.memory_space<vmem>>, vector<16xf32>,
    %get3A_1342 = vector.shape_cast %get3A_1341 : vector<16xf32> to vector<16xf32>
    %get3A_1343 = arith.constant 320 : index
    %get3A_1344 = tpu.vector_load %arg4[%get3A_1343] {strides = array<i32>} : memref<1024xf32, #tpu.memory_space<vmem>>, vector<16xf32>,
    %get3A_1345 = vector.shape_cast %get3A_1344 : vector<16xf32> to vector<16xf32>
    %get3A_1346 = arith.constant 448 : index
    %get3A_1347 = tpu.vector_load %arg4[%get3A_1346] {strides = array<i32>} : memref<1024xf32, #tpu.memory_space<vmem>>, vector<16xf32>,
    %get3A_1348 = vector.shape_cast %get3A_1347 : vector<16xf32> to vector<16xf32>
    %get3A_1349 = arith.constant 576 : index
    %get3A_1350 = tpu.vector_load %arg4[%get3A_1349] {strides = array<i32>} : memref<1024xf32, #tpu.memory_space<vmem>>, vector<16xf32>,
    %get3A_1351 = vector.shape_cast %get3A_1350 : vector<16xf32> to vector<16xf32>
    %get3A_1352 = arith.constant 704 : index
    %get3A_1353 = tpu.vector_load %arg4[%get3A_1352] {strides = array<i32>} : memref<1024xf32, #tpu.memory_space<vmem>>, vector<16xf32>,
    %get3A_1354 = vector.shape_cast %get3A_1353 : vector<16xf32> to vector<16xf32>
    %get3A_1355 = arith.constant 832 : index
    %get3A_1356 = tpu.vector_load %arg4[%get3A_1355] {strides = array<i32>} : memref<1024xf32, #tpu.memory_space<vmem>>, vector<16xf32>,
    %get3A_1357 = vector.shape_cast %get3A_1356 : vector<16xf32> to vector<16xf32>
    %get3A_1358 = arith.constant 960 : index
    %get3A_1359 = tpu.vector_load %arg4[%get3A_1358] {strides = array<i32>} : memref<1024xf32, #tpu.memory_space<vmem>>, vector<16xf32>,
    %get3A_1360 = vector.shape_cast %get3A_1359 : vector<16xf32> to vector<16xf32>
    %max3A_1361 = arith.maximumf %get3A_1339, %get3A_1342 : vector<16xf32>
    %max3A_1362 = arith.maximumf %max3A_1361, %get3A_1345 : vector<16xf32>
    %max3A_1363 = arith.maximumf %max3A_1362, %get3A_1348 : vector<16xf32>
    %max3A_1364 = arith.maximumf %max3A_1363, %get3A_1351 : vector<16xf32>
    %max3A_1365 = arith.maximumf %max3A_1364, %get3A_1354 : vector<16xf32>
    %max3A_1366 = arith.maximumf %max3A_1365, %get3A_1357 : vector<16xf32>
    %max3A_1367 = arith.maximumf %max3A_1366, %get3A_1360 : vector<16xf32>
    %broadcast_in_dim3A_1368 = arith.constant 8 : i32
    %broadcast_in_dim3A_1369 = vector.broadcast %broadcast_in_dim3A_1368 : i32 to vector<16xi32>
    %eq3A_1370 = arith.cmpf oeq, %get3A_1360, %max3A_1367 : vector<16xf32>
    %jit3A_1371 = arith.constant 7 : i32
    %broadcast_in_dim3A_1372 = vector.broadcast %jit3A_1371 : i32 to vector<16xi32>
    %select_n3A_1373 = arith.select %eq3A_1370, %broadcast_in_dim3A_1372, %broadcast_in_dim3A_1369 : vector<16xi1>, vector<16xi32>
    %eq3A_1374 = arith.cmpf oeq, %get3A_1357, %max3A_1367 : vector<16xf32>
    %jit3A_1375 = arith.constant 6 : i32
    %broadcast_in_dim3A_1376 = vector.broadcast %jit3A_1375 : i32 to vector<16xi32>
    %select_n3A_1377 = arith.select %eq3A_1374, %broadcast_in_dim3A_1376, %select_n3A_1373 : vector<16xi1>, vector<16xi32>
    %eq3A_1378 = arith.cmpf oeq, %get3A_1354, %max3A_1367 : vector<16xf32>
    %jit3A_1379 = arith.constant 5 : i32
    %broadcast_in_dim3A_1380 = vector.broadcast %jit3A_1379 : i32 to vector<16xi32>
    %select_n3A_1381 = arith.select %eq3A_1378, %broadcast_in_dim3A_1380, %select_n3A_1377 : vector<16xi1>, vector<16xi32>
    %eq3A_1382 = arith.cmpf oeq, %get3A_1351, %max3A_1367 : vector<16xf32>
    %jit3A_1383 = arith.constant 4 : i32
    %broadcast_in_dim3A_1384 = vector.broadcast %jit3A_1383 : i32 to vector<16xi32>
    %select_n3A_1385 = arith.select %eq3A_1382, %broadcast_in_dim3A_1384, %select_n3A_1381 : vector<16xi1>, vector<16xi32>
    %eq3A_1386 = arith.cmpf oeq, %get3A_1348, %max3A_1367 : vector<16xf32>
    %jit3A_1387 = arith.constant 3 : i32
    %broadcast_in_dim3A_1388 = vector.broadcast %jit3A_1387 : i32 to vector<16xi32>
    %select_n3A_1389 = arith.select %eq3A_1386, %broadcast_in_dim3A_1388, %select_n3A_1385 : vector<16xi1>, vector<16xi32>
    %eq3A_1390 = arith.cmpf oeq, %get3A_1345, %max3A_1367 : vector<16xf32>
    %jit3A_1391 = arith.constant 2 : i32
    %broadcast_in_dim3A_1392 = vector.broadcast %jit3A_1391 : i32 to vector<16xi32>
    %select_n3A_1393 = arith.select %eq3A_1390, %broadcast_in_dim3A_1392, %select_n3A_1389 : vector<16xi1>, vector<16xi32>
    %eq3A_1394 = arith.cmpf oeq, %get3A_1342, %max3A_1367 : vector<16xf32>
    %jit3A_1395 = arith.constant 1 : i32
    %broadcast_in_dim3A_1396 = vector.broadcast %jit3A_1395 : i32 to vector<16xi32>
    %select_n3A_1397 = arith.select %eq3A_1394, %broadcast_in_dim3A_1396, %select_n3A_1393 : vector<16xi1>, vector<16xi32>
    %eq3A_1398 = arith.cmpf oeq, %get3A_1339, %max3A_1367 : vector<16xf32>
    %jit3A_1399 = arith.constant 0 : i32
    %broadcast_in_dim3A_1400 = vector.broadcast %jit3A_1399 : i32 to vector<16xi32>
    %select_n3A_1401 = arith.select %eq3A_1398, %broadcast_in_dim3A_1400, %select_n3A_1397 : vector<16xi1>, vector<16xi32>
    %eq3A_1402 = arith.constant 0 : i32
    %eq3A_1403 = vector.broadcast %eq3A_1402 : i32 to vector<16xi32>
    %eq3A_1404 = arith.cmpi eq, %select_n3A_1401, %eq3A_1403 : vector<16xi32>
    %jit3A_1405 = arith.constant 0xFF800000 : f32
    %broadcast_in_dim3A_1406 = vector.broadcast %jit3A_1405 : f32 to vector<16xf32>
    %select_n3A_1407 = arith.select %eq3A_1404, %broadcast_in_dim3A_1406, %get3A_1339 : vector<16xi1>, vector<16xf32>
    %eq3A_1408 = arith.constant 1 : i32
    %eq3A_1409 = vector.broadcast %eq3A_1408 : i32 to vector<16xi32>
    %eq3A_1410 = arith.cmpi eq, %select_n3A_1401, %eq3A_1409 : vector<16xi32>
    %jit3A_1411 = arith.constant 0xFF800000 : f32
    %broadcast_in_dim3A_1412 = vector.broadcast %jit3A_1411 : f32 to vector<16xf32>
    %select_n3A_1413 = arith.select %eq3A_1410, %broadcast_in_dim3A_1412, %get3A_1342 : vector<16xi1>, vector<16xf32>
    %max3A_1414 = arith.maximumf %select_n3A_1407, %select_n3A_1413 : vector<16xf32>
    %eq3A_1415 = arith.constant 2 : i32
    %eq3A_1416 = vector.broadcast %eq3A_1415 : i32 to vector<16xi32>
    %eq3A_1417 = arith.cmpi eq, %select_n3A_1401, %eq3A_1416 : vector<16xi32>
    %jit3A_1418 = arith.constant 0xFF800000 : f32
    %broadcast_in_dim3A_1419 = vector.broadcast %jit3A_1418 : f32 to vector<16xf32>
    %select_n3A_1420 = arith.select %eq3A_1417, %broadcast_in_dim3A_1419, %get3A_1345 : vector<16xi1>, vector<16xf32>
    %max3A_1421 = arith.maximumf %max3A_1414, %select_n3A_1420 : vector<16xf32>
    %eq3A_1422 = arith.constant 3 : i32
    %eq3A_1423 = vector.broadcast %eq3A_1422 : i32 to vector<16xi32>
    %eq3A_1424 = arith.cmpi eq, %select_n3A_1401, %eq3A_1423 : vector<16xi32>
    %jit3A_1425 = arith.constant 0xFF800000 : f32
    %broadcast_in_dim3A_1426 = vector.broadcast %jit3A_1425 : f32 to vector<16xf32>
    %select_n3A_1427 = arith.select %eq3A_1424, %broadcast_in_dim3A_1426, %get3A_1348 : vector<16xi1>, vector<16xf32>
    %max3A_1428 = arith.maximumf %max3A_1421, %select_n3A_1427 : vector<16xf32>
    %eq3A_1429 = arith.constant 4 : i32
    %eq3A_1430 = vector.broadcast %eq3A_1429 : i32 to vector<16xi32>
    %eq3A_1431 = arith.cmpi eq, %select_n3A_1401, %eq3A_1430 : vector<16xi32>
    %jit3A_1432 = arith.constant 0xFF800000 : f32
    %broadcast_in_dim3A_1433 = vector.broadcast %jit3A_1432 : f32 to vector<16xf32>
    %select_n3A_1434 = arith.select %eq3A_1431, %broadcast_in_dim3A_1433, %get3A_1351 : vector<16xi1>, vector<16xf32>
    %max3A_1435 = arith.maximumf %max3A_1428, %select_n3A_1434 : vector<16xf32>
    %eq3A_1436 = arith.constant 5 : i32
    %eq3A_1437 = vector.broadcast %eq3A_1436 : i32 to vector<16xi32>
    %eq3A_1438 = arith.cmpi eq, %select_n3A_1401, %eq3A_1437 : vector<16xi32>
    %jit3A_1439 = arith.constant 0xFF800000 : f32
    %broadcast_in_dim3A_1440 = vector.broadcast %jit3A_1439 : f32 to vector<16xf32>
    %select_n3A_1441 = arith.select %eq3A_1438, %broadcast_in_dim3A_1440, %get3A_1354 : vector<16xi1>, vector<16xf32>
    %max3A_1442 = arith.maximumf %max3A_1435, %select_n3A_1441 : vector<16xf32>
    %eq3A_1443 = arith.constant 6 : i32
    %eq3A_1444 = vector.broadcast %eq3A_1443 : i32 to vector<16xi32>
    %eq3A_1445 = arith.cmpi eq, %select_n3A_1401, %eq3A_1444 : vector<16xi32>
    %jit3A_1446 = arith.constant 0xFF800000 : f32
    %broadcast_in_dim3A_1447 = vector.broadcast %jit3A_1446 : f32 to vector<16xf32>
    %select_n3A_1448 = arith.select %eq3A_1445, %broadcast_in_dim3A_1447, %get3A_1357 : vector<16xi1>, vector<16xf32>
    %max3A_1449 = arith.maximumf %max3A_1442, %select_n3A_1448 : vector<16xf32>
    %eq3A_1450 = arith.constant 7 : i32
    %eq3A_1451 = vector.broadcast %eq3A_1450 : i32 to vector<16xi32>
    %eq3A_1452 = arith.cmpi eq, %select_n3A_1401, %eq3A_1451 : vector<16xi32>
    %jit3A_1453 = arith.constant 0xFF800000 : f32
    %broadcast_in_dim3A_1454 = vector.broadcast %jit3A_1453 : f32 to vector<16xf32>
    %select_n3A_1455 = arith.select %eq3A_1452, %broadcast_in_dim3A_1454, %get3A_1360 : vector<16xi1>, vector<16xf32>
    %max3A_1456 = arith.maximumf %max3A_1449, %select_n3A_1455 : vector<16xf32>
    %broadcast_in_dim3A_1457 = arith.constant 8 : i32
    %broadcast_in_dim3A_1458 = vector.broadcast %broadcast_in_dim3A_1457 : i32 to vector<16xi32>
    %eq3A_1459 = arith.cmpf oeq, %get3A_1360, %max3A_1456 : vector<16xf32>
    %ne3A_1460 = arith.constant 7 : i32
    %ne3A_1461 = vector.broadcast %ne3A_1460 : i32 to vector<16xi32>
    %ne3A_1462 = arith.cmpi ne, %select_n3A_1401, %ne3A_1461 : vector<16xi32>
    %and3A_1463 = arith.andi %eq3A_1459, %ne3A_1462 : vector<16xi1>
    %jit3A_1464 = arith.constant 7 : i32
    %broadcast_in_dim3A_1465 = vector.broadcast %jit3A_1464 : i32 to vector<16xi32>
    %select_n3A_1466 = arith.select %and3A_1463, %broadcast_in_dim3A_1465, %broadcast_in_dim3A_1458 : vector<16xi1>, vector<16xi32>
    %eq3A_1467 = arith.cmpf oeq, %get3A_1357, %max3A_1456 : vector<16xf32>
    %ne3A_1468 = arith.constant 6 : i32
    %ne3A_1469 = vector.broadcast %ne3A_1468 : i32 to vector<16xi32>
    %ne3A_1470 = arith.cmpi ne, %select_n3A_1401, %ne3A_1469 : vector<16xi32>
    %and3A_1471 = arith.andi %eq3A_1467, %ne3A_1470 : vector<16xi1>
    %jit3A_1472 = arith.constant 6 : i32
    %broadcast_in_dim3A_1473 = vector.broadcast %jit3A_1472 : i32 to vector<16xi32>
    %select_n3A_1474 = arith.select %and3A_1471, %broadcast_in_dim3A_1473, %select_n3A_1466 : vector<16xi1>, vector<16xi32>
    %eq3A_1475 = arith.cmpf oeq, %get3A_1354, %max3A_1456 : vector<16xf32>
    %ne3A_1476 = arith.constant 5 : i32
    %ne3A_1477 = vector.broadcast %ne3A_1476 : i32 to vector<16xi32>
    %ne3A_1478 = arith.cmpi ne, %select_n3A_1401, %ne3A_1477 : vector<16xi32>
    %and3A_1479 = arith.andi %eq3A_1475, %ne3A_1478 : vector<16xi1>
    %jit3A_1480 = arith.constant 5 : i32
    %broadcast_in_dim3A_1481 = vector.broadcast %jit3A_1480 : i32 to vector<16xi32>
    %select_n3A_1482 = arith.select %and3A_1479, %broadcast_in_dim3A_1481, %select_n3A_1474 : vector<16xi1>, vector<16xi32>
    %eq3A_1483 = arith.cmpf oeq, %get3A_1351, %max3A_1456 : vector<16xf32>
    %ne3A_1484 = arith.constant 4 : i32
    %ne3A_1485 = vector.broadcast %ne3A_1484 : i32 to vector<16xi32>
    %ne3A_1486 = arith.cmpi ne, %select_n3A_1401, %ne3A_1485 : vector<16xi32>
    %and3A_1487 = arith.andi %eq3A_1483, %ne3A_1486 : vector<16xi1>
    %jit3A_1488 = arith.constant 4 : i32
    %broadcast_in_dim3A_1489 = vector.broadcast %jit3A_1488 : i32 to vector<16xi32>
    %select_n3A_1490 = arith.select %and3A_1487, %broadcast_in_dim3A_1489, %select_n3A_1482 : vector<16xi1>, vector<16xi32>
    %eq3A_1491 = arith.cmpf oeq, %get3A_1348, %max3A_1456 : vector<16xf32>
    %ne3A_1492 = arith.constant 3 : i32
    %ne3A_1493 = vector.broadcast %ne3A_1492 : i32 to vector<16xi32>
    %ne3A_1494 = arith.cmpi ne, %select_n3A_1401, %ne3A_1493 : vector<16xi32>
    %and3A_1495 = arith.andi %eq3A_1491, %ne3A_1494 : vector<16xi1>
    %jit3A_1496 = arith.constant 3 : i32
    %broadcast_in_dim3A_1497 = vector.broadcast %jit3A_1496 : i32 to vector<16xi32>
    %select_n3A_1498 = arith.select %and3A_1495, %broadcast_in_dim3A_1497, %select_n3A_1490 : vector<16xi1>, vector<16xi32>
    %eq3A_1499 = arith.cmpf oeq, %get3A_1345, %max3A_1456 : vector<16xf32>
    %ne3A_1500 = arith.constant 2 : i32
    %ne3A_1501 = vector.broadcast %ne3A_1500 : i32 to vector<16xi32>
    %ne3A_1502 = arith.cmpi ne, %select_n3A_1401, %ne3A_1501 : vector<16xi32>
    %and3A_1503 = arith.andi %eq3A_1499, %ne3A_1502 : vector<16xi1>
    %jit3A_1504 = arith.constant 2 : i32
    %broadcast_in_dim3A_1505 = vector.broadcast %jit3A_1504 : i32 to vector<16xi32>
    %select_n3A_1506 = arith.select %and3A_1503, %broadcast_in_dim3A_1505, %select_n3A_1498 : vector<16xi1>, vector<16xi32>
    %eq3A_1507 = arith.cmpf oeq, %get3A_1342, %max3A_1456 : vector<16xf32>
    %ne3A_1508 = arith.constant 1 : i32
    %ne3A_1509 = vector.broadcast %ne3A_1508 : i32 to vector<16xi32>
    %ne3A_1510 = arith.cmpi ne, %select_n3A_1401, %ne3A_1509 : vector<16xi32>
    %and3A_1511 = arith.andi %eq3A_1507, %ne3A_1510 : vector<16xi1>
    %jit3A_1512 = arith.constant 1 : i32
    %broadcast_in_dim3A_1513 = vector.broadcast %jit3A_1512 : i32 to vector<16xi32>
    %select_n3A_1514 = arith.select %and3A_1511, %broadcast_in_dim3A_1513, %select_n3A_1506 : vector<16xi1>, vector<16xi32>
    %eq3A_1515 = arith.cmpf oeq, %get3A_1339, %max3A_1456 : vector<16xf32>
    %ne3A_1516 = arith.constant 0 : i32
    %ne3A_1517 = vector.broadcast %ne3A_1516 : i32 to vector<16xi32>
    %ne3A_1518 = arith.cmpi ne, %select_n3A_1401, %ne3A_1517 : vector<16xi32>
    %and3A_1519 = arith.andi %eq3A_1515, %ne3A_1518 : vector<16xi1>
    %jit3A_1520 = arith.constant 0 : i32
    %broadcast_in_dim3A_1521 = vector.broadcast %jit3A_1520 : i32 to vector<16xi32>
    %select_n3A_1522 = arith.select %and3A_1519, %broadcast_in_dim3A_1521, %select_n3A_1514 : vector<16xi1>, vector<16xi32>
    %sub3A_1523 = arith.subf %max3A_1456, %max3A_1367 : vector<16xf32>
    %exp3A_1524 = math.exp %sub3A_1523 : vector<16xf32>
    %add3A_1525 = arith.constant 1.000000e+00 : f32
    %add3A_1526 = vector.broadcast %add3A_1525 : f32 to vector<16xf32>
    %add3A_1527 = arith.addf %add3A_1526, %exp3A_1524 : vector<16xf32>
    %div3A_1528 = arith.constant 1.000000e+00 : f32
    %div3A_1529 = vector.broadcast %div3A_1528 : f32 to vector<16xf32>
    %div3A_1530 = arith.divf %div3A_1529, %add3A_1527 : vector<16xf32>
    %sub3A_1531 = arith.constant 1.000000e+00 : f32
    %sub3A_1532 = vector.broadcast %sub3A_1531 : f32 to vector<16xf32>
    %sub3A_1533 = arith.subf %sub3A_1532, %div3A_1530 : vector<16xf32>
    %eq3A_1534 = arith.constant 0 : i32
    %eq3A_1535 = vector.broadcast %eq3A_1534 : i32 to vector<16xi32>
    %eq3A_1536 = arith.cmpi eq, %select_n3A_1401, %eq3A_1535 : vector<16xi32>
    %eq3A_1537 = arith.constant 0 : i32
    %eq3A_1538 = vector.broadcast %eq3A_1537 : i32 to vector<16xi32>
    %eq3A_1539 = arith.cmpi eq, %select_n3A_1522, %eq3A_1538 : vector<16xi32>
    %jit3A_1540 = arith.constant 0.000000e+00 : f32
    %broadcast_in_dim3A_1541 = vector.broadcast %jit3A_1540 : f32 to vector<16xf32>
    %select_n3A_1542 = arith.select %eq3A_1539, %sub3A_1533, %broadcast_in_dim3A_1541 : vector<16xi1>, vector<16xf32>
    %select_n3A_1543 = arith.select %eq3A_1536, %div3A_1530, %select_n3A_1542 : vector<16xi1>, vector<16xf32>
    %swap3A_1544 = arith.constant 64 : index
    %swap3A_1545 = tpu.vector_load %arg5[%swap3A_1544] {strides = array<i32>} : memref<1024xf32, #tpu.memory_space<vmem>>, vector<16xf32>,
    %swap3A_1546 = vector.shape_cast %swap3A_1545 : vector<16xf32> to vector<16xf32>
    %swap3A_1547 = vector.shape_cast %select_n3A_1543 : vector<16xf32> to vector<16xf32>
    tpu.vector_store %arg5[%swap3A_1544], %swap3A_1547 {strides = array<i32>} : memref<1024xf32, #tpu.memory_space<vmem>>, vector<16xf32>,
    %eq3A_1548 = arith.constant 1 : i32
    %eq3A_1549 = vector.broadcast %eq3A_1548 : i32 to vector<16xi32>
    %eq3A_1550 = arith.cmpi eq, %select_n3A_1401, %eq3A_1549 : vector<16xi32>
    %eq3A_1551 = arith.constant 1 : i32
    %eq3A_1552 = vector.broadcast %eq3A_1551 : i32 to vector<16xi32>
    %eq3A_1553 = arith.cmpi eq, %select_n3A_1522, %eq3A_1552 : vector<16xi32>
    %jit3A_1554 = arith.constant 0.000000e+00 : f32
    %broadcast_in_dim3A_1555 = vector.broadcast %jit3A_1554 : f32 to vector<16xf32>
    %select_n3A_1556 = arith.select %eq3A_1553, %sub3A_1533, %broadcast_in_dim3A_1555 : vector<16xi1>, vector<16xf32>
    %select_n3A_1557 = arith.select %eq3A_1550, %div3A_1530, %select_n3A_1556 : vector<16xi1>, vector<16xf32>
    %swap3A_1558 = arith.constant 192 : index
    %swap3A_1559 = tpu.vector_load %arg5[%swap3A_1558] {strides = array<i32>} : memref<1024xf32, #tpu.memory_space<vmem>>, vector<16xf32>,
    %swap3A_1560 = vector.shape_cast %swap3A_1559 : vector<16xf32> to vector<16xf32>
    %swap3A_1561 = vector.shape_cast %select_n3A_1557 : vector<16xf32> to vector<16xf32>
    tpu.vector_store %arg5[%swap3A_1558], %swap3A_1561 {strides = array<i32>} : memref<1024xf32, #tpu.memory_space<vmem>>, vector<16xf32>,
    %eq3A_1562 = arith.constant 2 : i32
    %eq3A_1563 = vector.broadcast %eq3A_1562 : i32 to vector<16xi32>
    %eq3A_1564 = arith.cmpi eq, %select_n3A_1401, %eq3A_1563 : vector<16xi32>
    %eq3A_1565 = arith.constant 2 : i32
    %eq3A_1566 = vector.broadcast %eq3A_1565 : i32 to vector<16xi32>
    %eq3A_1567 = arith.cmpi eq, %select_n3A_1522, %eq3A_1566 : vector<16xi32>
    %jit3A_1568 = arith.constant 0.000000e+00 : f32
    %broadcast_in_dim3A_1569 = vector.broadcast %jit3A_1568 : f32 to vector<16xf32>
    %select_n3A_1570 = arith.select %eq3A_1567, %sub3A_1533, %broadcast_in_dim3A_1569 : vector<16xi1>, vector<16xf32>
    %select_n3A_1571 = arith.select %eq3A_1564, %div3A_1530, %select_n3A_1570 : vector<16xi1>, vector<16xf32>
    %swap3A_1572 = arith.constant 320 : index
    %swap3A_1573 = tpu.vector_load %arg5[%swap3A_1572] {strides = array<i32>} : memref<1024xf32, #tpu.memory_space<vmem>>, vector<16xf32>,
    %swap3A_1574 = vector.shape_cast %swap3A_1573 : vector<16xf32> to vector<16xf32>
    %swap3A_1575 = vector.shape_cast %select_n3A_1571 : vector<16xf32> to vector<16xf32>
    tpu.vector_store %arg5[%swap3A_1572], %swap3A_1575 {strides = array<i32>} : memref<1024xf32, #tpu.memory_space<vmem>>, vector<16xf32>,
    %eq3A_1576 = arith.constant 3 : i32
    %eq3A_1577 = vector.broadcast %eq3A_1576 : i32 to vector<16xi32>
    %eq3A_1578 = arith.cmpi eq, %select_n3A_1401, %eq3A_1577 : vector<16xi32>
    %eq3A_1579 = arith.constant 3 : i32
    %eq3A_1580 = vector.broadcast %eq3A_1579 : i32 to vector<16xi32>
    %eq3A_1581 = arith.cmpi eq, %select_n3A_1522, %eq3A_1580 : vector<16xi32>
    %jit3A_1582 = arith.constant 0.000000e+00 : f32
    %broadcast_in_dim3A_1583 = vector.broadcast %jit3A_1582 : f32 to vector<16xf32>
    %select_n3A_1584 = arith.select %eq3A_1581, %sub3A_1533, %broadcast_in_dim3A_1583 : vector<16xi1>, vector<16xf32>
    %select_n3A_1585 = arith.select %eq3A_1578, %div3A_1530, %select_n3A_1584 : vector<16xi1>, vector<16xf32>
    %swap3A_1586 = arith.constant 448 : index
    %swap3A_1587 = tpu.vector_load %arg5[%swap3A_1586] {strides = array<i32>} : memref<1024xf32, #tpu.memory_space<vmem>>, vector<16xf32>,
    %swap3A_1588 = vector.shape_cast %swap3A_1587 : vector<16xf32> to vector<16xf32>
    %swap3A_1589 = vector.shape_cast %select_n3A_1585 : vector<16xf32> to vector<16xf32>
    tpu.vector_store %arg5[%swap3A_1586], %swap3A_1589 {strides = array<i32>} : memref<1024xf32, #tpu.memory_space<vmem>>, vector<16xf32>,
    %eq3A_1590 = arith.constant 4 : i32
    %eq3A_1591 = vector.broadcast %eq3A_1590 : i32 to vector<16xi32>
    %eq3A_1592 = arith.cmpi eq, %select_n3A_1401, %eq3A_1591 : vector<16xi32>
    %eq3A_1593 = arith.constant 4 : i32
    %eq3A_1594 = vector.broadcast %eq3A_1593 : i32 to vector<16xi32>
    %eq3A_1595 = arith.cmpi eq, %select_n3A_1522, %eq3A_1594 : vector<16xi32>
    %jit3A_1596 = arith.constant 0.000000e+00 : f32
    %broadcast_in_dim3A_1597 = vector.broadcast %jit3A_1596 : f32 to vector<16xf32>
    %select_n3A_1598 = arith.select %eq3A_1595, %sub3A_1533, %broadcast_in_dim3A_1597 : vector<16xi1>, vector<16xf32>
    %select_n3A_1599 = arith.select %eq3A_1592, %div3A_1530, %select_n3A_1598 : vector<16xi1>, vector<16xf32>
    %swap3A_1600 = arith.constant 576 : index
    %swap3A_1601 = tpu.vector_load %arg5[%swap3A_1600] {strides = array<i32>} : memref<1024xf32, #tpu.memory_space<vmem>>, vector<16xf32>,
    %swap3A_1602 = vector.shape_cast %swap3A_1601 : vector<16xf32> to vector<16xf32>
    %swap3A_1603 = vector.shape_cast %select_n3A_1599 : vector<16xf32> to vector<16xf32>
    tpu.vector_store %arg5[%swap3A_1600], %swap3A_1603 {strides = array<i32>} : memref<1024xf32, #tpu.memory_space<vmem>>, vector<16xf32>,
    %eq3A_1604 = arith.constant 5 : i32
    %eq3A_1605 = vector.broadcast %eq3A_1604 : i32 to vector<16xi32>
    %eq3A_1606 = arith.cmpi eq, %select_n3A_1401, %eq3A_1605 : vector<16xi32>
    %eq3A_1607 = arith.constant 5 : i32
    %eq3A_1608 = vector.broadcast %eq3A_1607 : i32 to vector<16xi32>
    %eq3A_1609 = arith.cmpi eq, %select_n3A_1522, %eq3A_1608 : vector<16xi32>
    %jit3A_1610 = arith.constant 0.000000e+00 : f32
    %broadcast_in_dim3A_1611 = vector.broadcast %jit3A_1610 : f32 to vector<16xf32>
    %select_n3A_1612 = arith.select %eq3A_1609, %sub3A_1533, %broadcast_in_dim3A_1611 : vector<16xi1>, vector<16xf32>
    %select_n3A_1613 = arith.select %eq3A_1606, %div3A_1530, %select_n3A_1612 : vector<16xi1>, vector<16xf32>
    %swap3A_1614 = arith.constant 704 : index
    %swap3A_1615 = tpu.vector_load %arg5[%swap3A_1614] {strides = array<i32>} : memref<1024xf32, #tpu.memory_space<vmem>>, vector<16xf32>,
    %swap3A_1616 = vector.shape_cast %swap3A_1615 : vector<16xf32> to vector<16xf32>
    %swap3A_1617 = vector.shape_cast %select_n3A_1613 : vector<16xf32> to vector<16xf32>
    tpu.vector_store %arg5[%swap3A_1614], %swap3A_1617 {strides = array<i32>} : memref<1024xf32, #tpu.memory_space<vmem>>, vector<16xf32>,
    %eq3A_1618 = arith.constant 6 : i32
    %eq3A_1619 = vector.broadcast %eq3A_1618 : i32 to vector<16xi32>
    %eq3A_1620 = arith.cmpi eq, %select_n3A_1401, %eq3A_1619 : vector<16xi32>
    %eq3A_1621 = arith.constant 6 : i32
    %eq3A_1622 = vector.broadcast %eq3A_1621 : i32 to vector<16xi32>
    %eq3A_1623 = arith.cmpi eq, %select_n3A_1522, %eq3A_1622 : vector<16xi32>
    %jit3A_1624 = arith.constant 0.000000e+00 : f32
    %broadcast_in_dim3A_1625 = vector.broadcast %jit3A_1624 : f32 to vector<16xf32>
    %select_n3A_1626 = arith.select %eq3A_1623, %sub3A_1533, %broadcast_in_dim3A_1625 : vector<16xi1>, vector<16xf32>
    %select_n3A_1627 = arith.select %eq3A_1620, %div3A_1530, %select_n3A_1626 : vector<16xi1>, vector<16xf32>
    %swap3A_1628 = arith.constant 832 : index
    %swap3A_1629 = tpu.vector_load %arg5[%swap3A_1628] {strides = array<i32>} : memref<1024xf32, #tpu.memory_space<vmem>>, vector<16xf32>,
    %swap3A_1630 = vector.shape_cast %swap3A_1629 : vector<16xf32> to vector<16xf32>
    %swap3A_1631 = vector.shape_cast %select_n3A_1627 : vector<16xf32> to vector<16xf32>
    tpu.vector_store %arg5[%swap3A_1628], %swap3A_1631 {strides = array<i32>} : memref<1024xf32, #tpu.memory_space<vmem>>, vector<16xf32>,
    %eq3A_1632 = arith.constant 7 : i32
    %eq3A_1633 = vector.broadcast %eq3A_1632 : i32 to vector<16xi32>
    %eq3A_1634 = arith.cmpi eq, %select_n3A_1401, %eq3A_1633 : vector<16xi32>
    %eq3A_1635 = arith.constant 7 : i32
    %eq3A_1636 = vector.broadcast %eq3A_1635 : i32 to vector<16xi32>
    %eq3A_1637 = arith.cmpi eq, %select_n3A_1522, %eq3A_1636 : vector<16xi32>
    %jit3A_1638 = arith.constant 0.000000e+00 : f32
    %broadcast_in_dim3A_1639 = vector.broadcast %jit3A_1638 : f32 to vector<16xf32>
    %select_n3A_1640 = arith.select %eq3A_1637, %sub3A_1533, %broadcast_in_dim3A_1639 : vector<16xi1>, vector<16xf32>
    %select_n3A_1641 = arith.select %eq3A_1634, %div3A_1530, %select_n3A_1640 : vector<16xi1>, vector<16xf32>
    %swap3A_1642 = arith.constant 960 : index
    %swap3A_1643 = tpu.vector_load %arg5[%swap3A_1642] {strides = array<i32>} : memref<1024xf32, #tpu.memory_space<vmem>>, vector<16xf32>,
    %swap3A_1644 = vector.shape_cast %swap3A_1643 : vector<16xf32> to vector<16xf32>
    %swap3A_1645 = vector.shape_cast %select_n3A_1641 : vector<16xf32> to vector<16xf32>
    tpu.vector_store %arg5[%swap3A_1642], %swap3A_1645 {strides = array<i32>} : memref<1024xf32, #tpu.memory_space<vmem>>, vector<16xf32>,
    %get3A_1646 = arith.constant 80 : index
    %get3A_1647 = tpu.vector_load %arg4[%get3A_1646] {strides = array<i32>} : memref<1024xf32, #tpu.memory_space<vmem>>, vector<16xf32>,
    %get3A_1648 = vector.shape_cast %get3A_1647 : vector<16xf32> to vector<16xf32>
    %get3A_1649 = arith.constant 208 : index
    %get3A_1650 = tpu.vector_load %arg4[%get3A_1649] {strides = array<i32>} : memref<1024xf32, #tpu.memory_space<vmem>>, vector<16xf32>,
    %get3A_1651 = vector.shape_cast %get3A_1650 : vector<16xf32> to vector<16xf32>
    %get3A_1652 = arith.constant 336 : index
    %get3A_1653 = tpu.vector_load %arg4[%get3A_1652] {strides = array<i32>} : memref<1024xf32, #tpu.memory_space<vmem>>, vector<16xf32>,
    %get3A_1654 = vector.shape_cast %get3A_1653 : vector<16xf32> to vector<16xf32>
    %get3A_1655 = arith.constant 464 : index
    %get3A_1656 = tpu.vector_load %arg4[%get3A_1655] {strides = array<i32>} : memref<1024xf32, #tpu.memory_space<vmem>>, vector<16xf32>,
    %get3A_1657 = vector.shape_cast %get3A_1656 : vector<16xf32> to vector<16xf32>
    %get3A_1658 = arith.constant 592 : index
    %get3A_1659 = tpu.vector_load %arg4[%get3A_1658] {strides = array<i32>} : memref<1024xf32, #tpu.memory_space<vmem>>, vector<16xf32>,
    %get3A_1660 = vector.shape_cast %get3A_1659 : vector<16xf32> to vector<16xf32>
    %get3A_1661 = arith.constant 720 : index
    %get3A_1662 = tpu.vector_load %arg4[%get3A_1661] {strides = array<i32>} : memref<1024xf32, #tpu.memory_space<vmem>>, vector<16xf32>,
    %get3A_1663 = vector.shape_cast %get3A_1662 : vector<16xf32> to vector<16xf32>
    %get3A_1664 = arith.constant 848 : index
    %get3A_1665 = tpu.vector_load %arg4[%get3A_1664] {strides = array<i32>} : memref<1024xf32, #tpu.memory_space<vmem>>, vector<16xf32>,
    %get3A_1666 = vector.shape_cast %get3A_1665 : vector<16xf32> to vector<16xf32>
    %get3A_1667 = arith.constant 976 : index
    %get3A_1668 = tpu.vector_load %arg4[%get3A_1667] {strides = array<i32>} : memref<1024xf32, #tpu.memory_space<vmem>>, vector<16xf32>,
    %get3A_1669 = vector.shape_cast %get3A_1668 : vector<16xf32> to vector<16xf32>
    %max3A_1670 = arith.maximumf %get3A_1648, %get3A_1651 : vector<16xf32>
    %max3A_1671 = arith.maximumf %max3A_1670, %get3A_1654 : vector<16xf32>
    %max3A_1672 = arith.maximumf %max3A_1671, %get3A_1657 : vector<16xf32>
    %max3A_1673 = arith.maximumf %max3A_1672, %get3A_1660 : vector<16xf32>
    %max3A_1674 = arith.maximumf %max3A_1673, %get3A_1663 : vector<16xf32>
    %max3A_1675 = arith.maximumf %max3A_1674, %get3A_1666 : vector<16xf32>
    %max3A_1676 = arith.maximumf %max3A_1675, %get3A_1669 : vector<16xf32>
    %broadcast_in_dim3A_1677 = arith.constant 8 : i32
    %broadcast_in_dim3A_1678 = vector.broadcast %broadcast_in_dim3A_1677 : i32 to vector<16xi32>
    %eq3A_1679 = arith.cmpf oeq, %get3A_1669, %max3A_1676 : vector<16xf32>
    %jit3A_1680 = arith.constant 7 : i32
    %broadcast_in_dim3A_1681 = vector.broadcast %jit3A_1680 : i32 to vector<16xi32>
    %select_n3A_1682 = arith.select %eq3A_1679, %broadcast_in_dim3A_1681, %broadcast_in_dim3A_1678 : vector<16xi1>, vector<16xi32>
    %eq3A_1683 = arith.cmpf oeq, %get3A_1666, %max3A_1676 : vector<16xf32>
    %jit3A_1684 = arith.constant 6 : i32
    %broadcast_in_dim3A_1685 = vector.broadcast %jit3A_1684 : i32 to vector<16xi32>
    %select_n3A_1686 = arith.select %eq3A_1683, %broadcast_in_dim3A_1685, %select_n3A_1682 : vector<16xi1>, vector<16xi32>
    %eq3A_1687 = arith.cmpf oeq, %get3A_1663, %max3A_1676 : vector<16xf32>
    %jit3A_1688 = arith.constant 5 : i32
    %broadcast_in_dim3A_1689 = vector.broadcast %jit3A_1688 : i32 to vector<16xi32>
    %select_n3A_1690 = arith.select %eq3A_1687, %broadcast_in_dim3A_1689, %select_n3A_1686 : vector<16xi1>, vector<16xi32>
    %eq3A_1691 = arith.cmpf oeq, %get3A_1660, %max3A_1676 : vector<16xf32>
    %jit3A_1692 = arith.constant 4 : i32
    %broadcast_in_dim3A_1693 = vector.broadcast %jit3A_1692 : i32 to vector<16xi32>
    %select_n3A_1694 = arith.select %eq3A_1691, %broadcast_in_dim3A_1693, %select_n3A_1690 : vector<16xi1>, vector<16xi32>
    %eq3A_1695 = arith.cmpf oeq, %get3A_1657, %max3A_1676 : vector<16xf32>
    %jit3A_1696 = arith.constant 3 : i32
    %broadcast_in_dim3A_1697 = vector.broadcast %jit3A_1696 : i32 to vector<16xi32>
    %select_n3A_1698 = arith.select %eq3A_1695, %broadcast_in_dim3A_1697, %select_n3A_1694 : vector<16xi1>, vector<16xi32>
    %eq3A_1699 = arith.cmpf oeq, %get3A_1654, %max3A_1676 : vector<16xf32>
    %jit3A_1700 = arith.constant 2 : i32
    %broadcast_in_dim3A_1701 = vector.broadcast %jit3A_1700 : i32 to vector<16xi32>
    %select_n3A_1702 = arith.select %eq3A_1699, %broadcast_in_dim3A_1701, %select_n3A_1698 : vector<16xi1>, vector<16xi32>
    %eq3A_1703 = arith.cmpf oeq, %get3A_1651, %max3A_1676 : vector<16xf32>
    %jit3A_1704 = arith.constant 1 : i32
    %broadcast_in_dim3A_1705 = vector.broadcast %jit3A_1704 : i32 to vector<16xi32>
    %select_n3A_1706 = arith.select %eq3A_1703, %broadcast_in_dim3A_1705, %select_n3A_1702 : vector<16xi1>, vector<16xi32>
    %eq3A_1707 = arith.cmpf oeq, %get3A_1648, %max3A_1676 : vector<16xf32>
    %jit3A_1708 = arith.constant 0 : i32
    %broadcast_in_dim3A_1709 = vector.broadcast %jit3A_1708 : i32 to vector<16xi32>
    %select_n3A_1710 = arith.select %eq3A_1707, %broadcast_in_dim3A_1709, %select_n3A_1706 : vector<16xi1>, vector<16xi32>
    %eq3A_1711 = arith.constant 0 : i32
    %eq3A_1712 = vector.broadcast %eq3A_1711 : i32 to vector<16xi32>
    %eq3A_1713 = arith.cmpi eq, %select_n3A_1710, %eq3A_1712 : vector<16xi32>
    %jit3A_1714 = arith.constant 0xFF800000 : f32
    %broadcast_in_dim3A_1715 = vector.broadcast %jit3A_1714 : f32 to vector<16xf32>
    %select_n3A_1716 = arith.select %eq3A_1713, %broadcast_in_dim3A_1715, %get3A_1648 : vector<16xi1>, vector<16xf32>
    %eq3A_1717 = arith.constant 1 : i32
    %eq3A_1718 = vector.broadcast %eq3A_1717 : i32 to vector<16xi32>
    %eq3A_1719 = arith.cmpi eq, %select_n3A_1710, %eq3A_1718 : vector<16xi32>
    %jit3A_1720 = arith.constant 0xFF800000 : f32
    %broadcast_in_dim3A_1721 = vector.broadcast %jit3A_1720 : f32 to vector<16xf32>
    %select_n3A_1722 = arith.select %eq3A_1719, %broadcast_in_dim3A_1721, %get3A_1651 : vector<16xi1>, vector<16xf32>
    %max3A_1723 = arith.maximumf %select_n3A_1716, %select_n3A_1722 : vector<16xf32>
    %eq3A_1724 = arith.constant 2 : i32
    %eq3A_1725 = vector.broadcast %eq3A_1724 : i32 to vector<16xi32>
    %eq3A_1726 = arith.cmpi eq, %select_n3A_1710, %eq3A_1725 : vector<16xi32>
    %jit3A_1727 = arith.constant 0xFF800000 : f32
    %broadcast_in_dim3A_1728 = vector.broadcast %jit3A_1727 : f32 to vector<16xf32>
    %select_n3A_1729 = arith.select %eq3A_1726, %broadcast_in_dim3A_1728, %get3A_1654 : vector<16xi1>, vector<16xf32>
    %max3A_1730 = arith.maximumf %max3A_1723, %select_n3A_1729 : vector<16xf32>
    %eq3A_1731 = arith.constant 3 : i32
    %eq3A_1732 = vector.broadcast %eq3A_1731 : i32 to vector<16xi32>
    %eq3A_1733 = arith.cmpi eq, %select_n3A_1710, %eq3A_1732 : vector<16xi32>
    %jit3A_1734 = arith.constant 0xFF800000 : f32
    %broadcast_in_dim3A_1735 = vector.broadcast %jit3A_1734 : f32 to vector<16xf32>
    %select_n3A_1736 = arith.select %eq3A_1733, %broadcast_in_dim3A_1735, %get3A_1657 : vector<16xi1>, vector<16xf32>
    %max3A_1737 = arith.maximumf %max3A_1730, %select_n3A_1736 : vector<16xf32>
    %eq3A_1738 = arith.constant 4 : i32
    %eq3A_1739 = vector.broadcast %eq3A_1738 : i32 to vector<16xi32>
    %eq3A_1740 = arith.cmpi eq, %select_n3A_1710, %eq3A_1739 : vector<16xi32>
    %jit3A_1741 = arith.constant 0xFF800000 : f32
    %broadcast_in_dim3A_1742 = vector.broadcast %jit3A_1741 : f32 to vector<16xf32>
    %select_n3A_1743 = arith.select %eq3A_1740, %broadcast_in_dim3A_1742, %get3A_1660 : vector<16xi1>, vector<16xf32>
    %max3A_1744 = arith.maximumf %max3A_1737, %select_n3A_1743 : vector<16xf32>
    %eq3A_1745 = arith.constant 5 : i32
    %eq3A_1746 = vector.broadcast %eq3A_1745 : i32 to vector<16xi32>
    %eq3A_1747 = arith.cmpi eq, %select_n3A_1710, %eq3A_1746 : vector<16xi32>
    %jit3A_1748 = arith.constant 0xFF800000 : f32
    %broadcast_in_dim3A_1749 = vector.broadcast %jit3A_1748 : f32 to vector<16xf32>
    %select_n3A_1750 = arith.select %eq3A_1747, %broadcast_in_dim3A_1749, %get3A_1663 : vector<16xi1>, vector<16xf32>
    %max3A_1751 = arith.maximumf %max3A_1744, %select_n3A_1750 : vector<16xf32>
    %eq3A_1752 = arith.constant 6 : i32
    %eq3A_1753 = vector.broadcast %eq3A_1752 : i32 to vector<16xi32>
    %eq3A_1754 = arith.cmpi eq, %select_n3A_1710, %eq3A_1753 : vector<16xi32>
    %jit3A_1755 = arith.constant 0xFF800000 : f32
    %broadcast_in_dim3A_1756 = vector.broadcast %jit3A_1755 : f32 to vector<16xf32>
    %select_n3A_1757 = arith.select %eq3A_1754, %broadcast_in_dim3A_1756, %get3A_1666 : vector<16xi1>, vector<16xf32>
    %max3A_1758 = arith.maximumf %max3A_1751, %select_n3A_1757 : vector<16xf32>
    %eq3A_1759 = arith.constant 7 : i32
    %eq3A_1760 = vector.broadcast %eq3A_1759 : i32 to vector<16xi32>
    %eq3A_1761 = arith.cmpi eq, %select_n3A_1710, %eq3A_1760 : vector<16xi32>
    %jit3A_1762 = arith.constant 0xFF800000 : f32
    %broadcast_in_dim3A_1763 = vector.broadcast %jit3A_1762 : f32 to vector<16xf32>
    %select_n3A_1764 = arith.select %eq3A_1761, %broadcast_in_dim3A_1763, %get3A_1669 : vector<16xi1>, vector<16xf32>
    %max3A_1765 = arith.maximumf %max3A_1758, %select_n3A_1764 : vector<16xf32>
    %broadcast_in_dim3A_1766 = arith.constant 8 : i32
    %broadcast_in_dim3A_1767 = vector.broadcast %broadcast_in_dim3A_1766 : i32 to vector<16xi32>
    %eq3A_1768 = arith.cmpf oeq, %get3A_1669, %max3A_1765 : vector<16xf32>
    %ne3A_1769 = arith.constant 7 : i32
    %ne3A_1770 = vector.broadcast %ne3A_1769 : i32 to vector<16xi32>
    %ne3A_1771 = arith.cmpi ne, %select_n3A_1710, %ne3A_1770 : vector<16xi32>
    %and3A_1772 = arith.andi %eq3A_1768, %ne3A_1771 : vector<16xi1>
    %jit3A_1773 = arith.constant 7 : i32
    %broadcast_in_dim3A_1774 = vector.broadcast %jit3A_1773 : i32 to vector<16xi32>
    %select_n3A_1775 = arith.select %and3A_1772, %broadcast_in_dim3A_1774, %broadcast_in_dim3A_1767 : vector<16xi1>, vector<16xi32>
    %eq3A_1776 = arith.cmpf oeq, %get3A_1666, %max3A_1765 : vector<16xf32>
    %ne3A_1777 = arith.constant 6 : i32
    %ne3A_1778 = vector.broadcast %ne3A_1777 : i32 to vector<16xi32>
    %ne3A_1779 = arith.cmpi ne, %select_n3A_1710, %ne3A_1778 : vector<16xi32>
    %and3A_1780 = arith.andi %eq3A_1776, %ne3A_1779 : vector<16xi1>
    %jit3A_1781 = arith.constant 6 : i32
    %broadcast_in_dim3A_1782 = vector.broadcast %jit3A_1781 : i32 to vector<16xi32>
    %select_n3A_1783 = arith.select %and3A_1780, %broadcast_in_dim3A_1782, %select_n3A_1775 : vector<16xi1>, vector<16xi32>
    %eq3A_1784 = arith.cmpf oeq, %get3A_1663, %max3A_1765 : vector<16xf32>
    %ne3A_1785 = arith.constant 5 : i32
    %ne3A_1786 = vector.broadcast %ne3A_1785 : i32 to vector<16xi32>
    %ne3A_1787 = arith.cmpi ne, %select_n3A_1710, %ne3A_1786 : vector<16xi32>
    %and3A_1788 = arith.andi %eq3A_1784, %ne3A_1787 : vector<16xi1>
    %jit3A_1789 = arith.constant 5 : i32
    %broadcast_in_dim3A_1790 = vector.broadcast %jit3A_1789 : i32 to vector<16xi32>
    %select_n3A_1791 = arith.select %and3A_1788, %broadcast_in_dim3A_1790, %select_n3A_1783 : vector<16xi1>, vector<16xi32>
    %eq3A_1792 = arith.cmpf oeq, %get3A_1660, %max3A_1765 : vector<16xf32>
    %ne3A_1793 = arith.constant 4 : i32
    %ne3A_1794 = vector.broadcast %ne3A_1793 : i32 to vector<16xi32>
    %ne3A_1795 = arith.cmpi ne, %select_n3A_1710, %ne3A_1794 : vector<16xi32>
    %and3A_1796 = arith.andi %eq3A_1792, %ne3A_1795 : vector<16xi1>
    %jit3A_1797 = arith.constant 4 : i32
    %broadcast_in_dim3A_1798 = vector.broadcast %jit3A_1797 : i32 to vector<16xi32>
    %select_n3A_1799 = arith.select %and3A_1796, %broadcast_in_dim3A_1798, %select_n3A_1791 : vector<16xi1>, vector<16xi32>
    %eq3A_1800 = arith.cmpf oeq, %get3A_1657, %max3A_1765 : vector<16xf32>
    %ne3A_1801 = arith.constant 3 : i32
    %ne3A_1802 = vector.broadcast %ne3A_1801 : i32 to vector<16xi32>
    %ne3A_1803 = arith.cmpi ne, %select_n3A_1710, %ne3A_1802 : vector<16xi32>
    %and3A_1804 = arith.andi %eq3A_1800, %ne3A_1803 : vector<16xi1>
    %jit3A_1805 = arith.constant 3 : i32
    %broadcast_in_dim3A_1806 = vector.broadcast %jit3A_1805 : i32 to vector<16xi32>
    %select_n3A_1807 = arith.select %and3A_1804, %broadcast_in_dim3A_1806, %select_n3A_1799 : vector<16xi1>, vector<16xi32>
    %eq3A_1808 = arith.cmpf oeq, %get3A_1654, %max3A_1765 : vector<16xf32>
    %ne3A_1809 = arith.constant 2 : i32
    %ne3A_1810 = vector.broadcast %ne3A_1809 : i32 to vector<16xi32>
    %ne3A_1811 = arith.cmpi ne, %select_n3A_1710, %ne3A_1810 : vector<16xi32>
    %and3A_1812 = arith.andi %eq3A_1808, %ne3A_1811 : vector<16xi1>
    %jit3A_1813 = arith.constant 2 : i32
    %broadcast_in_dim3A_1814 = vector.broadcast %jit3A_1813 : i32 to vector<16xi32>
    %select_n3A_1815 = arith.select %and3A_1812, %broadcast_in_dim3A_1814, %select_n3A_1807 : vector<16xi1>, vector<16xi32>
    %eq3A_1816 = arith.cmpf oeq, %get3A_1651, %max3A_1765 : vector<16xf32>
    %ne3A_1817 = arith.constant 1 : i32
    %ne3A_1818 = vector.broadcast %ne3A_1817 : i32 to vector<16xi32>
    %ne3A_1819 = arith.cmpi ne, %select_n3A_1710, %ne3A_1818 : vector<16xi32>
    %and3A_1820 = arith.andi %eq3A_1816, %ne3A_1819 : vector<16xi1>
    %jit3A_1821 = arith.constant 1 : i32
    %broadcast_in_dim3A_1822 = vector.broadcast %jit3A_1821 : i32 to vector<16xi32>
    %select_n3A_1823 = arith.select %and3A_1820, %broadcast_in_dim3A_1822, %select_n3A_1815 : vector<16xi1>, vector<16xi32>
    %eq3A_1824 = arith.cmpf oeq, %get3A_1648, %max3A_1765 : vector<16xf32>
    %ne3A_1825 = arith.constant 0 : i32
    %ne3A_1826 = vector.broadcast %ne3A_1825 : i32 to vector<16xi32>
    %ne3A_1827 = arith.cmpi ne, %select_n3A_1710, %ne3A_1826 : vector<16xi32>
    %and3A_1828 = arith.andi %eq3A_1824, %ne3A_1827 : vector<16xi1>
    %jit3A_1829 = arith.constant 0 : i32
    %broadcast_in_dim3A_1830 = vector.broadcast %jit3A_1829 : i32 to vector<16xi32>
    %select_n3A_1831 = arith.select %and3A_1828, %broadcast_in_dim3A_1830, %select_n3A_1823 : vector<16xi1>, vector<16xi32>
    %sub3A_1832 = arith.subf %max3A_1765, %max3A_1676 : vector<16xf32>
    %exp3A_1833 = math.exp %sub3A_1832 : vector<16xf32>
    %add3A_1834 = arith.constant 1.000000e+00 : f32
    %add3A_1835 = vector.broadcast %add3A_1834 : f32 to vector<16xf32>
    %add3A_1836 = arith.addf %add3A_1835, %exp3A_1833 : vector<16xf32>
    %div3A_1837 = arith.constant 1.000000e+00 : f32
    %div3A_1838 = vector.broadcast %div3A_1837 : f32 to vector<16xf32>
    %div3A_1839 = arith.divf %div3A_1838, %add3A_1836 : vector<16xf32>
    %sub3A_1840 = arith.constant 1.000000e+00 : f32
    %sub3A_1841 = vector.broadcast %sub3A_1840 : f32 to vector<16xf32>
    %sub3A_1842 = arith.subf %sub3A_1841, %div3A_1839 : vector<16xf32>
    %eq3A_1843 = arith.constant 0 : i32
    %eq3A_1844 = vector.broadcast %eq3A_1843 : i32 to vector<16xi32>
    %eq3A_1845 = arith.cmpi eq, %select_n3A_1710, %eq3A_1844 : vector<16xi32>
    %eq3A_1846 = arith.constant 0 : i32
    %eq3A_1847 = vector.broadcast %eq3A_1846 : i32 to vector<16xi32>
    %eq3A_1848 = arith.cmpi eq, %select_n3A_1831, %eq3A_1847 : vector<16xi32>
    %jit3A_1849 = arith.constant 0.000000e+00 : f32
    %broadcast_in_dim3A_1850 = vector.broadcast %jit3A_1849 : f32 to vector<16xf32>
    %select_n3A_1851 = arith.select %eq3A_1848, %sub3A_1842, %broadcast_in_dim3A_1850 : vector<16xi1>, vector<16xf32>
    %select_n3A_1852 = arith.select %eq3A_1845, %div3A_1839, %select_n3A_1851 : vector<16xi1>, vector<16xf32>
    %swap3A_1853 = arith.constant 80 : index
    %swap3A_1854 = tpu.vector_load %arg5[%swap3A_1853] {strides = array<i32>} : memref<1024xf32, #tpu.memory_space<vmem>>, vector<16xf32>,
    %swap3A_1855 = vector.shape_cast %swap3A_1854 : vector<16xf32> to vector<16xf32>
    %swap3A_1856 = vector.shape_cast %select_n3A_1852 : vector<16xf32> to vector<16xf32>
    tpu.vector_store %arg5[%swap3A_1853], %swap3A_1856 {strides = array<i32>} : memref<1024xf32, #tpu.memory_space<vmem>>, vector<16xf32>,
    %eq3A_1857 = arith.constant 1 : i32
    %eq3A_1858 = vector.broadcast %eq3A_1857 : i32 to vector<16xi32>
    %eq3A_1859 = arith.cmpi eq, %select_n3A_1710, %eq3A_1858 : vector<16xi32>
    %eq3A_1860 = arith.constant 1 : i32
    %eq3A_1861 = vector.broadcast %eq3A_1860 : i32 to vector<16xi32>
    %eq3A_1862 = arith.cmpi eq, %select_n3A_1831, %eq3A_1861 : vector<16xi32>
    %jit3A_1863 = arith.constant 0.000000e+00 : f32
    %broadcast_in_dim3A_1864 = vector.broadcast %jit3A_1863 : f32 to vector<16xf32>
    %select_n3A_1865 = arith.select %eq3A_1862, %sub3A_1842, %broadcast_in_dim3A_1864 : vector<16xi1>, vector<16xf32>
    %select_n3A_1866 = arith.select %eq3A_1859, %div3A_1839, %select_n3A_1865 : vector<16xi1>, vector<16xf32>
    %swap3A_1867 = arith.constant 208 : index
    %swap3A_1868 = tpu.vector_load %arg5[%swap3A_1867] {strides = array<i32>} : memref<1024xf32, #tpu.memory_space<vmem>>, vector<16xf32>,
    %swap3A_1869 = vector.shape_cast %swap3A_1868 : vector<16xf32> to vector<16xf32>
    %swap3A_1870 = vector.shape_cast %select_n3A_1866 : vector<16xf32> to vector<16xf32>
    tpu.vector_store %arg5[%swap3A_1867], %swap3A_1870 {strides = array<i32>} : memref<1024xf32, #tpu.memory_space<vmem>>, vector<16xf32>,
    %eq3A_1871 = arith.constant 2 : i32
    %eq3A_1872 = vector.broadcast %eq3A_1871 : i32 to vector<16xi32>
    %eq3A_1873 = arith.cmpi eq, %select_n3A_1710, %eq3A_1872 : vector<16xi32>
    %eq3A_1874 = arith.constant 2 : i32
    %eq3A_1875 = vector.broadcast %eq3A_1874 : i32 to vector<16xi32>
    %eq3A_1876 = arith.cmpi eq, %select_n3A_1831, %eq3A_1875 : vector<16xi32>
    %jit3A_1877 = arith.constant 0.000000e+00 : f32
    %broadcast_in_dim3A_1878 = vector.broadcast %jit3A_1877 : f32 to vector<16xf32>
    %select_n3A_1879 = arith.select %eq3A_1876, %sub3A_1842, %broadcast_in_dim3A_1878 : vector<16xi1>, vector<16xf32>
    %select_n3A_1880 = arith.select %eq3A_1873, %div3A_1839, %select_n3A_1879 : vector<16xi1>, vector<16xf32>
    %swap3A_1881 = arith.constant 336 : index
    %swap3A_1882 = tpu.vector_load %arg5[%swap3A_1881] {strides = array<i32>} : memref<1024xf32, #tpu.memory_space<vmem>>, vector<16xf32>,
    %swap3A_1883 = vector.shape_cast %swap3A_1882 : vector<16xf32> to vector<16xf32>
    %swap3A_1884 = vector.shape_cast %select_n3A_1880 : vector<16xf32> to vector<16xf32>
    tpu.vector_store %arg5[%swap3A_1881], %swap3A_1884 {strides = array<i32>} : memref<1024xf32, #tpu.memory_space<vmem>>, vector<16xf32>,
    %eq3A_1885 = arith.constant 3 : i32
    %eq3A_1886 = vector.broadcast %eq3A_1885 : i32 to vector<16xi32>
    %eq3A_1887 = arith.cmpi eq, %select_n3A_1710, %eq3A_1886 : vector<16xi32>
    %eq3A_1888 = arith.constant 3 : i32
    %eq3A_1889 = vector.broadcast %eq3A_1888 : i32 to vector<16xi32>
    %eq3A_1890 = arith.cmpi eq, %select_n3A_1831, %eq3A_1889 : vector<16xi32>
    %jit3A_1891 = arith.constant 0.000000e+00 : f32
    %broadcast_in_dim3A_1892 = vector.broadcast %jit3A_1891 : f32 to vector<16xf32>
    %select_n3A_1893 = arith.select %eq3A_1890, %sub3A_1842, %broadcast_in_dim3A_1892 : vector<16xi1>, vector<16xf32>
    %select_n3A_1894 = arith.select %eq3A_1887, %div3A_1839, %select_n3A_1893 : vector<16xi1>, vector<16xf32>
    %swap3A_1895 = arith.constant 464 : index
    %swap3A_1896 = tpu.vector_load %arg5[%swap3A_1895] {strides = array<i32>} : memref<1024xf32, #tpu.memory_space<vmem>>, vector<16xf32>,
    %swap3A_1897 = vector.shape_cast %swap3A_1896 : vector<16xf32> to vector<16xf32>
    %swap3A_1898 = vector.shape_cast %select_n3A_1894 : vector<16xf32> to vector<16xf32>
    tpu.vector_store %arg5[%swap3A_1895], %swap3A_1898 {strides = array<i32>} : memref<1024xf32, #tpu.memory_space<vmem>>, vector<16xf32>,
    %eq3A_1899 = arith.constant 4 : i32
    %eq3A_1900 = vector.broadcast %eq3A_1899 : i32 to vector<16xi32>
    %eq3A_1901 = arith.cmpi eq, %select_n3A_1710, %eq3A_1900 : vector<16xi32>
    %eq3A_1902 = arith.constant 4 : i32
    %eq3A_1903 = vector.broadcast %eq3A_1902 : i32 to vector<16xi32>
    %eq3A_1904 = arith.cmpi eq, %select_n3A_1831, %eq3A_1903 : vector<16xi32>
    %jit3A_1905 = arith.constant 0.000000e+00 : f32
    %broadcast_in_dim3A_1906 = vector.broadcast %jit3A_1905 : f32 to vector<16xf32>
    %select_n3A_1907 = arith.select %eq3A_1904, %sub3A_1842, %broadcast_in_dim3A_1906 : vector<16xi1>, vector<16xf32>
    %select_n3A_1908 = arith.select %eq3A_1901, %div3A_1839, %select_n3A_1907 : vector<16xi1>, vector<16xf32>
    %swap3A_1909 = arith.constant 592 : index
    %swap3A_1910 = tpu.vector_load %arg5[%swap3A_1909] {strides = array<i32>} : memref<1024xf32, #tpu.memory_space<vmem>>, vector<16xf32>,
    %swap3A_1911 = vector.shape_cast %swap3A_1910 : vector<16xf32> to vector<16xf32>
    %swap3A_1912 = vector.shape_cast %select_n3A_1908 : vector<16xf32> to vector<16xf32>
    tpu.vector_store %arg5[%swap3A_1909], %swap3A_1912 {strides = array<i32>} : memref<1024xf32, #tpu.memory_space<vmem>>, vector<16xf32>,
    %eq3A_1913 = arith.constant 5 : i32
    %eq3A_1914 = vector.broadcast %eq3A_1913 : i32 to vector<16xi32>
    %eq3A_1915 = arith.cmpi eq, %select_n3A_1710, %eq3A_1914 : vector<16xi32>
    %eq3A_1916 = arith.constant 5 : i32
    %eq3A_1917 = vector.broadcast %eq3A_1916 : i32 to vector<16xi32>
    %eq3A_1918 = arith.cmpi eq, %select_n3A_1831, %eq3A_1917 : vector<16xi32>
    %jit3A_1919 = arith.constant 0.000000e+00 : f32
    %broadcast_in_dim3A_1920 = vector.broadcast %jit3A_1919 : f32 to vector<16xf32>
    %select_n3A_1921 = arith.select %eq3A_1918, %sub3A_1842, %broadcast_in_dim3A_1920 : vector<16xi1>, vector<16xf32>
    %select_n3A_1922 = arith.select %eq3A_1915, %div3A_1839, %select_n3A_1921 : vector<16xi1>, vector<16xf32>
    %swap3A_1923 = arith.constant 720 : index
    %swap3A_1924 = tpu.vector_load %arg5[%swap3A_1923] {strides = array<i32>} : memref<1024xf32, #tpu.memory_space<vmem>>, vector<16xf32>,
    %swap3A_1925 = vector.shape_cast %swap3A_1924 : vector<16xf32> to vector<16xf32>
    %swap3A_1926 = vector.shape_cast %select_n3A_1922 : vector<16xf32> to vector<16xf32>
    tpu.vector_store %arg5[%swap3A_1923], %swap3A_1926 {strides = array<i32>} : memref<1024xf32, #tpu.memory_space<vmem>>, vector<16xf32>,
    %eq3A_1927 = arith.constant 6 : i32
    %eq3A_1928 = vector.broadcast %eq3A_1927 : i32 to vector<16xi32>
    %eq3A_1929 = arith.cmpi eq, %select_n3A_1710, %eq3A_1928 : vector<16xi32>
    %eq3A_1930 = arith.constant 6 : i32
    %eq3A_1931 = vector.broadcast %eq3A_1930 : i32 to vector<16xi32>
    %eq3A_1932 = arith.cmpi eq, %select_n3A_1831, %eq3A_1931 : vector<16xi32>
    %jit3A_1933 = arith.constant 0.000000e+00 : f32
    %broadcast_in_dim3A_1934 = vector.broadcast %jit3A_1933 : f32 to vector<16xf32>
    %select_n3A_1935 = arith.select %eq3A_1932, %sub3A_1842, %broadcast_in_dim3A_1934 : vector<16xi1>, vector<16xf32>
    %select_n3A_1936 = arith.select %eq3A_1929, %div3A_1839, %select_n3A_1935 : vector<16xi1>, vector<16xf32>
    %swap3A_1937 = arith.constant 848 : index
    %swap3A_1938 = tpu.vector_load %arg5[%swap3A_1937] {strides = array<i32>} : memref<1024xf32, #tpu.memory_space<vmem>>, vector<16xf32>,
    %swap3A_1939 = vector.shape_cast %swap3A_1938 : vector<16xf32> to vector<16xf32>
    %swap3A_1940 = vector.shape_cast %select_n3A_1936 : vector<16xf32> to vector<16xf32>
    tpu.vector_store %arg5[%swap3A_1937], %swap3A_1940 {strides = array<i32>} : memref<1024xf32, #tpu.memory_space<vmem>>, vector<16xf32>,
    %eq3A_1941 = arith.constant 7 : i32
    %eq3A_1942 = vector.broadcast %eq3A_1941 : i32 to vector<16xi32>
    %eq3A_1943 = arith.cmpi eq, %select_n3A_1710, %eq3A_1942 : vector<16xi32>
    %eq3A_1944 = arith.constant 7 : i32
    %eq3A_1945 = vector.broadcast %eq3A_1944 : i32 to vector<16xi32>
    %eq3A_1946 = arith.cmpi eq, %select_n3A_1831, %eq3A_1945 : vector<16xi32>
    %jit3A_1947 = arith.constant 0.000000e+00 : f32
    %broadcast_in_dim3A_1948 = vector.broadcast %jit3A_1947 : f32 to vector<16xf32>
    %select_n3A_1949 = arith.select %eq3A_1946, %sub3A_1842, %broadcast_in_dim3A_1948 : vector<16xi1>, vector<16xf32>
    %select_n3A_1950 = arith.select %eq3A_1943, %div3A_1839, %select_n3A_1949 : vector<16xi1>, vector<16xf32>
    %swap3A_1951 = arith.constant 976 : index
    %swap3A_1952 = tpu.vector_load %arg5[%swap3A_1951] {strides = array<i32>} : memref<1024xf32, #tpu.memory_space<vmem>>, vector<16xf32>,
    %swap3A_1953 = vector.shape_cast %swap3A_1952 : vector<16xf32> to vector<16xf32>
    %swap3A_1954 = vector.shape_cast %select_n3A_1950 : vector<16xf32> to vector<16xf32>
    tpu.vector_store %arg5[%swap3A_1951], %swap3A_1954 {strides = array<i32>} : memref<1024xf32, #tpu.memory_space<vmem>>, vector<16xf32>,
    %get3A_1955 = arith.constant 96 : index
    %get3A_1956 = tpu.vector_load %arg4[%get3A_1955] {strides = array<i32>} : memref<1024xf32, #tpu.memory_space<vmem>>, vector<16xf32>,
    %get3A_1957 = vector.shape_cast %get3A_1956 : vector<16xf32> to vector<16xf32>
    %get3A_1958 = arith.constant 224 : index
    %get3A_1959 = tpu.vector_load %arg4[%get3A_1958] {strides = array<i32>} : memref<1024xf32, #tpu.memory_space<vmem>>, vector<16xf32>,
    %get3A_1960 = vector.shape_cast %get3A_1959 : vector<16xf32> to vector<16xf32>
    %get3A_1961 = arith.constant 352 : index
    %get3A_1962 = tpu.vector_load %arg4[%get3A_1961] {strides = array<i32>} : memref<1024xf32, #tpu.memory_space<vmem>>, vector<16xf32>,
    %get3A_1963 = vector.shape_cast %get3A_1962 : vector<16xf32> to vector<16xf32>
    %get3A_1964 = arith.constant 480 : index
    %get3A_1965 = tpu.vector_load %arg4[%get3A_1964] {strides = array<i32>} : memref<1024xf32, #tpu.memory_space<vmem>>, vector<16xf32>,
    %get3A_1966 = vector.shape_cast %get3A_1965 : vector<16xf32> to vector<16xf32>
    %get3A_1967 = arith.constant 608 : index
    %get3A_1968 = tpu.vector_load %arg4[%get3A_1967] {strides = array<i32>} : memref<1024xf32, #tpu.memory_space<vmem>>, vector<16xf32>,
    %get3A_1969 = vector.shape_cast %get3A_1968 : vector<16xf32> to vector<16xf32>
    %get3A_1970 = arith.constant 736 : index
    %get3A_1971 = tpu.vector_load %arg4[%get3A_1970] {strides = array<i32>} : memref<1024xf32, #tpu.memory_space<vmem>>, vector<16xf32>,
    %get3A_1972 = vector.shape_cast %get3A_1971 : vector<16xf32> to vector<16xf32>
    %get3A_1973 = arith.constant 864 : index
    %get3A_1974 = tpu.vector_load %arg4[%get3A_1973] {strides = array<i32>} : memref<1024xf32, #tpu.memory_space<vmem>>, vector<16xf32>,
    %get3A_1975 = vector.shape_cast %get3A_1974 : vector<16xf32> to vector<16xf32>
    %get3A_1976 = arith.constant 992 : index
    %get3A_1977 = tpu.vector_load %arg4[%get3A_1976] {strides = array<i32>} : memref<1024xf32, #tpu.memory_space<vmem>>, vector<16xf32>,
    %get3A_1978 = vector.shape_cast %get3A_1977 : vector<16xf32> to vector<16xf32>
    %max3A_1979 = arith.maximumf %get3A_1957, %get3A_1960 : vector<16xf32>
    %max3A_1980 = arith.maximumf %max3A_1979, %get3A_1963 : vector<16xf32>
    %max3A_1981 = arith.maximumf %max3A_1980, %get3A_1966 : vector<16xf32>
    %max3A_1982 = arith.maximumf %max3A_1981, %get3A_1969 : vector<16xf32>
    %max3A_1983 = arith.maximumf %max3A_1982, %get3A_1972 : vector<16xf32>
    %max3A_1984 = arith.maximumf %max3A_1983, %get3A_1975 : vector<16xf32>
    %max3A_1985 = arith.maximumf %max3A_1984, %get3A_1978 : vector<16xf32>
    %broadcast_in_dim3A_1986 = arith.constant 8 : i32
    %broadcast_in_dim3A_1987 = vector.broadcast %broadcast_in_dim3A_1986 : i32 to vector<16xi32>
    %eq3A_1988 = arith.cmpf oeq, %get3A_1978, %max3A_1985 : vector<16xf32>
    %jit3A_1989 = arith.constant 7 : i32
    %broadcast_in_dim3A_1990 = vector.broadcast %jit3A_1989 : i32 to vector<16xi32>
    %select_n3A_1991 = arith.select %eq3A_1988, %broadcast_in_dim3A_1990, %broadcast_in_dim3A_1987 : vector<16xi1>, vector<16xi32>
    %eq3A_1992 = arith.cmpf oeq, %get3A_1975, %max3A_1985 : vector<16xf32>
    %jit3A_1993 = arith.constant 6 : i32
    %broadcast_in_dim3A_1994 = vector.broadcast %jit3A_1993 : i32 to vector<16xi32>
    %select_n3A_1995 = arith.select %eq3A_1992, %broadcast_in_dim3A_1994, %select_n3A_1991 : vector<16xi1>, vector<16xi32>
    %eq3A_1996 = arith.cmpf oeq, %get3A_1972, %max3A_1985 : vector<16xf32>
    %jit3A_1997 = arith.constant 5 : i32
    %broadcast_in_dim3A_1998 = vector.broadcast %jit3A_1997 : i32 to vector<16xi32>
    %select_n3A_1999 = arith.select %eq3A_1996, %broadcast_in_dim3A_1998, %select_n3A_1995 : vector<16xi1>, vector<16xi32>
    %eq3A_2000 = arith.cmpf oeq, %get3A_1969, %max3A_1985 : vector<16xf32>
    %jit3A_2001 = arith.constant 4 : i32
    %broadcast_in_dim3A_2002 = vector.broadcast %jit3A_2001 : i32 to vector<16xi32>
    %select_n3A_2003 = arith.select %eq3A_2000, %broadcast_in_dim3A_2002, %select_n3A_1999 : vector<16xi1>, vector<16xi32>
    %eq3A_2004 = arith.cmpf oeq, %get3A_1966, %max3A_1985 : vector<16xf32>
    %jit3A_2005 = arith.constant 3 : i32
    %broadcast_in_dim3A_2006 = vector.broadcast %jit3A_2005 : i32 to vector<16xi32>
    %select_n3A_2007 = arith.select %eq3A_2004, %broadcast_in_dim3A_2006, %select_n3A_2003 : vector<16xi1>, vector<16xi32>
    %eq3A_2008 = arith.cmpf oeq, %get3A_1963, %max3A_1985 : vector<16xf32>
    %jit3A_2009 = arith.constant 2 : i32
    %broadcast_in_dim3A_2010 = vector.broadcast %jit3A_2009 : i32 to vector<16xi32>
    %select_n3A_2011 = arith.select %eq3A_2008, %broadcast_in_dim3A_2010, %select_n3A_2007 : vector<16xi1>, vector<16xi32>
    %eq3A_2012 = arith.cmpf oeq, %get3A_1960, %max3A_1985 : vector<16xf32>
    %jit3A_2013 = arith.constant 1 : i32
    %broadcast_in_dim3A_2014 = vector.broadcast %jit3A_2013 : i32 to vector<16xi32>
    %select_n3A_2015 = arith.select %eq3A_2012, %broadcast_in_dim3A_2014, %select_n3A_2011 : vector<16xi1>, vector<16xi32>
    %eq3A_2016 = arith.cmpf oeq, %get3A_1957, %max3A_1985 : vector<16xf32>
    %jit3A_2017 = arith.constant 0 : i32
    %broadcast_in_dim3A_2018 = vector.broadcast %jit3A_2017 : i32 to vector<16xi32>
    %select_n3A_2019 = arith.select %eq3A_2016, %broadcast_in_dim3A_2018, %select_n3A_2015 : vector<16xi1>, vector<16xi32>
    %eq3A_2020 = arith.constant 0 : i32
    %eq3A_2021 = vector.broadcast %eq3A_2020 : i32 to vector<16xi32>
    %eq3A_2022 = arith.cmpi eq, %select_n3A_2019, %eq3A_2021 : vector<16xi32>
    %jit3A_2023 = arith.constant 0xFF800000 : f32
    %broadcast_in_dim3A_2024 = vector.broadcast %jit3A_2023 : f32 to vector<16xf32>
    %select_n3A_2025 = arith.select %eq3A_2022, %broadcast_in_dim3A_2024, %get3A_1957 : vector<16xi1>, vector<16xf32>
    %eq3A_2026 = arith.constant 1 : i32
    %eq3A_2027 = vector.broadcast %eq3A_2026 : i32 to vector<16xi32>
    %eq3A_2028 = arith.cmpi eq, %select_n3A_2019, %eq3A_2027 : vector<16xi32>
    %jit3A_2029 = arith.constant 0xFF800000 : f32
    %broadcast_in_dim3A_2030 = vector.broadcast %jit3A_2029 : f32 to vector<16xf32>
    %select_n3A_2031 = arith.select %eq3A_2028, %broadcast_in_dim3A_2030, %get3A_1960 : vector<16xi1>, vector<16xf32>
    %max3A_2032 = arith.maximumf %select_n3A_2025, %select_n3A_2031 : vector<16xf32>
    %eq3A_2033 = arith.constant 2 : i32
    %eq3A_2034 = vector.broadcast %eq3A_2033 : i32 to vector<16xi32>
    %eq3A_2035 = arith.cmpi eq, %select_n3A_2019, %eq3A_2034 : vector<16xi32>
    %jit3A_2036 = arith.constant 0xFF800000 : f32
    %broadcast_in_dim3A_2037 = vector.broadcast %jit3A_2036 : f32 to vector<16xf32>
    %select_n3A_2038 = arith.select %eq3A_2035, %broadcast_in_dim3A_2037, %get3A_1963 : vector<16xi1>, vector<16xf32>
    %max3A_2039 = arith.maximumf %max3A_2032, %select_n3A_2038 : vector<16xf32>
    %eq3A_2040 = arith.constant 3 : i32
    %eq3A_2041 = vector.broadcast %eq3A_2040 : i32 to vector<16xi32>
    %eq3A_2042 = arith.cmpi eq, %select_n3A_2019, %eq3A_2041 : vector<16xi32>
    %jit3A_2043 = arith.constant 0xFF800000 : f32
    %broadcast_in_dim3A_2044 = vector.broadcast %jit3A_2043 : f32 to vector<16xf32>
    %select_n3A_2045 = arith.select %eq3A_2042, %broadcast_in_dim3A_2044, %get3A_1966 : vector<16xi1>, vector<16xf32>
    %max3A_2046 = arith.maximumf %max3A_2039, %select_n3A_2045 : vector<16xf32>
    %eq3A_2047 = arith.constant 4 : i32
    %eq3A_2048 = vector.broadcast %eq3A_2047 : i32 to vector<16xi32>
    %eq3A_2049 = arith.cmpi eq, %select_n3A_2019, %eq3A_2048 : vector<16xi32>
    %jit3A_2050 = arith.constant 0xFF800000 : f32
    %broadcast_in_dim3A_2051 = vector.broadcast %jit3A_2050 : f32 to vector<16xf32>
    %select_n3A_2052 = arith.select %eq3A_2049, %broadcast_in_dim3A_2051, %get3A_1969 : vector<16xi1>, vector<16xf32>
    %max3A_2053 = arith.maximumf %max3A_2046, %select_n3A_2052 : vector<16xf32>
    %eq3A_2054 = arith.constant 5 : i32
    %eq3A_2055 = vector.broadcast %eq3A_2054 : i32 to vector<16xi32>
    %eq3A_2056 = arith.cmpi eq, %select_n3A_2019, %eq3A_2055 : vector<16xi32>
    %jit3A_2057 = arith.constant 0xFF800000 : f32
    %broadcast_in_dim3A_2058 = vector.broadcast %jit3A_2057 : f32 to vector<16xf32>
    %select_n3A_2059 = arith.select %eq3A_2056, %broadcast_in_dim3A_2058, %get3A_1972 : vector<16xi1>, vector<16xf32>
    %max3A_2060 = arith.maximumf %max3A_2053, %select_n3A_2059 : vector<16xf32>
    %eq3A_2061 = arith.constant 6 : i32
    %eq3A_2062 = vector.broadcast %eq3A_2061 : i32 to vector<16xi32>
    %eq3A_2063 = arith.cmpi eq, %select_n3A_2019, %eq3A_2062 : vector<16xi32>
    %jit3A_2064 = arith.constant 0xFF800000 : f32
    %broadcast_in_dim3A_2065 = vector.broadcast %jit3A_2064 : f32 to vector<16xf32>
    %select_n3A_2066 = arith.select %eq3A_2063, %broadcast_in_dim3A_2065, %get3A_1975 : vector<16xi1>, vector<16xf32>
    %max3A_2067 = arith.maximumf %max3A_2060, %select_n3A_2066 : vector<16xf32>
    %eq3A_2068 = arith.constant 7 : i32
    %eq3A_2069 = vector.broadcast %eq3A_2068 : i32 to vector<16xi32>
    %eq3A_2070 = arith.cmpi eq, %select_n3A_2019, %eq3A_2069 : vector<16xi32>
    %jit3A_2071 = arith.constant 0xFF800000 : f32
    %broadcast_in_dim3A_2072 = vector.broadcast %jit3A_2071 : f32 to vector<16xf32>
    %select_n3A_2073 = arith.select %eq3A_2070, %broadcast_in_dim3A_2072, %get3A_1978 : vector<16xi1>, vector<16xf32>
    %max3A_2074 = arith.maximumf %max3A_2067, %select_n3A_2073 : vector<16xf32>
    %broadcast_in_dim3A_2075 = arith.constant 8 : i32
    %broadcast_in_dim3A_2076 = vector.broadcast %broadcast_in_dim3A_2075 : i32 to vector<16xi32>
    %eq3A_2077 = arith.cmpf oeq, %get3A_1978, %max3A_2074 : vector<16xf32>
    %ne3A_2078 = arith.constant 7 : i32
    %ne3A_2079 = vector.broadcast %ne3A_2078 : i32 to vector<16xi32>
    %ne3A_2080 = arith.cmpi ne, %select_n3A_2019, %ne3A_2079 : vector<16xi32>
    %and3A_2081 = arith.andi %eq3A_2077, %ne3A_2080 : vector<16xi1>
    %jit3A_2082 = arith.constant 7 : i32
    %broadcast_in_dim3A_2083 = vector.broadcast %jit3A_2082 : i32 to vector<16xi32>
    %select_n3A_2084 = arith.select %and3A_2081, %broadcast_in_dim3A_2083, %broadcast_in_dim3A_2076 : vector<16xi1>, vector<16xi32>
    %eq3A_2085 = arith.cmpf oeq, %get3A_1975, %max3A_2074 : vector<16xf32>
    %ne3A_2086 = arith.constant 6 : i32
    %ne3A_2087 = vector.broadcast %ne3A_2086 : i32 to vector<16xi32>
    %ne3A_2088 = arith.cmpi ne, %select_n3A_2019, %ne3A_2087 : vector<16xi32>
    %and3A_2089 = arith.andi %eq3A_2085, %ne3A_2088 : vector<16xi1>
    %jit3A_2090 = arith.constant 6 : i32
    %broadcast_in_dim3A_2091 = vector.broadcast %jit3A_2090 : i32 to vector<16xi32>
    %select_n3A_2092 = arith.select %and3A_2089, %broadcast_in_dim3A_2091, %select_n3A_2084 : vector<16xi1>, vector<16xi32>
    %eq3A_2093 = arith.cmpf oeq, %get3A_1972, %max3A_2074 : vector<16xf32>
    %ne3A_2094 = arith.constant 5 : i32
    %ne3A_2095 = vector.broadcast %ne3A_2094 : i32 to vector<16xi32>
    %ne3A_2096 = arith.cmpi ne, %select_n3A_2019, %ne3A_2095 : vector<16xi32>
    %and3A_2097 = arith.andi %eq3A_2093, %ne3A_2096 : vector<16xi1>
    %jit3A_2098 = arith.constant 5 : i32
    %broadcast_in_dim3A_2099 = vector.broadcast %jit3A_2098 : i32 to vector<16xi32>
    %select_n3A_2100 = arith.select %and3A_2097, %broadcast_in_dim3A_2099, %select_n3A_2092 : vector<16xi1>, vector<16xi32>
    %eq3A_2101 = arith.cmpf oeq, %get3A_1969, %max3A_2074 : vector<16xf32>
    %ne3A_2102 = arith.constant 4 : i32
    %ne3A_2103 = vector.broadcast %ne3A_2102 : i32 to vector<16xi32>
    %ne3A_2104 = arith.cmpi ne, %select_n3A_2019, %ne3A_2103 : vector<16xi32>
    %and3A_2105 = arith.andi %eq3A_2101, %ne3A_2104 : vector<16xi1>
    %jit3A_2106 = arith.constant 4 : i32
    %broadcast_in_dim3A_2107 = vector.broadcast %jit3A_2106 : i32 to vector<16xi32>
    %select_n3A_2108 = arith.select %and3A_2105, %broadcast_in_dim3A_2107, %select_n3A_2100 : vector<16xi1>, vector<16xi32>
    %eq3A_2109 = arith.cmpf oeq, %get3A_1966, %max3A_2074 : vector<16xf32>
    %ne3A_2110 = arith.constant 3 : i32
    %ne3A_2111 = vector.broadcast %ne3A_2110 : i32 to vector<16xi32>
    %ne3A_2112 = arith.cmpi ne, %select_n3A_2019, %ne3A_2111 : vector<16xi32>
    %and3A_2113 = arith.andi %eq3A_2109, %ne3A_2112 : vector<16xi1>
    %jit3A_2114 = arith.constant 3 : i32
    %broadcast_in_dim3A_2115 = vector.broadcast %jit3A_2114 : i32 to vector<16xi32>
    %select_n3A_2116 = arith.select %and3A_2113, %broadcast_in_dim3A_2115, %select_n3A_2108 : vector<16xi1>, vector<16xi32>
    %eq3A_2117 = arith.cmpf oeq, %get3A_1963, %max3A_2074 : vector<16xf32>
    %ne3A_2118 = arith.constant 2 : i32
    %ne3A_2119 = vector.broadcast %ne3A_2118 : i32 to vector<16xi32>
    %ne3A_2120 = arith.cmpi ne, %select_n3A_2019, %ne3A_2119 : vector<16xi32>
    %and3A_2121 = arith.andi %eq3A_2117, %ne3A_2120 : vector<16xi1>
    %jit3A_2122 = arith.constant 2 : i32
    %broadcast_in_dim3A_2123 = vector.broadcast %jit3A_2122 : i32 to vector<16xi32>
    %select_n3A_2124 = arith.select %and3A_2121, %broadcast_in_dim3A_2123, %select_n3A_2116 : vector<16xi1>, vector<16xi32>
    %eq3A_2125 = arith.cmpf oeq, %get3A_1960, %max3A_2074 : vector<16xf32>
    %ne3A_2126 = arith.constant 1 : i32
    %ne3A_2127 = vector.broadcast %ne3A_2126 : i32 to vector<16xi32>
    %ne3A_2128 = arith.cmpi ne, %select_n3A_2019, %ne3A_2127 : vector<16xi32>
    %and3A_2129 = arith.andi %eq3A_2125, %ne3A_2128 : vector<16xi1>
    %jit3A_2130 = arith.constant 1 : i32
    %broadcast_in_dim3A_2131 = vector.broadcast %jit3A_2130 : i32 to vector<16xi32>
    %select_n3A_2132 = arith.select %and3A_2129, %broadcast_in_dim3A_2131, %select_n3A_2124 : vector<16xi1>, vector<16xi32>
    %eq3A_2133 = arith.cmpf oeq, %get3A_1957, %max3A_2074 : vector<16xf32>
    %ne3A_2134 = arith.constant 0 : i32
    %ne3A_2135 = vector.broadcast %ne3A_2134 : i32 to vector<16xi32>
    %ne3A_2136 = arith.cmpi ne, %select_n3A_2019, %ne3A_2135 : vector<16xi32>
    %and3A_2137 = arith.andi %eq3A_2133, %ne3A_2136 : vector<16xi1>
    %jit3A_2138 = arith.constant 0 : i32
    %broadcast_in_dim3A_2139 = vector.broadcast %jit3A_2138 : i32 to vector<16xi32>
    %select_n3A_2140 = arith.select %and3A_2137, %broadcast_in_dim3A_2139, %select_n3A_2132 : vector<16xi1>, vector<16xi32>
    %sub3A_2141 = arith.subf %max3A_2074, %max3A_1985 : vector<16xf32>
    %exp3A_2142 = math.exp %sub3A_2141 : vector<16xf32>
    %add3A_2143 = arith.constant 1.000000e+00 : f32
    %add3A_2144 = vector.broadcast %add3A_2143 : f32 to vector<16xf32>
    %add3A_2145 = arith.addf %add3A_2144, %exp3A_2142 : vector<16xf32>
    %div3A_2146 = arith.constant 1.000000e+00 : f32
    %div3A_2147 = vector.broadcast %div3A_2146 : f32 to vector<16xf32>
    %div3A_2148 = arith.divf %div3A_2147, %add3A_2145 : vector<16xf32>
    %sub3A_2149 = arith.constant 1.000000e+00 : f32
    %sub3A_2150 = vector.broadcast %sub3A_2149 : f32 to vector<16xf32>
    %sub3A_2151 = arith.subf %sub3A_2150, %div3A_2148 : vector<16xf32>
    %eq3A_2152 = arith.constant 0 : i32
    %eq3A_2153 = vector.broadcast %eq3A_2152 : i32 to vector<16xi32>
    %eq3A_2154 = arith.cmpi eq, %select_n3A_2019, %eq3A_2153 : vector<16xi32>
    %eq3A_2155 = arith.constant 0 : i32
    %eq3A_2156 = vector.broadcast %eq3A_2155 : i32 to vector<16xi32>
    %eq3A_2157 = arith.cmpi eq, %select_n3A_2140, %eq3A_2156 : vector<16xi32>
    %jit3A_2158 = arith.constant 0.000000e+00 : f32
    %broadcast_in_dim3A_2159 = vector.broadcast %jit3A_2158 : f32 to vector<16xf32>
    %select_n3A_2160 = arith.select %eq3A_2157, %sub3A_2151, %broadcast_in_dim3A_2159 : vector<16xi1>, vector<16xf32>
    %select_n3A_2161 = arith.select %eq3A_2154, %div3A_2148, %select_n3A_2160 : vector<16xi1>, vector<16xf32>
    %swap3A_2162 = arith.constant 96 : index
    %swap3A_2163 = tpu.vector_load %arg5[%swap3A_2162] {strides = array<i32>} : memref<1024xf32, #tpu.memory_space<vmem>>, vector<16xf32>,
    %swap3A_2164 = vector.shape_cast %swap3A_2163 : vector<16xf32> to vector<16xf32>
    %swap3A_2165 = vector.shape_cast %select_n3A_2161 : vector<16xf32> to vector<16xf32>
    tpu.vector_store %arg5[%swap3A_2162], %swap3A_2165 {strides = array<i32>} : memref<1024xf32, #tpu.memory_space<vmem>>, vector<16xf32>,
    %eq3A_2166 = arith.constant 1 : i32
    %eq3A_2167 = vector.broadcast %eq3A_2166 : i32 to vector<16xi32>
    %eq3A_2168 = arith.cmpi eq, %select_n3A_2019, %eq3A_2167 : vector<16xi32>
    %eq3A_2169 = arith.constant 1 : i32
    %eq3A_2170 = vector.broadcast %eq3A_2169 : i32 to vector<16xi32>
    %eq3A_2171 = arith.cmpi eq, %select_n3A_2140, %eq3A_2170 : vector<16xi32>
    %jit3A_2172 = arith.constant 0.000000e+00 : f32
    %broadcast_in_dim3A_2173 = vector.broadcast %jit3A_2172 : f32 to vector<16xf32>
    %select_n3A_2174 = arith.select %eq3A_2171, %sub3A_2151, %broadcast_in_dim3A_2173 : vector<16xi1>, vector<16xf32>
    %select_n3A_2175 = arith.select %eq3A_2168, %div3A_2148, %select_n3A_2174 : vector<16xi1>, vector<16xf32>
    %swap3A_2176 = arith.constant 224 : index
    %swap3A_2177 = tpu.vector_load %arg5[%swap3A_2176] {strides = array<i32>} : memref<1024xf32, #tpu.memory_space<vmem>>, vector<16xf32>,
    %swap3A_2178 = vector.shape_cast %swap3A_2177 : vector<16xf32> to vector<16xf32>
    %swap3A_2179 = vector.shape_cast %select_n3A_2175 : vector<16xf32> to vector<16xf32>
    tpu.vector_store %arg5[%swap3A_2176], %swap3A_2179 {strides = array<i32>} : memref<1024xf32, #tpu.memory_space<vmem>>, vector<16xf32>,
    %eq3A_2180 = arith.constant 2 : i32
    %eq3A_2181 = vector.broadcast %eq3A_2180 : i32 to vector<16xi32>
    %eq3A_2182 = arith.cmpi eq, %select_n3A_2019, %eq3A_2181 : vector<16xi32>
    %eq3A_2183 = arith.constant 2 : i32
    %eq3A_2184 = vector.broadcast %eq3A_2183 : i32 to vector<16xi32>
    %eq3A_2185 = arith.cmpi eq, %select_n3A_2140, %eq3A_2184 : vector<16xi32>
    %jit3A_2186 = arith.constant 0.000000e+00 : f32
    %broadcast_in_dim3A_2187 = vector.broadcast %jit3A_2186 : f32 to vector<16xf32>
    %select_n3A_2188 = arith.select %eq3A_2185, %sub3A_2151, %broadcast_in_dim3A_2187 : vector<16xi1>, vector<16xf32>
    %select_n3A_2189 = arith.select %eq3A_2182, %div3A_2148, %select_n3A_2188 : vector<16xi1>, vector<16xf32>
    %swap3A_2190 = arith.constant 352 : index
    %swap3A_2191 = tpu.vector_load %arg5[%swap3A_2190] {strides = array<i32>} : memref<1024xf32, #tpu.memory_space<vmem>>, vector<16xf32>,
    %swap3A_2192 = vector.shape_cast %swap3A_2191 : vector<16xf32> to vector<16xf32>
    %swap3A_2193 = vector.shape_cast %select_n3A_2189 : vector<16xf32> to vector<16xf32>
    tpu.vector_store %arg5[%swap3A_2190], %swap3A_2193 {strides = array<i32>} : memref<1024xf32, #tpu.memory_space<vmem>>, vector<16xf32>,
    %eq3A_2194 = arith.constant 3 : i32
    %eq3A_2195 = vector.broadcast %eq3A_2194 : i32 to vector<16xi32>
    %eq3A_2196 = arith.cmpi eq, %select_n3A_2019, %eq3A_2195 : vector<16xi32>
    %eq3A_2197 = arith.constant 3 : i32
    %eq3A_2198 = vector.broadcast %eq3A_2197 : i32 to vector<16xi32>
    %eq3A_2199 = arith.cmpi eq, %select_n3A_2140, %eq3A_2198 : vector<16xi32>
    %jit3A_2200 = arith.constant 0.000000e+00 : f32
    %broadcast_in_dim3A_2201 = vector.broadcast %jit3A_2200 : f32 to vector<16xf32>
    %select_n3A_2202 = arith.select %eq3A_2199, %sub3A_2151, %broadcast_in_dim3A_2201 : vector<16xi1>, vector<16xf32>
    %select_n3A_2203 = arith.select %eq3A_2196, %div3A_2148, %select_n3A_2202 : vector<16xi1>, vector<16xf32>
    %swap3A_2204 = arith.constant 480 : index
    %swap3A_2205 = tpu.vector_load %arg5[%swap3A_2204] {strides = array<i32>} : memref<1024xf32, #tpu.memory_space<vmem>>, vector<16xf32>,
    %swap3A_2206 = vector.shape_cast %swap3A_2205 : vector<16xf32> to vector<16xf32>
    %swap3A_2207 = vector.shape_cast %select_n3A_2203 : vector<16xf32> to vector<16xf32>
    tpu.vector_store %arg5[%swap3A_2204], %swap3A_2207 {strides = array<i32>} : memref<1024xf32, #tpu.memory_space<vmem>>, vector<16xf32>,
    %eq3A_2208 = arith.constant 4 : i32
    %eq3A_2209 = vector.broadcast %eq3A_2208 : i32 to vector<16xi32>
    %eq3A_2210 = arith.cmpi eq, %select_n3A_2019, %eq3A_2209 : vector<16xi32>
    %eq3A_2211 = arith.constant 4 : i32
    %eq3A_2212 = vector.broadcast %eq3A_2211 : i32 to vector<16xi32>
    %eq3A_2213 = arith.cmpi eq, %select_n3A_2140, %eq3A_2212 : vector<16xi32>
    %jit3A_2214 = arith.constant 0.000000e+00 : f32
    %broadcast_in_dim3A_2215 = vector.broadcast %jit3A_2214 : f32 to vector<16xf32>
    %select_n3A_2216 = arith.select %eq3A_2213, %sub3A_2151, %broadcast_in_dim3A_2215 : vector<16xi1>, vector<16xf32>
    %select_n3A_2217 = arith.select %eq3A_2210, %div3A_2148, %select_n3A_2216 : vector<16xi1>, vector<16xf32>
    %swap3A_2218 = arith.constant 608 : index
    %swap3A_2219 = tpu.vector_load %arg5[%swap3A_2218] {strides = array<i32>} : memref<1024xf32, #tpu.memory_space<vmem>>, vector<16xf32>,
    %swap3A_2220 = vector.shape_cast %swap3A_2219 : vector<16xf32> to vector<16xf32>
    %swap3A_2221 = vector.shape_cast %select_n3A_2217 : vector<16xf32> to vector<16xf32>
    tpu.vector_store %arg5[%swap3A_2218], %swap3A_2221 {strides = array<i32>} : memref<1024xf32, #tpu.memory_space<vmem>>, vector<16xf32>,
    %eq3A_2222 = arith.constant 5 : i32
    %eq3A_2223 = vector.broadcast %eq3A_2222 : i32 to vector<16xi32>
    %eq3A_2224 = arith.cmpi eq, %select_n3A_2019, %eq3A_2223 : vector<16xi32>
    %eq3A_2225 = arith.constant 5 : i32
    %eq3A_2226 = vector.broadcast %eq3A_2225 : i32 to vector<16xi32>
    %eq3A_2227 = arith.cmpi eq, %select_n3A_2140, %eq3A_2226 : vector<16xi32>
    %jit3A_2228 = arith.constant 0.000000e+00 : f32
    %broadcast_in_dim3A_2229 = vector.broadcast %jit3A_2228 : f32 to vector<16xf32>
    %select_n3A_2230 = arith.select %eq3A_2227, %sub3A_2151, %broadcast_in_dim3A_2229 : vector<16xi1>, vector<16xf32>
    %select_n3A_2231 = arith.select %eq3A_2224, %div3A_2148, %select_n3A_2230 : vector<16xi1>, vector<16xf32>
    %swap3A_2232 = arith.constant 736 : index
    %swap3A_2233 = tpu.vector_load %arg5[%swap3A_2232] {strides = array<i32>} : memref<1024xf32, #tpu.memory_space<vmem>>, vector<16xf32>,
    %swap3A_2234 = vector.shape_cast %swap3A_2233 : vector<16xf32> to vector<16xf32>
    %swap3A_2235 = vector.shape_cast %select_n3A_2231 : vector<16xf32> to vector<16xf32>
    tpu.vector_store %arg5[%swap3A_2232], %swap3A_2235 {strides = array<i32>} : memref<1024xf32, #tpu.memory_space<vmem>>, vector<16xf32>,
    %eq3A_2236 = arith.constant 6 : i32
    %eq3A_2237 = vector.broadcast %eq3A_2236 : i32 to vector<16xi32>
    %eq3A_2238 = arith.cmpi eq, %select_n3A_2019, %eq3A_2237 : vector<16xi32>
    %eq3A_2239 = arith.constant 6 : i32
    %eq3A_2240 = vector.broadcast %eq3A_2239 : i32 to vector<16xi32>
    %eq3A_2241 = arith.cmpi eq, %select_n3A_2140, %eq3A_2240 : vector<16xi32>
    %jit3A_2242 = arith.constant 0.000000e+00 : f32
    %broadcast_in_dim3A_2243 = vector.broadcast %jit3A_2242 : f32 to vector<16xf32>
    %select_n3A_2244 = arith.select %eq3A_2241, %sub3A_2151, %broadcast_in_dim3A_2243 : vector<16xi1>, vector<16xf32>
    %select_n3A_2245 = arith.select %eq3A_2238, %div3A_2148, %select_n3A_2244 : vector<16xi1>, vector<16xf32>
    %swap3A_2246 = arith.constant 864 : index
    %swap3A_2247 = tpu.vector_load %arg5[%swap3A_2246] {strides = array<i32>} : memref<1024xf32, #tpu.memory_space<vmem>>, vector<16xf32>,
    %swap3A_2248 = vector.shape_cast %swap3A_2247 : vector<16xf32> to vector<16xf32>
    %swap3A_2249 = vector.shape_cast %select_n3A_2245 : vector<16xf32> to vector<16xf32>
    tpu.vector_store %arg5[%swap3A_2246], %swap3A_2249 {strides = array<i32>} : memref<1024xf32, #tpu.memory_space<vmem>>, vector<16xf32>,
    %eq3A_2250 = arith.constant 7 : i32
    %eq3A_2251 = vector.broadcast %eq3A_2250 : i32 to vector<16xi32>
    %eq3A_2252 = arith.cmpi eq, %select_n3A_2019, %eq3A_2251 : vector<16xi32>
    %eq3A_2253 = arith.constant 7 : i32
    %eq3A_2254 = vector.broadcast %eq3A_2253 : i32 to vector<16xi32>
    %eq3A_2255 = arith.cmpi eq, %select_n3A_2140, %eq3A_2254 : vector<16xi32>
    %jit3A_2256 = arith.constant 0.000000e+00 : f32
    %broadcast_in_dim3A_2257 = vector.broadcast %jit3A_2256 : f32 to vector<16xf32>
    %select_n3A_2258 = arith.select %eq3A_2255, %sub3A_2151, %broadcast_in_dim3A_2257 : vector<16xi1>, vector<16xf32>
    %select_n3A_2259 = arith.select %eq3A_2252, %div3A_2148, %select_n3A_2258 : vector<16xi1>, vector<16xf32>
    %swap3A_2260 = arith.constant 992 : index
    %swap3A_2261 = tpu.vector_load %arg5[%swap3A_2260] {strides = array<i32>} : memref<1024xf32, #tpu.memory_space<vmem>>, vector<16xf32>,
    %swap3A_2262 = vector.shape_cast %swap3A_2261 : vector<16xf32> to vector<16xf32>
    %swap3A_2263 = vector.shape_cast %select_n3A_2259 : vector<16xf32> to vector<16xf32>
    tpu.vector_store %arg5[%swap3A_2260], %swap3A_2263 {strides = array<i32>} : memref<1024xf32, #tpu.memory_space<vmem>>, vector<16xf32>,
    %get3A_2264 = arith.constant 112 : index
    %get3A_2265 = tpu.vector_load %arg4[%get3A_2264] {strides = array<i32>} : memref<1024xf32, #tpu.memory_space<vmem>>, vector<16xf32>,
    %get3A_2266 = vector.shape_cast %get3A_2265 : vector<16xf32> to vector<16xf32>
    %get3A_2267 = arith.constant 240 : index
    %get3A_2268 = tpu.vector_load %arg4[%get3A_2267] {strides = array<i32>} : memref<1024xf32, #tpu.memory_space<vmem>>, vector<16xf32>,
    %get3A_2269 = vector.shape_cast %get3A_2268 : vector<16xf32> to vector<16xf32>
    %get3A_2270 = arith.constant 368 : index
    %get3A_2271 = tpu.vector_load %arg4[%get3A_2270] {strides = array<i32>} : memref<1024xf32, #tpu.memory_space<vmem>>, vector<16xf32>,
    %get3A_2272 = vector.shape_cast %get3A_2271 : vector<16xf32> to vector<16xf32>
    %get3A_2273 = arith.constant 496 : index
    %get3A_2274 = tpu.vector_load %arg4[%get3A_2273] {strides = array<i32>} : memref<1024xf32, #tpu.memory_space<vmem>>, vector<16xf32>,
    %get3A_2275 = vector.shape_cast %get3A_2274 : vector<16xf32> to vector<16xf32>
    %get3A_2276 = arith.constant 624 : index
    %get3A_2277 = tpu.vector_load %arg4[%get3A_2276] {strides = array<i32>} : memref<1024xf32, #tpu.memory_space<vmem>>, vector<16xf32>,
    %get3A_2278 = vector.shape_cast %get3A_2277 : vector<16xf32> to vector<16xf32>
    %get3A_2279 = arith.constant 752 : index
    %get3A_2280 = tpu.vector_load %arg4[%get3A_2279] {strides = array<i32>} : memref<1024xf32, #tpu.memory_space<vmem>>, vector<16xf32>,
    %get3A_2281 = vector.shape_cast %get3A_2280 : vector<16xf32> to vector<16xf32>
    %get3A_2282 = arith.constant 880 : index
    %get3A_2283 = tpu.vector_load %arg4[%get3A_2282] {strides = array<i32>} : memref<1024xf32, #tpu.memory_space<vmem>>, vector<16xf32>,
    %get3A_2284 = vector.shape_cast %get3A_2283 : vector<16xf32> to vector<16xf32>
    %get3A_2285 = arith.constant 1008 : index
    %get3A_2286 = tpu.vector_load %arg4[%get3A_2285] {strides = array<i32>} : memref<1024xf32, #tpu.memory_space<vmem>>, vector<16xf32>,
    %get3A_2287 = vector.shape_cast %get3A_2286 : vector<16xf32> to vector<16xf32>
    %max3A_2288 = arith.maximumf %get3A_2266, %get3A_2269 : vector<16xf32>
    %max3A_2289 = arith.maximumf %max3A_2288, %get3A_2272 : vector<16xf32>
    %max3A_2290 = arith.maximumf %max3A_2289, %get3A_2275 : vector<16xf32>
    %max3A_2291 = arith.maximumf %max3A_2290, %get3A_2278 : vector<16xf32>
    %max3A_2292 = arith.maximumf %max3A_2291, %get3A_2281 : vector<16xf32>
    %max3A_2293 = arith.maximumf %max3A_2292, %get3A_2284 : vector<16xf32>
    %max3A_2294 = arith.maximumf %max3A_2293, %get3A_2287 : vector<16xf32>
    %broadcast_in_dim3A_2295 = arith.constant 8 : i32
    %broadcast_in_dim3A_2296 = vector.broadcast %broadcast_in_dim3A_2295 : i32 to vector<16xi32>
    %eq3A_2297 = arith.cmpf oeq, %get3A_2287, %max3A_2294 : vector<16xf32>
    %jit3A_2298 = arith.constant 7 : i32
    %broadcast_in_dim3A_2299 = vector.broadcast %jit3A_2298 : i32 to vector<16xi32>
    %select_n3A_2300 = arith.select %eq3A_2297, %broadcast_in_dim3A_2299, %broadcast_in_dim3A_2296 : vector<16xi1>, vector<16xi32>
    %eq3A_2301 = arith.cmpf oeq, %get3A_2284, %max3A_2294 : vector<16xf32>
    %jit3A_2302 = arith.constant 6 : i32
    %broadcast_in_dim3A_2303 = vector.broadcast %jit3A_2302 : i32 to vector<16xi32>
    %select_n3A_2304 = arith.select %eq3A_2301, %broadcast_in_dim3A_2303, %select_n3A_2300 : vector<16xi1>, vector<16xi32>
    %eq3A_2305 = arith.cmpf oeq, %get3A_2281, %max3A_2294 : vector<16xf32>
    %jit3A_2306 = arith.constant 5 : i32
    %broadcast_in_dim3A_2307 = vector.broadcast %jit3A_2306 : i32 to vector<16xi32>
    %select_n3A_2308 = arith.select %eq3A_2305, %broadcast_in_dim3A_2307, %select_n3A_2304 : vector<16xi1>, vector<16xi32>
    %eq3A_2309 = arith.cmpf oeq, %get3A_2278, %max3A_2294 : vector<16xf32>
    %jit3A_2310 = arith.constant 4 : i32
    %broadcast_in_dim3A_2311 = vector.broadcast %jit3A_2310 : i32 to vector<16xi32>
    %select_n3A_2312 = arith.select %eq3A_2309, %broadcast_in_dim3A_2311, %select_n3A_2308 : vector<16xi1>, vector<16xi32>
    %eq3A_2313 = arith.cmpf oeq, %get3A_2275, %max3A_2294 : vector<16xf32>
    %jit3A_2314 = arith.constant 3 : i32
    %broadcast_in_dim3A_2315 = vector.broadcast %jit3A_2314 : i32 to vector<16xi32>
    %select_n3A_2316 = arith.select %eq3A_2313, %broadcast_in_dim3A_2315, %select_n3A_2312 : vector<16xi1>, vector<16xi32>
    %eq3A_2317 = arith.cmpf oeq, %get3A_2272, %max3A_2294 : vector<16xf32>
    %jit3A_2318 = arith.constant 2 : i32
    %broadcast_in_dim3A_2319 = vector.broadcast %jit3A_2318 : i32 to vector<16xi32>
    %select_n3A_2320 = arith.select %eq3A_2317, %broadcast_in_dim3A_2319, %select_n3A_2316 : vector<16xi1>, vector<16xi32>
    %eq3A_2321 = arith.cmpf oeq, %get3A_2269, %max3A_2294 : vector<16xf32>
    %jit3A_2322 = arith.constant 1 : i32
    %broadcast_in_dim3A_2323 = vector.broadcast %jit3A_2322 : i32 to vector<16xi32>
    %select_n3A_2324 = arith.select %eq3A_2321, %broadcast_in_dim3A_2323, %select_n3A_2320 : vector<16xi1>, vector<16xi32>
    %eq3A_2325 = arith.cmpf oeq, %get3A_2266, %max3A_2294 : vector<16xf32>
    %jit3A_2326 = arith.constant 0 : i32
    %broadcast_in_dim3A_2327 = vector.broadcast %jit3A_2326 : i32 to vector<16xi32>
    %select_n3A_2328 = arith.select %eq3A_2325, %broadcast_in_dim3A_2327, %select_n3A_2324 : vector<16xi1>, vector<16xi32>
    %eq3A_2329 = arith.constant 0 : i32
    %eq3A_2330 = vector.broadcast %eq3A_2329 : i32 to vector<16xi32>
    %eq3A_2331 = arith.cmpi eq, %select_n3A_2328, %eq3A_2330 : vector<16xi32>
    %jit3A_2332 = arith.constant 0xFF800000 : f32
    %broadcast_in_dim3A_2333 = vector.broadcast %jit3A_2332 : f32 to vector<16xf32>
    %select_n3A_2334 = arith.select %eq3A_2331, %broadcast_in_dim3A_2333, %get3A_2266 : vector<16xi1>, vector<16xf32>
    %eq3A_2335 = arith.constant 1 : i32
    %eq3A_2336 = vector.broadcast %eq3A_2335 : i32 to vector<16xi32>
    %eq3A_2337 = arith.cmpi eq, %select_n3A_2328, %eq3A_2336 : vector<16xi32>
    %jit3A_2338 = arith.constant 0xFF800000 : f32
    %broadcast_in_dim3A_2339 = vector.broadcast %jit3A_2338 : f32 to vector<16xf32>
    %select_n3A_2340 = arith.select %eq3A_2337, %broadcast_in_dim3A_2339, %get3A_2269 : vector<16xi1>, vector<16xf32>
    %max3A_2341 = arith.maximumf %select_n3A_2334, %select_n3A_2340 : vector<16xf32>
    %eq3A_2342 = arith.constant 2 : i32
    %eq3A_2343 = vector.broadcast %eq3A_2342 : i32 to vector<16xi32>
    %eq3A_2344 = arith.cmpi eq, %select_n3A_2328, %eq3A_2343 : vector<16xi32>
    %jit3A_2345 = arith.constant 0xFF800000 : f32
    %broadcast_in_dim3A_2346 = vector.broadcast %jit3A_2345 : f32 to vector<16xf32>
    %select_n3A_2347 = arith.select %eq3A_2344, %broadcast_in_dim3A_2346, %get3A_2272 : vector<16xi1>, vector<16xf32>
    %max3A_2348 = arith.maximumf %max3A_2341, %select_n3A_2347 : vector<16xf32>
    %eq3A_2349 = arith.constant 3 : i32
    %eq3A_2350 = vector.broadcast %eq3A_2349 : i32 to vector<16xi32>
    %eq3A_2351 = arith.cmpi eq, %select_n3A_2328, %eq3A_2350 : vector<16xi32>
    %jit3A_2352 = arith.constant 0xFF800000 : f32
    %broadcast_in_dim3A_2353 = vector.broadcast %jit3A_2352 : f32 to vector<16xf32>
    %select_n3A_2354 = arith.select %eq3A_2351, %broadcast_in_dim3A_2353, %get3A_2275 : vector<16xi1>, vector<16xf32>
    %max3A_2355 = arith.maximumf %max3A_2348, %select_n3A_2354 : vector<16xf32>
    %eq3A_2356 = arith.constant 4 : i32
    %eq3A_2357 = vector.broadcast %eq3A_2356 : i32 to vector<16xi32>
    %eq3A_2358 = arith.cmpi eq, %select_n3A_2328, %eq3A_2357 : vector<16xi32>
    %jit3A_2359 = arith.constant 0xFF800000 : f32
    %broadcast_in_dim3A_2360 = vector.broadcast %jit3A_2359 : f32 to vector<16xf32>
    %select_n3A_2361 = arith.select %eq3A_2358, %broadcast_in_dim3A_2360, %get3A_2278 : vector<16xi1>, vector<16xf32>
    %max3A_2362 = arith.maximumf %max3A_2355, %select_n3A_2361 : vector<16xf32>
    %eq3A_2363 = arith.constant 5 : i32
    %eq3A_2364 = vector.broadcast %eq3A_2363 : i32 to vector<16xi32>
    %eq3A_2365 = arith.cmpi eq, %select_n3A_2328, %eq3A_2364 : vector<16xi32>
    %jit3A_2366 = arith.constant 0xFF800000 : f32
    %broadcast_in_dim3A_2367 = vector.broadcast %jit3A_2366 : f32 to vector<16xf32>
    %select_n3A_2368 = arith.select %eq3A_2365, %broadcast_in_dim3A_2367, %get3A_2281 : vector<16xi1>, vector<16xf32>
    %max3A_2369 = arith.maximumf %max3A_2362, %select_n3A_2368 : vector<16xf32>
    %eq3A_2370 = arith.constant 6 : i32
    %eq3A_2371 = vector.broadcast %eq3A_2370 : i32 to vector<16xi32>
    %eq3A_2372 = arith.cmpi eq, %select_n3A_2328, %eq3A_2371 : vector<16xi32>
    %jit3A_2373 = arith.constant 0xFF800000 : f32
    %broadcast_in_dim3A_2374 = vector.broadcast %jit3A_2373 : f32 to vector<16xf32>
    %select_n3A_2375 = arith.select %eq3A_2372, %broadcast_in_dim3A_2374, %get3A_2284 : vector<16xi1>, vector<16xf32>
    %max3A_2376 = arith.maximumf %max3A_2369, %select_n3A_2375 : vector<16xf32>
    %eq3A_2377 = arith.constant 7 : i32
    %eq3A_2378 = vector.broadcast %eq3A_2377 : i32 to vector<16xi32>
    %eq3A_2379 = arith.cmpi eq, %select_n3A_2328, %eq3A_2378 : vector<16xi32>
    %jit3A_2380 = arith.constant 0xFF800000 : f32
    %broadcast_in_dim3A_2381 = vector.broadcast %jit3A_2380 : f32 to vector<16xf32>
    %select_n3A_2382 = arith.select %eq3A_2379, %broadcast_in_dim3A_2381, %get3A_2287 : vector<16xi1>, vector<16xf32>
    %max3A_2383 = arith.maximumf %max3A_2376, %select_n3A_2382 : vector<16xf32>
    %broadcast_in_dim3A_2384 = arith.constant 8 : i32
    %broadcast_in_dim3A_2385 = vector.broadcast %broadcast_in_dim3A_2384 : i32 to vector<16xi32>
    %eq3A_2386 = arith.cmpf oeq, %get3A_2287, %max3A_2383 : vector<16xf32>
    %ne3A_2387 = arith.constant 7 : i32
    %ne3A_2388 = vector.broadcast %ne3A_2387 : i32 to vector<16xi32>
    %ne3A_2389 = arith.cmpi ne, %select_n3A_2328, %ne3A_2388 : vector<16xi32>
    %and3A_2390 = arith.andi %eq3A_2386, %ne3A_2389 : vector<16xi1>
    %jit3A_2391 = arith.constant 7 : i32
    %broadcast_in_dim3A_2392 = vector.broadcast %jit3A_2391 : i32 to vector<16xi32>
    %select_n3A_2393 = arith.select %and3A_2390, %broadcast_in_dim3A_2392, %broadcast_in_dim3A_2385 : vector<16xi1>, vector<16xi32>
    %eq3A_2394 = arith.cmpf oeq, %get3A_2284, %max3A_2383 : vector<16xf32>
    %ne3A_2395 = arith.constant 6 : i32
    %ne3A_2396 = vector.broadcast %ne3A_2395 : i32 to vector<16xi32>
    %ne3A_2397 = arith.cmpi ne, %select_n3A_2328, %ne3A_2396 : vector<16xi32>
    %and3A_2398 = arith.andi %eq3A_2394, %ne3A_2397 : vector<16xi1>
    %jit3A_2399 = arith.constant 6 : i32
    %broadcast_in_dim3A_2400 = vector.broadcast %jit3A_2399 : i32 to vector<16xi32>
    %select_n3A_2401 = arith.select %and3A_2398, %broadcast_in_dim3A_2400, %select_n3A_2393 : vector<16xi1>, vector<16xi32>
    %eq3A_2402 = arith.cmpf oeq, %get3A_2281, %max3A_2383 : vector<16xf32>
    %ne3A_2403 = arith.constant 5 : i32
    %ne3A_2404 = vector.broadcast %ne3A_2403 : i32 to vector<16xi32>
    %ne3A_2405 = arith.cmpi ne, %select_n3A_2328, %ne3A_2404 : vector<16xi32>
    %and3A_2406 = arith.andi %eq3A_2402, %ne3A_2405 : vector<16xi1>
    %jit3A_2407 = arith.constant 5 : i32
    %broadcast_in_dim3A_2408 = vector.broadcast %jit3A_2407 : i32 to vector<16xi32>
    %select_n3A_2409 = arith.select %and3A_2406, %broadcast_in_dim3A_2408, %select_n3A_2401 : vector<16xi1>, vector<16xi32>
    %eq3A_2410 = arith.cmpf oeq, %get3A_2278, %max3A_2383 : vector<16xf32>
    %ne3A_2411 = arith.constant 4 : i32
    %ne3A_2412 = vector.broadcast %ne3A_2411 : i32 to vector<16xi32>
    %ne3A_2413 = arith.cmpi ne, %select_n3A_2328, %ne3A_2412 : vector<16xi32>
    %and3A_2414 = arith.andi %eq3A_2410, %ne3A_2413 : vector<16xi1>
    %jit3A_2415 = arith.constant 4 : i32
    %broadcast_in_dim3A_2416 = vector.broadcast %jit3A_2415 : i32 to vector<16xi32>
    %select_n3A_2417 = arith.select %and3A_2414, %broadcast_in_dim3A_2416, %select_n3A_2409 : vector<16xi1>, vector<16xi32>
    %eq3A_2418 = arith.cmpf oeq, %get3A_2275, %max3A_2383 : vector<16xf32>
    %ne3A_2419 = arith.constant 3 : i32
    %ne3A_2420 = vector.broadcast %ne3A_2419 : i32 to vector<16xi32>
    %ne3A_2421 = arith.cmpi ne, %select_n3A_2328, %ne3A_2420 : vector<16xi32>
    %and3A_2422 = arith.andi %eq3A_2418, %ne3A_2421 : vector<16xi1>
    %jit3A_2423 = arith.constant 3 : i32
    %broadcast_in_dim3A_2424 = vector.broadcast %jit3A_2423 : i32 to vector<16xi32>
    %select_n3A_2425 = arith.select %and3A_2422, %broadcast_in_dim3A_2424, %select_n3A_2417 : vector<16xi1>, vector<16xi32>
    %eq3A_2426 = arith.cmpf oeq, %get3A_2272, %max3A_2383 : vector<16xf32>
    %ne3A_2427 = arith.constant 2 : i32
    %ne3A_2428 = vector.broadcast %ne3A_2427 : i32 to vector<16xi32>
    %ne3A_2429 = arith.cmpi ne, %select_n3A_2328, %ne3A_2428 : vector<16xi32>
    %and3A_2430 = arith.andi %eq3A_2426, %ne3A_2429 : vector<16xi1>
    %jit3A_2431 = arith.constant 2 : i32
    %broadcast_in_dim3A_2432 = vector.broadcast %jit3A_2431 : i32 to vector<16xi32>
    %select_n3A_2433 = arith.select %and3A_2430, %broadcast_in_dim3A_2432, %select_n3A_2425 : vector<16xi1>, vector<16xi32>
    %eq3A_2434 = arith.cmpf oeq, %get3A_2269, %max3A_2383 : vector<16xf32>
    %ne3A_2435 = arith.constant 1 : i32
    %ne3A_2436 = vector.broadcast %ne3A_2435 : i32 to vector<16xi32>
    %ne3A_2437 = arith.cmpi ne, %select_n3A_2328, %ne3A_2436 : vector<16xi32>
    %and3A_2438 = arith.andi %eq3A_2434, %ne3A_2437 : vector<16xi1>
    %jit3A_2439 = arith.constant 1 : i32
    %broadcast_in_dim3A_2440 = vector.broadcast %jit3A_2439 : i32 to vector<16xi32>
    %select_n3A_2441 = arith.select %and3A_2438, %broadcast_in_dim3A_2440, %select_n3A_2433 : vector<16xi1>, vector<16xi32>
    %eq3A_2442 = arith.cmpf oeq, %get3A_2266, %max3A_2383 : vector<16xf32>
    %ne3A_2443 = arith.constant 0 : i32
    %ne3A_2444 = vector.broadcast %ne3A_2443 : i32 to vector<16xi32>
    %ne3A_2445 = arith.cmpi ne, %select_n3A_2328, %ne3A_2444 : vector<16xi32>
    %and3A_2446 = arith.andi %eq3A_2442, %ne3A_2445 : vector<16xi1>
    %jit3A_2447 = arith.constant 0 : i32
    %broadcast_in_dim3A_2448 = vector.broadcast %jit3A_2447 : i32 to vector<16xi32>
    %select_n3A_2449 = arith.select %and3A_2446, %broadcast_in_dim3A_2448, %select_n3A_2441 : vector<16xi1>, vector<16xi32>
    %sub3A_2450 = arith.subf %max3A_2383, %max3A_2294 : vector<16xf32>
    %exp3A_2451 = math.exp %sub3A_2450 : vector<16xf32>
    %add3A_2452 = arith.constant 1.000000e+00 : f32
    %add3A_2453 = vector.broadcast %add3A_2452 : f32 to vector<16xf32>
    %add3A_2454 = arith.addf %add3A_2453, %exp3A_2451 : vector<16xf32>
    %div3A_2455 = arith.constant 1.000000e+00 : f32
    %div3A_2456 = vector.broadcast %div3A_2455 : f32 to vector<16xf32>
    %div3A_2457 = arith.divf %div3A_2456, %add3A_2454 : vector<16xf32>
    %sub3A_2458 = arith.constant 1.000000e+00 : f32
    %sub3A_2459 = vector.broadcast %sub3A_2458 : f32 to vector<16xf32>
    %sub3A_2460 = arith.subf %sub3A_2459, %div3A_2457 : vector<16xf32>
    %eq3A_2461 = arith.constant 0 : i32
    %eq3A_2462 = vector.broadcast %eq3A_2461 : i32 to vector<16xi32>
    %eq3A_2463 = arith.cmpi eq, %select_n3A_2328, %eq3A_2462 : vector<16xi32>
    %eq3A_2464 = arith.constant 0 : i32
    %eq3A_2465 = vector.broadcast %eq3A_2464 : i32 to vector<16xi32>
    %eq3A_2466 = arith.cmpi eq, %select_n3A_2449, %eq3A_2465 : vector<16xi32>
    %jit3A_2467 = arith.constant 0.000000e+00 : f32
    %broadcast_in_dim3A_2468 = vector.broadcast %jit3A_2467 : f32 to vector<16xf32>
    %select_n3A_2469 = arith.select %eq3A_2466, %sub3A_2460, %broadcast_in_dim3A_2468 : vector<16xi1>, vector<16xf32>
    %select_n3A_2470 = arith.select %eq3A_2463, %div3A_2457, %select_n3A_2469 : vector<16xi1>, vector<16xf32>
    %swap3A_2471 = arith.constant 112 : index
    %swap3A_2472 = tpu.vector_load %arg5[%swap3A_2471] {strides = array<i32>} : memref<1024xf32, #tpu.memory_space<vmem>>, vector<16xf32>,
    %swap3A_2473 = vector.shape_cast %swap3A_2472 : vector<16xf32> to vector<16xf32>
    %swap3A_2474 = vector.shape_cast %select_n3A_2470 : vector<16xf32> to vector<16xf32>
    tpu.vector_store %arg5[%swap3A_2471], %swap3A_2474 {strides = array<i32>} : memref<1024xf32, #tpu.memory_space<vmem>>, vector<16xf32>,
    %eq3A_2475 = arith.constant 1 : i32
    %eq3A_2476 = vector.broadcast %eq3A_2475 : i32 to vector<16xi32>
    %eq3A_2477 = arith.cmpi eq, %select_n3A_2328, %eq3A_2476 : vector<16xi32>
    %eq3A_2478 = arith.constant 1 : i32
    %eq3A_2479 = vector.broadcast %eq3A_2478 : i32 to vector<16xi32>
    %eq3A_2480 = arith.cmpi eq, %select_n3A_2449, %eq3A_2479 : vector<16xi32>
    %jit3A_2481 = arith.constant 0.000000e+00 : f32
    %broadcast_in_dim3A_2482 = vector.broadcast %jit3A_2481 : f32 to vector<16xf32>
    %select_n3A_2483 = arith.select %eq3A_2480, %sub3A_2460, %broadcast_in_dim3A_2482 : vector<16xi1>, vector<16xf32>
    %select_n3A_2484 = arith.select %eq3A_2477, %div3A_2457, %select_n3A_2483 : vector<16xi1>, vector<16xf32>
    %swap3A_2485 = arith.constant 240 : index
    %swap3A_2486 = tpu.vector_load %arg5[%swap3A_2485] {strides = array<i32>} : memref<1024xf32, #tpu.memory_space<vmem>>, vector<16xf32>,
    %swap3A_2487 = vector.shape_cast %swap3A_2486 : vector<16xf32> to vector<16xf32>
    %swap3A_2488 = vector.shape_cast %select_n3A_2484 : vector<16xf32> to vector<16xf32>
    tpu.vector_store %arg5[%swap3A_2485], %swap3A_2488 {strides = array<i32>} : memref<1024xf32, #tpu.memory_space<vmem>>, vector<16xf32>,
    %eq3A_2489 = arith.constant 2 : i32
    %eq3A_2490 = vector.broadcast %eq3A_2489 : i32 to vector<16xi32>
    %eq3A_2491 = arith.cmpi eq, %select_n3A_2328, %eq3A_2490 : vector<16xi32>
    %eq3A_2492 = arith.constant 2 : i32
    %eq3A_2493 = vector.broadcast %eq3A_2492 : i32 to vector<16xi32>
    %eq3A_2494 = arith.cmpi eq, %select_n3A_2449, %eq3A_2493 : vector<16xi32>
    %jit3A_2495 = arith.constant 0.000000e+00 : f32
    %broadcast_in_dim3A_2496 = vector.broadcast %jit3A_2495 : f32 to vector<16xf32>
    %select_n3A_2497 = arith.select %eq3A_2494, %sub3A_2460, %broadcast_in_dim3A_2496 : vector<16xi1>, vector<16xf32>
    %select_n3A_2498 = arith.select %eq3A_2491, %div3A_2457, %select_n3A_2497 : vector<16xi1>, vector<16xf32>
    %swap3A_2499 = arith.constant 368 : index
    %swap3A_2500 = tpu.vector_load %arg5[%swap3A_2499] {strides = array<i32>} : memref<1024xf32, #tpu.memory_space<vmem>>, vector<16xf32>,
    %swap3A_2501 = vector.shape_cast %swap3A_2500 : vector<16xf32> to vector<16xf32>
    %swap3A_2502 = vector.shape_cast %select_n3A_2498 : vector<16xf32> to vector<16xf32>
    tpu.vector_store %arg5[%swap3A_2499], %swap3A_2502 {strides = array<i32>} : memref<1024xf32, #tpu.memory_space<vmem>>, vector<16xf32>,
    %eq3A_2503 = arith.constant 3 : i32
    %eq3A_2504 = vector.broadcast %eq3A_2503 : i32 to vector<16xi32>
    %eq3A_2505 = arith.cmpi eq, %select_n3A_2328, %eq3A_2504 : vector<16xi32>
    %eq3A_2506 = arith.constant 3 : i32
    %eq3A_2507 = vector.broadcast %eq3A_2506 : i32 to vector<16xi32>
    %eq3A_2508 = arith.cmpi eq, %select_n3A_2449, %eq3A_2507 : vector<16xi32>
    %jit3A_2509 = arith.constant 0.000000e+00 : f32
    %broadcast_in_dim3A_2510 = vector.broadcast %jit3A_2509 : f32 to vector<16xf32>
    %select_n3A_2511 = arith.select %eq3A_2508, %sub3A_2460, %broadcast_in_dim3A_2510 : vector<16xi1>, vector<16xf32>
    %select_n3A_2512 = arith.select %eq3A_2505, %div3A_2457, %select_n3A_2511 : vector<16xi1>, vector<16xf32>
    %swap3A_2513 = arith.constant 496 : index
    %swap3A_2514 = tpu.vector_load %arg5[%swap3A_2513] {strides = array<i32>} : memref<1024xf32, #tpu.memory_space<vmem>>, vector<16xf32>,
    %swap3A_2515 = vector.shape_cast %swap3A_2514 : vector<16xf32> to vector<16xf32>
    %swap3A_2516 = vector.shape_cast %select_n3A_2512 : vector<16xf32> to vector<16xf32>
    tpu.vector_store %arg5[%swap3A_2513], %swap3A_2516 {strides = array<i32>} : memref<1024xf32, #tpu.memory_space<vmem>>, vector<16xf32>,
    %eq3A_2517 = arith.constant 4 : i32
    %eq3A_2518 = vector.broadcast %eq3A_2517 : i32 to vector<16xi32>
    %eq3A_2519 = arith.cmpi eq, %select_n3A_2328, %eq3A_2518 : vector<16xi32>
    %eq3A_2520 = arith.constant 4 : i32
    %eq3A_2521 = vector.broadcast %eq3A_2520 : i32 to vector<16xi32>
    %eq3A_2522 = arith.cmpi eq, %select_n3A_2449, %eq3A_2521 : vector<16xi32>
    %jit3A_2523 = arith.constant 0.000000e+00 : f32
    %broadcast_in_dim3A_2524 = vector.broadcast %jit3A_2523 : f32 to vector<16xf32>
    %select_n3A_2525 = arith.select %eq3A_2522, %sub3A_2460, %broadcast_in_dim3A_2524 : vector<16xi1>, vector<16xf32>
    %select_n3A_2526 = arith.select %eq3A_2519, %div3A_2457, %select_n3A_2525 : vector<16xi1>, vector<16xf32>
    %swap3A_2527 = arith.constant 624 : index
    %swap3A_2528 = tpu.vector_load %arg5[%swap3A_2527] {strides = array<i32>} : memref<1024xf32, #tpu.memory_space<vmem>>, vector<16xf32>,
    %swap3A_2529 = vector.shape_cast %swap3A_2528 : vector<16xf32> to vector<16xf32>
    %swap3A_2530 = vector.shape_cast %select_n3A_2526 : vector<16xf32> to vector<16xf32>
    tpu.vector_store %arg5[%swap3A_2527], %swap3A_2530 {strides = array<i32>} : memref<1024xf32, #tpu.memory_space<vmem>>, vector<16xf32>,
    %eq3A_2531 = arith.constant 5 : i32
    %eq3A_2532 = vector.broadcast %eq3A_2531 : i32 to vector<16xi32>
    %eq3A_2533 = arith.cmpi eq, %select_n3A_2328, %eq3A_2532 : vector<16xi32>
    %eq3A_2534 = arith.constant 5 : i32
    %eq3A_2535 = vector.broadcast %eq3A_2534 : i32 to vector<16xi32>
    %eq3A_2536 = arith.cmpi eq, %select_n3A_2449, %eq3A_2535 : vector<16xi32>
    %jit3A_2537 = arith.constant 0.000000e+00 : f32
    %broadcast_in_dim3A_2538 = vector.broadcast %jit3A_2537 : f32 to vector<16xf32>
    %select_n3A_2539 = arith.select %eq3A_2536, %sub3A_2460, %broadcast_in_dim3A_2538 : vector<16xi1>, vector<16xf32>
    %select_n3A_2540 = arith.select %eq3A_2533, %div3A_2457, %select_n3A_2539 : vector<16xi1>, vector<16xf32>
    %swap3A_2541 = arith.constant 752 : index
    %swap3A_2542 = tpu.vector_load %arg5[%swap3A_2541] {strides = array<i32>} : memref<1024xf32, #tpu.memory_space<vmem>>, vector<16xf32>,
    %swap3A_2543 = vector.shape_cast %swap3A_2542 : vector<16xf32> to vector<16xf32>
    %swap3A_2544 = vector.shape_cast %select_n3A_2540 : vector<16xf32> to vector<16xf32>
    tpu.vector_store %arg5[%swap3A_2541], %swap3A_2544 {strides = array<i32>} : memref<1024xf32, #tpu.memory_space<vmem>>, vector<16xf32>,
    %eq3A_2545 = arith.constant 6 : i32
    %eq3A_2546 = vector.broadcast %eq3A_2545 : i32 to vector<16xi32>
    %eq3A_2547 = arith.cmpi eq, %select_n3A_2328, %eq3A_2546 : vector<16xi32>
    %eq3A_2548 = arith.constant 6 : i32
    %eq3A_2549 = vector.broadcast %eq3A_2548 : i32 to vector<16xi32>
    %eq3A_2550 = arith.cmpi eq, %select_n3A_2449, %eq3A_2549 : vector<16xi32>
    %jit3A_2551 = arith.constant 0.000000e+00 : f32
    %broadcast_in_dim3A_2552 = vector.broadcast %jit3A_2551 : f32 to vector<16xf32>
    %select_n3A_2553 = arith.select %eq3A_2550, %sub3A_2460, %broadcast_in_dim3A_2552 : vector<16xi1>, vector<16xf32>
    %select_n3A_2554 = arith.select %eq3A_2547, %div3A_2457, %select_n3A_2553 : vector<16xi1>, vector<16xf32>
    %swap3A_2555 = arith.constant 880 : index
    %swap3A_2556 = tpu.vector_load %arg5[%swap3A_2555] {strides = array<i32>} : memref<1024xf32, #tpu.memory_space<vmem>>, vector<16xf32>,
    %swap3A_2557 = vector.shape_cast %swap3A_2556 : vector<16xf32> to vector<16xf32>
    %swap3A_2558 = vector.shape_cast %select_n3A_2554 : vector<16xf32> to vector<16xf32>
    tpu.vector_store %arg5[%swap3A_2555], %swap3A_2558 {strides = array<i32>} : memref<1024xf32, #tpu.memory_space<vmem>>, vector<16xf32>,
    %eq3A_2559 = arith.constant 7 : i32
    %eq3A_2560 = vector.broadcast %eq3A_2559 : i32 to vector<16xi32>
    %eq3A_2561 = arith.cmpi eq, %select_n3A_2328, %eq3A_2560 : vector<16xi32>
    %eq3A_2562 = arith.constant 7 : i32
    %eq3A_2563 = vector.broadcast %eq3A_2562 : i32 to vector<16xi32>
    %eq3A_2564 = arith.cmpi eq, %select_n3A_2449, %eq3A_2563 : vector<16xi32>
    %jit3A_2565 = arith.constant 0.000000e+00 : f32
    %broadcast_in_dim3A_2566 = vector.broadcast %jit3A_2565 : f32 to vector<16xf32>
    %select_n3A_2567 = arith.select %eq3A_2564, %sub3A_2460, %broadcast_in_dim3A_2566 : vector<16xi1>, vector<16xf32>
    %select_n3A_2568 = arith.select %eq3A_2561, %div3A_2457, %select_n3A_2567 : vector<16xi1>, vector<16xf32>
    %swap3A_2569 = arith.constant 1008 : index
    %swap3A_2570 = tpu.vector_load %arg5[%swap3A_2569] {strides = array<i32>} : memref<1024xf32, #tpu.memory_space<vmem>>, vector<16xf32>,
    %swap3A_2571 = vector.shape_cast %swap3A_2570 : vector<16xf32> to vector<16xf32>
    %swap3A_2572 = vector.shape_cast %select_n3A_2568 : vector<16xf32> to vector<16xf32>
    tpu.vector_store %arg5[%swap3A_2569], %swap3A_2572 {strides = array<i32>} : memref<1024xf32, #tpu.memory_space<vmem>>, vector<16xf32>,
    %add3A_2573 = arith.constant 0 : i32
    %add3A_2574 = arith.addi %add3A_2573, %mul3A_2 : i32
    %dma_start3A_2575 = arith.constant 0 : i32
    %dma_start3A_2576 = tpu.memref_slice %arg5[%dma_start3A_2575] : memref<1024xf32, #tpu.memory_space<vmem>> -> memref<128xf32, #tpu.memory_space<vmem>>
    %dma_start3A_2577 = tpu.memref_slice %arg3[%add3A_2574] : memref<16384xf32, #tpu.memory_space<hbm>> -> memref<128xf32, #tpu.memory_space<hbm>>
    %dma_start3A_2578 = tpu.memref_slice %arg3[%add3A_2574] : memref<16384xf32, #tpu.memory_space<hbm>> -> memref<128xf32, #tpu.memory_space<hbm>>
    %dma_start3A_2579 = arith.constant 0 : i32
    %dma_start3A_2580 = tpu.memref_slice %arg5[%dma_start3A_2579] : memref<1024xf32, #tpu.memory_space<vmem>> -> memref<128xf32, #tpu.memory_space<vmem>>
    tpu.enqueue_dma source(%dma_start3A_2580 : memref<128xf32, #tpu.memory_space<vmem>>) target(%dma_start3A_2578 : memref<128xf32, #tpu.memory_space<hbm>>) target_semaphore(%arg6 : memref<!tpu.dma_semaphore, #tpu.memory_space<semaphore_mem>>)
    %add3A_2581 = arith.constant 2048 : i32
    %add3A_2582 = arith.addi %add3A_2581, %mul3A_2 : i32
    %dma_start3A_2583 = arith.constant 128 : i32
    %dma_start3A_2584 = tpu.memref_slice %arg5[%dma_start3A_2583] : memref<1024xf32, #tpu.memory_space<vmem>> -> memref<128xf32, #tpu.memory_space<vmem>>
    %dma_start3A_2585 = tpu.memref_slice %arg3[%add3A_2582] : memref<16384xf32, #tpu.memory_space<hbm>> -> memref<128xf32, #tpu.memory_space<hbm>>
    %dma_start3A_2586 = tpu.memref_slice %arg3[%add3A_2582] : memref<16384xf32, #tpu.memory_space<hbm>> -> memref<128xf32, #tpu.memory_space<hbm>>
    %dma_start3A_2587 = arith.constant 128 : i32
    %dma_start3A_2588 = tpu.memref_slice %arg5[%dma_start3A_2587] : memref<1024xf32, #tpu.memory_space<vmem>> -> memref<128xf32, #tpu.memory_space<vmem>>
    tpu.enqueue_dma source(%dma_start3A_2588 : memref<128xf32, #tpu.memory_space<vmem>>) target(%dma_start3A_2586 : memref<128xf32, #tpu.memory_space<hbm>>) target_semaphore(%arg6 : memref<!tpu.dma_semaphore, #tpu.memory_space<semaphore_mem>>)
    %add3A_2589 = arith.constant 4096 : i32
    %add3A_2590 = arith.addi %add3A_2589, %mul3A_2 : i32
    %dma_start3A_2591 = arith.constant 256 : i32
    %dma_start3A_2592 = tpu.memref_slice %arg5[%dma_start3A_2591] : memref<1024xf32, #tpu.memory_space<vmem>> -> memref<128xf32, #tpu.memory_space<vmem>>
    %dma_start3A_2593 = tpu.memref_slice %arg3[%add3A_2590] : memref<16384xf32, #tpu.memory_space<hbm>> -> memref<128xf32, #tpu.memory_space<hbm>>
    %dma_start3A_2594 = tpu.memref_slice %arg3[%add3A_2590] : memref<16384xf32, #tpu.memory_space<hbm>> -> memref<128xf32, #tpu.memory_space<hbm>>
    %dma_start3A_2595 = arith.constant 256 : i32
    %dma_start3A_2596 = tpu.memref_slice %arg5[%dma_start3A_2595] : memref<1024xf32, #tpu.memory_space<vmem>> -> memref<128xf32, #tpu.memory_space<vmem>>
    tpu.enqueue_dma source(%dma_start3A_2596 : memref<128xf32, #tpu.memory_space<vmem>>) target(%dma_start3A_2594 : memref<128xf32, #tpu.memory_space<hbm>>) target_semaphore(%arg6 : memref<!tpu.dma_semaphore, #tpu.memory_space<semaphore_mem>>)
    %add3A_2597 = arith.constant 6144 : i32
    %add3A_2598 = arith.addi %add3A_2597, %mul3A_2 : i32
    %dma_start3A_2599 = arith.constant 384 : i32
    %dma_start3A_2600 = tpu.memref_slice %arg5[%dma_start3A_2599] : memref<1024xf32, #tpu.memory_space<vmem>> -> memref<128xf32, #tpu.memory_space<vmem>>
    %dma_start3A_2601 = tpu.memref_slice %arg3[%add3A_2598] : memref<16384xf32, #tpu.memory_space<hbm>> -> memref<128xf32, #tpu.memory_space<hbm>>
    %dma_start3A_2602 = tpu.memref_slice %arg3[%add3A_2598] : memref<16384xf32, #tpu.memory_space<hbm>> -> memref<128xf32, #tpu.memory_space<hbm>>
    %dma_start3A_2603 = arith.constant 384 : i32
    %dma_start3A_2604 = tpu.memref_slice %arg5[%dma_start3A_2603] : memref<1024xf32, #tpu.memory_space<vmem>> -> memref<128xf32, #tpu.memory_space<vmem>>
    tpu.enqueue_dma source(%dma_start3A_2604 : memref<128xf32, #tpu.memory_space<vmem>>) target(%dma_start3A_2602 : memref<128xf32, #tpu.memory_space<hbm>>) target_semaphore(%arg6 : memref<!tpu.dma_semaphore, #tpu.memory_space<semaphore_mem>>)
    %add3A_2605 = arith.constant 8192 : i32
    %add3A_2606 = arith.addi %add3A_2605, %mul3A_2 : i32
    %dma_start3A_2607 = arith.constant 512 : i32
    %dma_start3A_2608 = tpu.memref_slice %arg5[%dma_start3A_2607] : memref<1024xf32, #tpu.memory_space<vmem>> -> memref<128xf32, #tpu.memory_space<vmem>>
    %dma_start3A_2609 = tpu.memref_slice %arg3[%add3A_2606] : memref<16384xf32, #tpu.memory_space<hbm>> -> memref<128xf32, #tpu.memory_space<hbm>>
    %dma_start3A_2610 = tpu.memref_slice %arg3[%add3A_2606] : memref<16384xf32, #tpu.memory_space<hbm>> -> memref<128xf32, #tpu.memory_space<hbm>>
    %dma_start3A_2611 = arith.constant 512 : i32
    %dma_start3A_2612 = tpu.memref_slice %arg5[%dma_start3A_2611] : memref<1024xf32, #tpu.memory_space<vmem>> -> memref<128xf32, #tpu.memory_space<vmem>>
    tpu.enqueue_dma source(%dma_start3A_2612 : memref<128xf32, #tpu.memory_space<vmem>>) target(%dma_start3A_2610 : memref<128xf32, #tpu.memory_space<hbm>>) target_semaphore(%arg6 : memref<!tpu.dma_semaphore, #tpu.memory_space<semaphore_mem>>)
    %add3A_2613 = arith.constant 10240 : i32
    %add3A_2614 = arith.addi %add3A_2613, %mul3A_2 : i32
    %dma_start3A_2615 = arith.constant 640 : i32
    %dma_start3A_2616 = tpu.memref_slice %arg5[%dma_start3A_2615] : memref<1024xf32, #tpu.memory_space<vmem>> -> memref<128xf32, #tpu.memory_space<vmem>>
    %dma_start3A_2617 = tpu.memref_slice %arg3[%add3A_2614] : memref<16384xf32, #tpu.memory_space<hbm>> -> memref<128xf32, #tpu.memory_space<hbm>>
    %dma_start3A_2618 = tpu.memref_slice %arg3[%add3A_2614] : memref<16384xf32, #tpu.memory_space<hbm>> -> memref<128xf32, #tpu.memory_space<hbm>>
    %dma_start3A_2619 = arith.constant 640 : i32
    %dma_start3A_2620 = tpu.memref_slice %arg5[%dma_start3A_2619] : memref<1024xf32, #tpu.memory_space<vmem>> -> memref<128xf32, #tpu.memory_space<vmem>>
    tpu.enqueue_dma source(%dma_start3A_2620 : memref<128xf32, #tpu.memory_space<vmem>>) target(%dma_start3A_2618 : memref<128xf32, #tpu.memory_space<hbm>>) target_semaphore(%arg6 : memref<!tpu.dma_semaphore, #tpu.memory_space<semaphore_mem>>)
    %add3A_2621 = arith.constant 12288 : i32
    %add3A_2622 = arith.addi %add3A_2621, %mul3A_2 : i32
    %dma_start3A_2623 = arith.constant 768 : i32
    %dma_start3A_2624 = tpu.memref_slice %arg5[%dma_start3A_2623] : memref<1024xf32, #tpu.memory_space<vmem>> -> memref<128xf32, #tpu.memory_space<vmem>>
    %dma_start3A_2625 = tpu.memref_slice %arg3[%add3A_2622] : memref<16384xf32, #tpu.memory_space<hbm>> -> memref<128xf32, #tpu.memory_space<hbm>>
    %dma_start3A_2626 = tpu.memref_slice %arg3[%add3A_2622] : memref<16384xf32, #tpu.memory_space<hbm>> -> memref<128xf32, #tpu.memory_space<hbm>>
    %dma_start3A_2627 = arith.constant 768 : i32
    %dma_start3A_2628 = tpu.memref_slice %arg5[%dma_start3A_2627] : memref<1024xf32, #tpu.memory_space<vmem>> -> memref<128xf32, #tpu.memory_space<vmem>>
    tpu.enqueue_dma source(%dma_start3A_2628 : memref<128xf32, #tpu.memory_space<vmem>>) target(%dma_start3A_2626 : memref<128xf32, #tpu.memory_space<hbm>>) target_semaphore(%arg6 : memref<!tpu.dma_semaphore, #tpu.memory_space<semaphore_mem>>)
    %add3A_2629 = arith.constant 14336 : i32
    %add3A_2630 = arith.addi %add3A_2629, %mul3A_2 : i32
    %dma_start3A_2631 = arith.constant 896 : i32
    %dma_start3A_2632 = tpu.memref_slice %arg5[%dma_start3A_2631] : memref<1024xf32, #tpu.memory_space<vmem>> -> memref<128xf32, #tpu.memory_space<vmem>>
    %dma_start3A_2633 = tpu.memref_slice %arg3[%add3A_2630] : memref<16384xf32, #tpu.memory_space<hbm>> -> memref<128xf32, #tpu.memory_space<hbm>>
    %dma_start3A_2634 = tpu.memref_slice %arg3[%add3A_2630] : memref<16384xf32, #tpu.memory_space<hbm>> -> memref<128xf32, #tpu.memory_space<hbm>>
    %dma_start3A_2635 = arith.constant 896 : i32
    %dma_start3A_2636 = tpu.memref_slice %arg5[%dma_start3A_2635] : memref<1024xf32, #tpu.memory_space<vmem>> -> memref<128xf32, #tpu.memory_space<vmem>>
    tpu.enqueue_dma source(%dma_start3A_2636 : memref<128xf32, #tpu.memory_space<vmem>>) target(%dma_start3A_2634 : memref<128xf32, #tpu.memory_space<hbm>>) target_semaphore(%arg6 : memref<!tpu.dma_semaphore, #tpu.memory_space<semaphore_mem>>)
    %dma_wait3A_2637 = arith.constant 0 : i32
    %dma_wait3A_2638 = tpu.memref_slice %arg5[%dma_wait3A_2637] : memref<1024xf32, #tpu.memory_space<vmem>> -> memref<128xf32, #tpu.memory_space<vmem>>
    %dma_wait3A_2639 = tpu.memref_slice %arg3[%add3A_2574] : memref<16384xf32, #tpu.memory_space<hbm>> -> memref<128xf32, #tpu.memory_space<hbm>>
    %dma_wait3A_2640 = tpu.memref_slice %arg3[%add3A_2574] : memref<16384xf32, #tpu.memory_space<hbm>> -> memref<128xf32, #tpu.memory_space<hbm>>
    %dma_wait3A_2641 = arith.constant 0 : i32
    %dma_wait3A_2642 = tpu.memref_slice %arg5[%dma_wait3A_2641] : memref<1024xf32, #tpu.memory_space<vmem>> -> memref<128xf32, #tpu.memory_space<vmem>>
    tpu.wait_dma2 semaphore(%arg6 : memref<!tpu.dma_semaphore, #tpu.memory_space<semaphore_mem>>) src(%dma_wait3A_2642 : memref<128xf32, #tpu.memory_space<vmem>>) dst(%dma_wait3A_2640 : memref<128xf32, #tpu.memory_space<hbm>>)
    %dma_wait3A_2643 = arith.constant 128 : i32
    %dma_wait3A_2644 = tpu.memref_slice %arg5[%dma_wait3A_2643] : memref<1024xf32, #tpu.memory_space<vmem>> -> memref<128xf32, #tpu.memory_space<vmem>>
    %dma_wait3A_2645 = tpu.memref_slice %arg3[%add3A_2582] : memref<16384xf32, #tpu.memory_space<hbm>> -> memref<128xf32, #tpu.memory_space<hbm>>
    %dma_wait3A_2646 = tpu.memref_slice %arg3[%add3A_2582] : memref<16384xf32, #tpu.memory_space<hbm>> -> memref<128xf32, #tpu.memory_space<hbm>>
    %dma_wait3A_2647 = arith.constant 128 : i32
    %dma_wait3A_2648 = tpu.memref_slice %arg5[%dma_wait3A_2647] : memref<1024xf32, #tpu.memory_space<vmem>> -> memref<128xf32, #tpu.memory_space<vmem>>
    tpu.wait_dma2 semaphore(%arg6 : memref<!tpu.dma_semaphore, #tpu.memory_space<semaphore_mem>>) src(%dma_wait3A_2648 : memref<128xf32, #tpu.memory_space<vmem>>) dst(%dma_wait3A_2646 : memref<128xf32, #tpu.memory_space<hbm>>)
    %dma_wait3A_2649 = arith.constant 256 : i32
    %dma_wait3A_2650 = tpu.memref_slice %arg5[%dma_wait3A_2649] : memref<1024xf32, #tpu.memory_space<vmem>> -> memref<128xf32, #tpu.memory_space<vmem>>
    %dma_wait3A_2651 = tpu.memref_slice %arg3[%add3A_2590] : memref<16384xf32, #tpu.memory_space<hbm>> -> memref<128xf32, #tpu.memory_space<hbm>>
    %dma_wait3A_2652 = tpu.memref_slice %arg3[%add3A_2590] : memref<16384xf32, #tpu.memory_space<hbm>> -> memref<128xf32, #tpu.memory_space<hbm>>
    %dma_wait3A_2653 = arith.constant 256 : i32
    %dma_wait3A_2654 = tpu.memref_slice %arg5[%dma_wait3A_2653] : memref<1024xf32, #tpu.memory_space<vmem>> -> memref<128xf32, #tpu.memory_space<vmem>>
    tpu.wait_dma2 semaphore(%arg6 : memref<!tpu.dma_semaphore, #tpu.memory_space<semaphore_mem>>) src(%dma_wait3A_2654 : memref<128xf32, #tpu.memory_space<vmem>>) dst(%dma_wait3A_2652 : memref<128xf32, #tpu.memory_space<hbm>>)
    %dma_wait3A_2655 = arith.constant 384 : i32
    %dma_wait3A_2656 = tpu.memref_slice %arg5[%dma_wait3A_2655] : memref<1024xf32, #tpu.memory_space<vmem>> -> memref<128xf32, #tpu.memory_space<vmem>>
    %dma_wait3A_2657 = tpu.memref_slice %arg3[%add3A_2598] : memref<16384xf32, #tpu.memory_space<hbm>> -> memref<128xf32, #tpu.memory_space<hbm>>
    %dma_wait3A_2658 = tpu.memref_slice %arg3[%add3A_2598] : memref<16384xf32, #tpu.memory_space<hbm>> -> memref<128xf32, #tpu.memory_space<hbm>>
    %dma_wait3A_2659 = arith.constant 384 : i32
    %dma_wait3A_2660 = tpu.memref_slice %arg5[%dma_wait3A_2659] : memref<1024xf32, #tpu.memory_space<vmem>> -> memref<128xf32, #tpu.memory_space<vmem>>
    tpu.wait_dma2 semaphore(%arg6 : memref<!tpu.dma_semaphore, #tpu.memory_space<semaphore_mem>>) src(%dma_wait3A_2660 : memref<128xf32, #tpu.memory_space<vmem>>) dst(%dma_wait3A_2658 : memref<128xf32, #tpu.memory_space<hbm>>)
    %dma_wait3A_2661 = arith.constant 512 : i32
    %dma_wait3A_2662 = tpu.memref_slice %arg5[%dma_wait3A_2661] : memref<1024xf32, #tpu.memory_space<vmem>> -> memref<128xf32, #tpu.memory_space<vmem>>
    %dma_wait3A_2663 = tpu.memref_slice %arg3[%add3A_2606] : memref<16384xf32, #tpu.memory_space<hbm>> -> memref<128xf32, #tpu.memory_space<hbm>>
    %dma_wait3A_2664 = tpu.memref_slice %arg3[%add3A_2606] : memref<16384xf32, #tpu.memory_space<hbm>> -> memref<128xf32, #tpu.memory_space<hbm>>
    %dma_wait3A_2665 = arith.constant 512 : i32
    %dma_wait3A_2666 = tpu.memref_slice %arg5[%dma_wait3A_2665] : memref<1024xf32, #tpu.memory_space<vmem>> -> memref<128xf32, #tpu.memory_space<vmem>>
    tpu.wait_dma2 semaphore(%arg6 : memref<!tpu.dma_semaphore, #tpu.memory_space<semaphore_mem>>) src(%dma_wait3A_2666 : memref<128xf32, #tpu.memory_space<vmem>>) dst(%dma_wait3A_2664 : memref<128xf32, #tpu.memory_space<hbm>>)
    %dma_wait3A_2667 = arith.constant 640 : i32
    %dma_wait3A_2668 = tpu.memref_slice %arg5[%dma_wait3A_2667] : memref<1024xf32, #tpu.memory_space<vmem>> -> memref<128xf32, #tpu.memory_space<vmem>>
    %dma_wait3A_2669 = tpu.memref_slice %arg3[%add3A_2614] : memref<16384xf32, #tpu.memory_space<hbm>> -> memref<128xf32, #tpu.memory_space<hbm>>
    %dma_wait3A_2670 = tpu.memref_slice %arg3[%add3A_2614] : memref<16384xf32, #tpu.memory_space<hbm>> -> memref<128xf32, #tpu.memory_space<hbm>>
    %dma_wait3A_2671 = arith.constant 640 : i32
    %dma_wait3A_2672 = tpu.memref_slice %arg5[%dma_wait3A_2671] : memref<1024xf32, #tpu.memory_space<vmem>> -> memref<128xf32, #tpu.memory_space<vmem>>
    tpu.wait_dma2 semaphore(%arg6 : memref<!tpu.dma_semaphore, #tpu.memory_space<semaphore_mem>>) src(%dma_wait3A_2672 : memref<128xf32, #tpu.memory_space<vmem>>) dst(%dma_wait3A_2670 : memref<128xf32, #tpu.memory_space<hbm>>)
    %dma_wait3A_2673 = arith.constant 768 : i32
    %dma_wait3A_2674 = tpu.memref_slice %arg5[%dma_wait3A_2673] : memref<1024xf32, #tpu.memory_space<vmem>> -> memref<128xf32, #tpu.memory_space<vmem>>
    %dma_wait3A_2675 = tpu.memref_slice %arg3[%add3A_2622] : memref<16384xf32, #tpu.memory_space<hbm>> -> memref<128xf32, #tpu.memory_space<hbm>>
    %dma_wait3A_2676 = tpu.memref_slice %arg3[%add3A_2622] : memref<16384xf32, #tpu.memory_space<hbm>> -> memref<128xf32, #tpu.memory_space<hbm>>
    %dma_wait3A_2677 = arith.constant 768 : i32
    %dma_wait3A_2678 = tpu.memref_slice %arg5[%dma_wait3A_2677] : memref<1024xf32, #tpu.memory_space<vmem>> -> memref<128xf32, #tpu.memory_space<vmem>>
    tpu.wait_dma2 semaphore(%arg6 : memref<!tpu.dma_semaphore, #tpu.memory_space<semaphore_mem>>) src(%dma_wait3A_2678 : memref<128xf32, #tpu.memory_space<vmem>>) dst(%dma_wait3A_2676 : memref<128xf32, #tpu.memory_space<hbm>>)
    %dma_wait3A_2679 = arith.constant 896 : i32
    %dma_wait3A_2680 = tpu.memref_slice %arg5[%dma_wait3A_2679] : memref<1024xf32, #tpu.memory_space<vmem>> -> memref<128xf32, #tpu.memory_space<vmem>>
    %dma_wait3A_2681 = tpu.memref_slice %arg3[%add3A_2630] : memref<16384xf32, #tpu.memory_space<hbm>> -> memref<128xf32, #tpu.memory_space<hbm>>
    %dma_wait3A_2682 = tpu.memref_slice %arg3[%add3A_2630] : memref<16384xf32, #tpu.memory_space<hbm>> -> memref<128xf32, #tpu.memory_space<hbm>>
    %dma_wait3A_2683 = arith.constant 896 : i32
    %dma_wait3A_2684 = tpu.memref_slice %arg5[%dma_wait3A_2683] : memref<1024xf32, #tpu.memory_space<vmem>> -> memref<128xf32, #tpu.memory_space<vmem>>
    tpu.wait_dma2 semaphore(%arg6 : memref<!tpu.dma_semaphore, #tpu.memory_space<semaphore_mem>>) src(%dma_wait3A_2684 : memref<128xf32, #tpu.memory_space<vmem>>) dst(%dma_wait3A_2682 : memref<128xf32, #tpu.memory_space<hbm>>)
    return
  }
}

module attributes {stable_mosaic.version = 14 : i64} {
  func.func @moe_fwd_tc(%arg0: i32, %arg1: memref<1024x2048xf32, #tpu.memory_space<vmem>>, %arg2: memref<8x2048xf32, #tpu.memory_space<vmem>>, %arg3: memref<8x1xf32, #tpu.memory_space<vmem>>, %arg4: memref<64x2048xf32, #tpu.memory_space<vmem>>, %arg5: memref<8x1024xf32, #tpu.memory_space<vmem>>, %arg6: memref<1024x64xf32, #tpu.memory_space<vmem>>) attributes {dimension_semantics = [#tpu.dimension_semantics<arbitrary>], iteration_bounds = array<i64: 2>, scalar_prefetch = 0 : i64, scratch_operands = 0 : i64, tpu.core_type = #tpu.core_type<tc>, window_params = [{transform_indices = @transform_0, window_bounds = array<i64: 1024, 2048>}, {pipeline_mode = #tpu.pipeline_mode<synchronous>, transform_indices = @transform_1, window_bounds = array<i64: 8, 2048>}, {pipeline_mode = #tpu.pipeline_mode<synchronous>, transform_indices = @transform_2, window_bounds = array<i64: 8, 1>}, {pipeline_mode = #tpu.pipeline_mode<synchronous>, transform_indices = @transform_3, window_bounds = array<i64: 64, 2048>}, {transform_indices = @transform_4, window_bounds = array<i64: 8, 1024>}, {transform_indices = @transform_5, window_bounds = array<i64: 1024, 64>}]} {
    %get3A = arith.constant 0 : index
    %get3A_0 = arith.constant 0 : index
    %get3A_1 = vector.load %arg1[%get3A, %get3A_0] : memref<1024x2048xf32, #tpu.memory_space<vmem>>, vector<1024x2048xf32>
    %get3A_2 = arith.constant 0 : index
    %get3A_3 = arith.constant 0 : index
    %get3A_4 = vector.load %arg2[%get3A_2, %get3A_3] : memref<8x2048xf32, #tpu.memory_space<vmem>>, vector<8x2048xf32>
    %dot_general3A = arith.constant dense<0.000000e+00> : vector<8x1024xf32>
    %dot_general3A_5 = tpu.matmul %get3A_4, %get3A_1, %dot_general3A {dimension_numbers = #tpu.dot_dimension_numbers<[1], [1], [0], [0], [0, 0, 1, 0], [], []>, transpose_lhs_hint = false} : vector<8x2048xf32>, vector<1024x2048xf32>, vector<8x1024xf32> -> vector<8x1024xf32>
    %get3A_6 = arith.constant 0 : index
    %get3A_7 = arith.constant 0 : index
    %get3A_8 = vector.load %arg3[%get3A_6, %get3A_7] : memref<8x1xf32, #tpu.memory_space<vmem>>, vector<8x1xf32>
    %add3A = vector.broadcast %get3A_8 : vector<8x1xf32> to vector<8x1024xf32>
    %add3A_9 = arith.addf %dot_general3A_5, %add3A : vector<8x1024xf32>
    %swap3A = arith.constant 0 : index
    %swap3A_10 = arith.constant 0 : index
    %swap3A_11 = vector.load %arg5[%swap3A, %swap3A_10] : memref<8x1024xf32, #tpu.memory_space<vmem>>, vector<8x1024xf32>
    tpu.vector_store %arg5[%swap3A, %swap3A_10], %add3A_9 {strides = array<i32>} : memref<8x1024xf32, #tpu.memory_space<vmem>>, vector<8x1024xf32>,
    %get3A_12 = arith.constant 0 : index
    %get3A_13 = arith.constant 0 : index
    %get3A_14 = vector.load %arg4[%get3A_12, %get3A_13] : memref<64x2048xf32, #tpu.memory_space<vmem>>, vector<64x2048xf32>
    %dot_general3A_15 = arith.constant dense<0.000000e+00> : vector<1024x64xf32>
    %dot_general3A_16 = tpu.matmul %get3A_1, %get3A_14, %dot_general3A_15 {dimension_numbers = #tpu.dot_dimension_numbers<[1], [1], [0], [0], [0, 0, 1, 0], [], []>, transpose_lhs_hint = false} : vector<1024x2048xf32>, vector<64x2048xf32>, vector<1024x64xf32> -> vector<1024x64xf32>
    %mul3A = arith.constant 5.000000e-01 : f32
    %mul3A_17 = vector.broadcast %mul3A : f32 to vector<1024x64xf32>
    %mul3A_18 = arith.mulf %dot_general3A_16, %mul3A_17 : vector<1024x64xf32>
    %mul3A_19 = arith.constant 0.707106769 : f32
    %mul3A_20 = vector.broadcast %mul3A_19 : f32 to vector<1024x64xf32>
    %mul3A_21 = arith.mulf %dot_general3A_16, %mul3A_20 : vector<1024x64xf32>
    %erf3A = math.erf %mul3A_21 : vector<1024x64xf32>
    %add3A_22 = arith.constant 1.000000e+00 : f32
    %add3A_23 = vector.broadcast %add3A_22 : f32 to vector<1024x64xf32>
    %add3A_24 = arith.addf %add3A_23, %erf3A : vector<1024x64xf32>
    %mul3A_25 = arith.mulf %mul3A_18, %add3A_24 : vector<1024x64xf32>
    %swap3A_26 = arith.constant 0 : index
    %swap3A_27 = arith.constant 0 : index
    %swap3A_28 = vector.load %arg6[%swap3A_26, %swap3A_27] : memref<1024x64xf32, #tpu.memory_space<vmem>>, vector<1024x64xf32>
    tpu.vector_store %arg6[%swap3A_26, %swap3A_27], %mul3A_25 {strides = array<i32>} : memref<1024x64xf32, #tpu.memory_space<vmem>>, vector<1024x64xf32>,
    return
  }
  func.func @transform_0(%arg0: i32) -> (i32, i32) {
    %c0_i32 = arith.constant 0 : i32
    %c0_i32_0 = arith.constant 0 : i32
    return %arg0, %c0_i32 : i32, i32
  }
  func.func @transform_1(%arg0: i32) -> (i32, i32) {
    %c0_i32 = arith.constant 0 : i32
    %c0_i32_0 = arith.constant 0 : i32
    %c0_i32_1 = arith.constant 0 : i32
    return %c0_i32, %c0_i32_0 : i32, i32
  }
  func.func @transform_2(%arg0: i32) -> (i32, i32) {
    %c0_i32 = arith.constant 0 : i32
    %c0_i32_0 = arith.constant 0 : i32
    %c0_i32_1 = arith.constant 0 : i32
    return %c0_i32, %c0_i32_0 : i32, i32
  }
  func.func @transform_3(%arg0: i32) -> (i32, i32) {
    %c0_i32 = arith.constant 0 : i32
    %c0_i32_0 = arith.constant 0 : i32
    %c0_i32_1 = arith.constant 0 : i32
    return %c0_i32, %c0_i32_0 : i32, i32
  }
  func.func @transform_4(%arg0: i32) -> (i32, i32) {
    %c0_i32 = arith.constant 0 : i32
    %c0_i32_0 = arith.constant 0 : i32
    return %c0_i32, %arg0 : i32, i32
  }
  func.func @transform_5(%arg0: i32) -> (i32, i32) {
    %c0_i32 = arith.constant 0 : i32
    %c0_i32_0 = arith.constant 0 : i32
    return %arg0, %c0_i32 : i32, i32
  }
}

module attributes {stable_mosaic.version = 14 : i64} {
  func.func @moe_combine_tc(%arg0: i32, %arg1: memref<8x1024xf32, #tpu.memory_space<vmem>>, %arg2: memref<1024x64xf32, #tpu.memory_space<vmem>>, %arg3: memref<8x64xf32, #tpu.memory_space<vmem>>, %arg4: memref<64x2048xf32, #tpu.memory_space<vmem>>, %arg5: memref<1024x2048xf32, #tpu.memory_space<vmem>>) attributes {dimension_semantics = [#tpu.dimension_semantics<arbitrary>], iteration_bounds = array<i64: 2>, scalar_prefetch = 0 : i64, scratch_operands = 0 : i64, tpu.core_type = #tpu.core_type<tc>, window_params = [{transform_indices = @transform_0, window_bounds = array<i64: 8, 1024>}, {transform_indices = @transform_1, window_bounds = array<i64: 1024, 64>}, {pipeline_mode = #tpu.pipeline_mode<synchronous>, transform_indices = @transform_2, window_bounds = array<i64: 8, 64>}, {pipeline_mode = #tpu.pipeline_mode<synchronous>, transform_indices = @transform_3, window_bounds = array<i64: 64, 2048>}, {transform_indices = @transform_4, window_bounds = array<i64: 1024, 2048>}]} {
    %get3A = arith.constant 0 : index
    %get3A_0 = arith.constant 0 : index
    %get3A_1 = vector.load %arg1[%get3A, %get3A_0] : memref<8x1024xf32, #tpu.memory_space<vmem>>, vector<8x1024xf32>
    %get3A_2 = arith.constant 0 : index
    %get3A_3 = arith.constant 0 : index
    %get3A_4 = vector.load %arg3[%get3A_2, %get3A_3] : memref<8x64xf32, #tpu.memory_space<vmem>>, vector<8x64xf32>
    %dot_general3A = arith.constant dense<0.000000e+00> : vector<1024x64xf32>
    %dot_general3A_5 = tpu.matmul %get3A_1, %get3A_4, %dot_general3A {dimension_numbers = #tpu.dot_dimension_numbers<[0], [0], [1], [1], [0, 1, 1, 1], [], []>, transpose_lhs_hint = false} : vector<8x1024xf32>, vector<8x64xf32>, vector<1024x64xf32> -> vector<1024x64xf32>
    %get3A_6 = arith.constant 0 : index
    %get3A_7 = arith.constant 0 : index
    %get3A_8 = vector.load %arg2[%get3A_6, %get3A_7] : memref<1024x64xf32, #tpu.memory_space<vmem>>, vector<1024x64xf32>
    %mul3A = arith.mulf %dot_general3A_5, %get3A_8 : vector<1024x64xf32>
    %get3A_9 = arith.constant 0 : index
    %get3A_10 = arith.constant 0 : index
    %get3A_11 = vector.load %arg4[%get3A_9, %get3A_10] : memref<64x2048xf32, #tpu.memory_space<vmem>>, vector<64x2048xf32>
    %dot_general3A_12 = arith.constant dense<0.000000e+00> : vector<1024x2048xf32>
    %dot_general3A_13 = tpu.matmul %mul3A, %get3A_11, %dot_general3A_12 {dimension_numbers = #tpu.dot_dimension_numbers<[1], [0], [0], [1], [0, 0, 1, 1], [], []>, transpose_lhs_hint = false} : vector<1024x64xf32>, vector<64x2048xf32>, vector<1024x2048xf32> -> vector<1024x2048xf32>
    %swap3A = arith.constant 0 : index
    %swap3A_14 = arith.constant 0 : index
    %swap3A_15 = vector.load %arg5[%swap3A, %swap3A_14] : memref<1024x2048xf32, #tpu.memory_space<vmem>>, vector<1024x2048xf32>
    tpu.vector_store %arg5[%swap3A, %swap3A_14], %dot_general3A_13 {strides = array<i32>} : memref<1024x2048xf32, #tpu.memory_space<vmem>>, vector<1024x2048xf32>,
    return
  }
  func.func @transform_0(%arg0: i32) -> (i32, i32) {
    %c0_i32 = arith.constant 0 : i32
    %c0_i32_0 = arith.constant 0 : i32
    return %c0_i32, %arg0 : i32, i32
  }
  func.func @transform_1(%arg0: i32) -> (i32, i32) {
    %c0_i32 = arith.constant 0 : i32
    %c0_i32_0 = arith.constant 0 : i32
    return %arg0, %c0_i32 : i32, i32
  }
  func.func @transform_2(%arg0: i32) -> (i32, i32) {
    %c0_i32 = arith.constant 0 : i32
    %c0_i32_0 = arith.constant 0 : i32
    %c0_i32_1 = arith.constant 0 : i32
    return %c0_i32, %c0_i32_0 : i32, i32
  }
  func.func @transform_3(%arg0: i32) -> (i32, i32) {
    %c0_i32 = arith.constant 0 : i32
    %c0_i32_0 = arith.constant 0 : i32
    %c0_i32_1 = arith.constant 0 : i32
    return %c0_i32, %c0_i32_0 : i32, i32
  }
  func.func @transform_4(%arg0: i32) -> (i32, i32) {
    %c0_i32 = arith.constant 0 : i32
    %c0_i32_0 = arith.constant 0 : i32
    return %arg0, %c0_i32 : i32, i32
  }
}

</mosaic_0001>

<sc_bundles>
// kernel: moe_route_sc.3.cloned.1.call-start
scs
__scs_entry_jumppad:
0x0: {  	(pc) =	sbr.rel $0x88, $3  }
0x1: {  	(tag) =	ssettag $0x0;
	lr =	simm.s32 $0x1  }
0x2: {  	[smem:$0x3F9C] =	sst lr;
	_ =	strace $0xD0000000  }
0x3: {  	_ = 	snop  }
0x4: {  	_ = 	snop  }
0x5: {  	_ = 	snop  }
0x6: {  	_ = 	snop  }
0x7: {  	_ = 	snop  }
__scs_overlays_trampoline_lowered:
0x8: {  	[smem:$0x3FAB] =	sst s0  }
0x9: {  	[smem:$0x3FAC] =	sst s1  }
0xa: {  	[smem:$0x3FAD] =	sst s2  }
0xb: {  	[smem:$0x3FAE] =	sst s3  }
0xc: {  	[smem:$0x3FAF] =	sst s4  }
0xd: {  	[smem:$0x3FB0] =	sst s5  }
0xe: {  	[smem:$0x3FB1] =	sst s6  }
0xf: {  	[smem:$0x3FB2] =	sst s7  }
0x10: {  	[smem:$0x3FB3] =	sst s8  }
0x11: {  	[smem:$0x3FB4] =	sst s9;
	s0 =	simm.s32 @!p0 $0x0  }
0x12: {  	s1 =	sld [smem:$0x3F9A];
	s0 =	simm.s32 @p0 $0x1  }
0x13: {  	[smem:$0x3FB5] =	sst s0;
	s0 =	simm.s32 @!p1 $0x0  }
0x14: {  	s2 =	sld [smem:$0x3F99];
	s0 =	simm.s32 @p1 $0x1  }
0x15: {  	[smem:$0x3FB6] =	sst s0;
	s0 =	simm.s32 @!p2 $0x0  }
0x16: {  	s3 =	sld [smem:$0x3FDB];
	s0 =	simm.s32 @p2 $0x1  }
0x17: {  	s4 =	simm.s32 $0x1BF5;
	[smem:$0x3FB8] =	sst s0  }
0x18: {  	s0 =	sld [smem:$0x3F9B];
	_ =	swait.ge [sflag:s4], $0x0  }
0x19: {  	s7 =	sld [smem:$0x3F9C]  }
0x1a: {  	s8 =	sadd.s32 $0xFFFFE003, lr  }
0x1b: {  	s9 =	sadd.s32 $0xFFFFFEF7, lr;
	s5 =	simm.s32 $0xFFFFFFFF;
	p2 =	slt.u32 s8, $0xFFFFF086  }
0x1c: {  	p1 =	slt.u32 s9, $0xF7A;
	s5 =	simm.s32 @!p2 $0x0  }
0x1d: {  	s5 =	simm.s32 @p1 $0x1;
	p0 =	seq.s32 s7, s2  }
0x1e: {  	s7 =	smul.u32 @!p0 $0xF7A, s2;
	p2 =	seq.s32 @!p0 s5, $0x0  }
0x1f: {  	s9 =	smul.u32 $0xF7A, s1;
	s8 =	simm.s32 @!p0 $0x1BF5;
	p2 =	por !p2, p0  }
0x20: {  	[sflag:s8] =	ssyncset.s32 @!p0 $0xFFFFF086;
	s6 =	sadd.s32 @!p0 s3, s7;
	s7 =	simm.s32 @!p0 $0x108  }
0x21: {  	s3 =	sadd.s32 s3, s9;
	s6 =	sadd.s32 @!p0 $0x88, s6;
	s7 =	simm.s32 @p2 $0x1082  }
0x22: {  	[simem:s7], [sflag:s8] =	dma.local @!p0 [hbm:s6], $0xF7A  }
0x23: {  	s9 =	sor.u32 $0xD0000000, s2;
	s6 =	simm.s32 $0x108;
	_ =	swait.ge @!p0 [sflag:s8], $0x0  }
0x24: {  	s3 =	sadd.s32 $0x88, s3;
	s6 =	simm.s32 @!p1 $0x1082;
	[sflag:s4] =	ssyncset.s32 $0xFFFFF086  }
0x25: {  	[simem:s6], [sflag:s4] =	dma.local [hbm:s3], $0xF7A  }
0x26: {  	[smem:$0x3F9C] =	sst s1;
	(tag) =	ssettag s2;
	_ =	strace s9  }
0x27: {  	s1 =	sld [smem:$0x3FAC]  }
0x28: {  	s2 =	sld [smem:$0x3FAD]  }
0x29: {  	s4 =	sld [smem:$0x3FAF]  }
0x2a: {  	p0 =	seq.s32 s5, $0x0;
	s5 =	sld [smem:$0x3FB0]  }
0x2b: {  	s6 =	sld [smem:$0x3FB1]  }
0x2c: {  	s7 =	sld [smem:$0x3FB2]  }
0x2d: {  	s3 =	simm.s32 $0x108;
	s8 =	sld [smem:$0x3FB3]  }
0x2e: {  	s3 =	simm.s32 @!p0 $0x1082;
	s9 =	sld [smem:$0x3FB4]  }
0x2f: {  	lr =	sadd.s32 s0, s3;
	s0 =	sld [smem:$0x3FAB]  }
0x30: {  	s3 =	sld [smem:$0x3FAE]  }
0x31: {  	[smem:$0x3FB7] =	sst s10  }
0x32: {  	s10 =	sld [smem:$0x3FB5];
	_ =	sdelay $0x3  }
0x33: {  	p0 =	seq.s32 s10, $0x1;
	s10 =	sld [smem:$0x3FB7];
	_ =	sdelay $0x3  }
0x34: {  	[smem:$0x3FB7] =	sst s10  }
0x35: {  	s10 =	sld [smem:$0x3FB6];
	_ =	sdelay $0x3  }
0x36: {  	p1 =	seq.s32 s10, $0x1;
	s10 =	sld [smem:$0x3FB7];
	_ =	sdelay $0x3  }
0x37: {  	[smem:$0x3FB7] =	sst s10  }
0x38: {  	s10 =	sld [smem:$0x3FB8]  }
0x39: {  	_ = 	snop;
	(pc) =	sbr.ind lr, $3  }
0x3a: {  	_ = 	snop  }
0x3b: {  	_ = 	snop  }
0x3c: {  	p2 =	seq.s32 s10, $0x1;
	s10 =	sld [smem:$0x3FB7]  }
0x3d: {  	_ =	shalt  }
0x3e: {  	_ =	shalt  }
0x3f: {  	_ =	shalt  }
0x40: {  	_ =	shalt  }
0x41: {  	_ =	shalt  }
0x42: {  	_ =	shalt  }
0x43: {  	_ =	shalt  }
0x44: {  	_ =	shalt  }
0x45: {  	_ =	shalt  }
0x46: {  	_ =	shalt  }
0x47: {  	_ =	shalt  }
0x48: {  	_ =	shalt  }
0x49: {  	_ =	shalt  }
0x4a: {  	_ =	shalt  }
0x4b: {  	_ =	shalt  }
0x4c: {  	_ =	shalt  }
0x4d: {  	_ =	shalt  }
0x4e: {  	_ =	shalt  }
0x4f: {  	_ =	shalt  }
0x50: {  	_ =	shalt  }
0x51: {  	_ =	shalt  }
0x52: {  	_ =	shalt  }
0x53: {  	_ =	shalt  }
0x54: {  	_ =	shalt  }
0x55: {  	_ =	shalt  }
0x56: {  	_ =	shalt  }
0x57: {  	_ =	shalt  }
0x58: {  	_ =	shalt  }
0x59: {  	_ =	shalt  }
0x5a: {  	_ =	shalt  }
0x5b: {  	_ =	shalt  }
0x5c: {  	_ =	shalt  }
0x5d: {  	_ =	shalt  }
0x5e: {  	_ =	shalt  }
0x5f: {  	_ =	shalt  }
0x60: {  	_ =	shalt  }
0x61: {  	_ =	shalt  }
0x62: {  	_ =	shalt  }
0x63: {  	_ =	shalt  }
0x64: {  	_ =	shalt  }
0x65: {  	_ =	shalt  }
0x66: {  	_ =	shalt  }
0x67: {  	_ =	shalt  }
0x68: {  	_ =	shalt  }
0x69: {  	_ =	shalt  }
0x6a: {  	_ =	shalt  }
0x6b: {  	_ =	shalt  }
0x6c: {  	_ =	shalt  }
0x6d: {  	_ =	shalt  }
0x6e: {  	_ =	shalt  }
0x6f: {  	_ =	shalt  }
0x70: {  	_ =	shalt  }
0x71: {  	_ =	shalt  }
0x72: {  	_ =	shalt  }
0x73: {  	_ =	shalt  }
0x74: {  	_ =	shalt  }
0x75: {  	_ =	shalt  }
0x76: {  	_ =	shalt  }
0x77: {  	_ =	shalt  }
0x78: {  	_ =	shalt  }
0x79: {  	_ =	shalt  }
0x7a: {  	_ =	shalt  }
0x7b: {  	_ =	shalt  }
0x7c: {  	_ =	shalt  }
0x7d: {  	_ =	shalt  }
0x7e: {  	_ =	shalt  }
0x7f: {  	_ =	shalt  }
0x80: {  	_ =	shalt  }
0x81: {  	_ =	shalt  }
0x82: {  	_ =	shalt  }
0x83: {  	_ =	shalt  }
0x84: {  	_ =	shalt  }
0x85: {  	_ =	shalt  }
0x86: {  	_ =	shalt  }
0x87: {  	_ =	shalt  }
.Lfunc_end0:
.L_simem_size_0:
called_computation_lowered:
.L_overlay_start_0:
0x88: {  	s0 =	sld [smem:$0x3FD9]  }
0x89: {  	s1 =	sld [smem:$0x3FFE];
	_ =	sdelay $0x3  }
0x8a: {  	s0 =	sadd.s32 s1, s0  }
0x8b: {  	[smem:$0x3FC3] =	sst s0  }
0x8c: {  	_ = 	snop  }
0x8d: {  	s0 =	sld [smem:$0x3FD0];
	(tm) =	ssettm $0x1  }
0x8e: {  	s16 =	sld [smem:$0x3FFB];
	_ =	sdelay $0x3  }
0x8f: {  	_ =	strace s16  }
0x90: {  	s1 =	sld [smem:$0x3FFC];
	_ =	sdelay $0x3  }
0x91: {  	_ =	strace s1  }
0x92: {  	s1 =	sld [smem:$0x3FFD];
	_ =	sdelay $0x3  }
0x93: {  	_ =	strace s1  }
0x94: {  	_ =	strace $0x8FFFFFFF  }
0x95: {  	s17 =	sld [smem:$0x3FDB];
	_ =	sdelay $0x1  }
0x96: {  	s2 =	simm.s32 $_scs_section_size  }
0x97: {  	s3 =	simm.s32 $_size__tile_overlayer_lowered;
	s4 =	simm.s32 $_tile_overlayer_lowered  }
0x98: {  	s20 =	simm.s32 $0x1BFF;
	s19 =	sshll.u32 s4, $0x1;
	s1 =	sadd.s32 s2, s17  }
0x99: {  	s5 =	simm.s32 $0x0;
	s18 =	sshll.u32 s3, $0x1;
	s3 =	sadd.s32 s19, s1  }
0x9a: {  	[timem:s5], [sflag:s20] =	dma.local [hbm:s3], s18  }
0x9b: {  	_ =	swait.ge [sflag:s20], s18  }
0x9c: {  	s2 =	ssub.s32 $0x0, s18;
	[sflag:s20] =	ssyncset.done $0x0  }
0x9d: {  	[sflag:s20] =	ssyncadd.s32 s2;
	_ =	sdelay $0x1  }
0x9e: {  	s21 =	simm.s32 $0x1B8B  }
0x9f: {  	_ =	swait.ge [sflag:s21], $0x1  }
0xa0: {  	[sflag:s21] =	ssyncset.done $0x0  }
0xa1: {  	s23 =	simm.s32 $0x1B8E;
	s22 =	sld [smem:$0x3FFE];
	[sflag:s21] =	ssyncadd.s32 $0xFFFFFFFF  }
0xa2: {  	s24 =	simm.s32 $execute0_lowered;
	[smem:$0x3FD2] =	sst s23  }
0xa3: {  	s3 =	sshll.u32 s24, $0x1;
	_ =	strace $0x80000046;
	[dreg:$0x1] =	wrdreg $0xFFFFFFFF  }
0xa4: {  	s25 =	simm.s32 $_size_execute0_lowered;
	s1 =	sadd.s32 s1, s3;
	[dreg:$0x0] =	wrdreg $0x0  }
0xa5: {  	s3 =	sshll.u32 s25, $0x1;
	[dreg:$0x2] =	wrdreg s1  }
0xa6: {  	[dreg:$0x3] =	wrdreg s3  }
0xa7: {  	[dreg:$0x4] =	wrdreg $0xC0  }
0xa8: {  	_ =	task [dreg:s5], $0x5FFFF  }
0xa9: {  	[dreg:$0x1] =	wrdreg $0xFFFFFFFF  }
0xaa: {  	[dreg:$0x0] =	wrdreg $0x60  }
0xab: {  	[dreg:$0x2] =	wrdreg s0  }
0xac: {  	[dreg:$0x3] =	wrdreg s22  }
0xad: {  	[dreg:$0x4] =	wrdreg $0x9  }
0xae: {  	_ =	task.clear_ibuf [dreg:s5], $0x5FFFF;
	_ =	strace $0x90000046  }
0xaf: {  	s26 =	simm.s32 $0x9;
	_ =	strace $0x80000048  }
0xb0: {  	_ =	swait.ge [sflag:s26], $0x1  }
0xb1: {  	[sflag:s26] =	ssyncadd.s32 $0xFFFFFFFF  }
0xb2: {  	_ =	strace $0x90000048  }
0xb3: {  	_ =	sfence  }
0xb4: {  	s28 =	sld [smem:$0x0];
	_ =	sdelay $0x1  }
0xb5: {  	s29 =	srdreg.scid  }
0xb6: {  	s30 =	sshll.u32 s29, $0xD;
	s31 =	sshrl.u32 s29, $0x2  }
0xb7: {  	s2 =	sand.u32 $0x4000, s30;
	s1 =	sand.u32 $0x1, s29;
	s0 =	sadd.s32 s31, s28  }
0xb8: {  	s1 =	sor.u32 s2, s1;
	s0 =	sshll.u32 s0, $0x11  }
0xb9: {  	s0 =	sor.u32 s0, s1  }
0xba: {  	s0 =	sadd.s32 $0x8F2B, s0  }
0xbb: {  	[sflag:s0] =	ssyncadd.remote.s32 $0x1  }
0xbc: {  	_ =	sfence.sel $0xFFFF  }
0xbd: {  	[dreg:$0x0] =	wrdreg $0xFFFFFFFF;
	(pc) =	sbr.abs _section_cstart, $3  }
0xbe: {  	[dreg:$0x1] =	wrdreg $0xFFFFFFFF  }
0xbf: {  	_ =	task.clear_ibuf [dreg:s5], $0x2FFFF;
	_ =	strace $0x9FFFFFFF  }
0xc0: {  	(tm) =	ssettm $0x7FFFFFFF  }
0xc1: {  	_ =	shalt  }
tec
execute0_lowered:
.L_overlay_start_1:
0x0: {  	(tag) =	ssettag $0x1  }
0x1: {  	s3 =	rddreg [dreg:$0x0]  }
0x2: {  	s4 =	rddreg [dreg:$0x1]  }
0x3: {  	s0 =	rddreg [dreg:$0x2];
	s2 =	simm.s32 $0x0;
	s1 =	stileid.u32  }
0x4: {  	[smem:$0x7FF] =	sst s2;
	s7 =	sshll.u32 s1, $0x4  }
0x5: {  	_ =	strace $0x80000047;
	s6 =	sadd.s32 s3, s7;
	s5 =	sor.u32 $0x100, s7  }
0x6: {  	[tilespmem:s2], [sflag:$0x1] =	stream.linear.gather [hbm4b:s6+s2], $0x80, $0x38;
	[tilespmem:$0x800] =	vst v63  }
0x7: {  	s9 =	simm.s32 $0x80;
	s22 =	sor.u32 $0x200, s7;
	s8 =	sadd.s32 s3, s5  }
0x8: {  	[tilespmem:s9], [sflag:$0x1] =	stream.linear.gather [hbm4b:s8+s2], $0x80, $0x38;
	[tilespmem:$0x800] =	vst v63  }
0x9: {  	s10 =	simm.s32 $0x100;
	s24 =	sor.u32 $0x300, s7;
	s23 =	sadd.s32 s3, s22  }
0xa: {  	[tilespmem:s10], [sflag:$0x1] =	stream.linear.gather [hbm4b:s23+s2], $0x80, $0x38;
	[tilespmem:$0x800] =	vst v63  }
0xb: {  	s11 =	simm.s32 $0x180;
	s26 =	sor.u32 $0x400, s7;
	s25 =	sadd.s32 s3, s24  }
0xc: {  	[tilespmem:s11], [sflag:$0x1] =	stream.linear.gather [hbm4b:s25+s2], $0x80, $0x38;
	[tilespmem:$0x800] =	vst v63  }
0xd: {  	s12 =	simm.s32 $0x200;
	s29 =	sor.u32 $0x500, s7;
	s28 =	sadd.s32 s3, s26  }
0xe: {  	[tilespmem:s12], [sflag:$0x1] =	stream.linear.gather [hbm4b:s28+s2], $0x80, $0x38;
	[tilespmem:$0x800] =	vst v63  }
0xf: {  	s13 =	simm.s32 $0x280;
	s31 =	sor.u32 $0x600, s7;
	s30 =	sadd.s32 s3, s29  }
0x10: {  	[tilespmem:s13], [sflag:$0x1] =	stream.linear.gather [hbm4b:s30+s2], $0x80, $0x38;
	[tilespmem:$0x800] =	vst v63  }
0x11: {  	s14 =	simm.s32 $0x300;
	s15 =	sor.u32 $0x700, s7;
	s12 =	sadd.s32 s3, s31  }
0x12: {  	[tilespmem:s14], [sflag:$0x1] =	stream.linear.gather [hbm4b:s12+s2], $0x80, $0x38;
	[tilespmem:$0x800] =	vst v63  }
0x13: {  	s16 =	simm.s32 $0x380;
	s17 =	simm.s32 $0x1;
	s3 =	sadd.s32 s3, s15  }
0x14: {  	[tilespmem:s16], [sflag:$0x1] =	stream.linear.gather [hbm4b:s3+s2], $0x80, $0x38;
	[tilespmem:$0x800] =	vst v63  }
0x15: {  	_ =	swait.ge [sflag:s17], $0x80  }
0x16: {  	[sflag:s17] =	ssyncset.done $0x0  }
0x17: {  	[sflag:s17] =	ssyncadd.s32 $0xFFFFFF80  }
0x18: {  	_ =	swait.ge [sflag:s17], $0x80  }
0x19: {  	[sflag:s17] =	ssyncset.done $0x0  }
0x1a: {  	[sflag:s17] =	ssyncadd.s32 $0xFFFFFF80  }
0x1b: {  	_ =	swait.ge [sflag:s17], $0x80  }
0x1c: {  	[sflag:s17] =	ssyncset.done $0x0  }
0x1d: {  	[sflag:s17] =	ssyncadd.s32 $0xFFFFFF80  }
0x1e: {  	_ =	swait.ge [sflag:s17], $0x80  }
0x1f: {  	[sflag:s17] =	ssyncset.done $0x0  }
0x20: {  	[sflag:s17] =	ssyncadd.s32 $0xFFFFFF80  }
0x21: {  	_ =	swait.ge [sflag:s17], $0x80  }
0x22: {  	[sflag:s17] =	ssyncset.done $0x0  }
0x23: {  	[sflag:s17] =	ssyncadd.s32 $0xFFFFFF80  }
0x24: {  	_ =	swait.ge [sflag:s17], $0x80  }
0x25: {  	[sflag:s17] =	ssyncset.done $0x0  }
0x26: {  	[sflag:s17] =	ssyncadd.s32 $0xFFFFFF80  }
0x27: {  	_ =	swait.ge [sflag:s17], $0x80  }
0x28: {  	[sflag:s17] =	ssyncset.done $0x0  }
0x29: {  	[sflag:s17] =	ssyncadd.s32 $0xFFFFFF80  }
0x2a: {  	_ =	swait.ge [sflag:s17], $0x80  }
0x2b: {  	[sflag:s17] =	ssyncset.done $0x0  }
0x2c: {  	[sflag:s17] =	ssyncadd.s32 $0xFFFFFF80  }
0x2d: {  	v1 =	vld [tilespmem:$0x0]  }
0x2e: {  	v2 =	vld [tilespmem:$0x80]  }
0x2f: {  	v3 =	vld [tilespmem:$0x100]  }
0x30: {  	v4 =	vld [tilespmem:$0x180]  }
0x31: {  	v5 =	vld [tilespmem:$0x200]  }
0x32: {  	v6 =	vld [tilespmem:$0x280]  }
0x33: {  	v7 =	vld [tilespmem:$0x300];
	v8 =	vmax.f32 v1, v2  }
0x34: {  	v13 =	vld [tilespmem:$0x380];
	v0 =	vmax.f32 v8, v3  }
0x35: {  	v0 =	vmax.f32 v0, v4  }
0x36: {  	v0 =	vmax.f32 v0, v5  }
0x37: {  	v0 =	vmax.f32 v0, v6  }
0x38: {  	v0 =	vmax.f32 v0, v7  }
0x39: {  	v10 =	vmax.f32 v0, v13  }
0x3a: {  	v52 =	vimm.s32 $0x8;
	vm0 =	veq.f32 v13, v10  }
0x3b: {  	vm15 =	veq.f32 v7, v10;
	v9 =	vsel vm0, $0x7, v52  }
0x3c: {  	vm4 =	veq.f32 v6, v10;
	v9 =	vsel vm15, $0x6, v9  }
0x3d: {  	vm5 =	veq.f32 v5, v10;
	v9 =	vsel vm4, $0x5, v9  }
0x3e: {  	vm6 =	veq.f32 v4, v10;
	vm7 =	veq.f32 v3, v10;
	v9 =	vsel vm5, $0x4, v9  }
0x3f: {  	vm1 =	veq.f32 v2, v10;
	vm14 =	vne.f32 v1, v10;
	v9 =	vsel vm6, $0x3, v9  }
0x40: {  	vm13 =	vmand vm14, vm1;
	v9 =	vsel vm7, $0x2, v9  }
0x41: {  	v8 =	vsel vm13, v1, v8;
	v9 =	vsel vm1, $0x1, v9  }
0x42: {  	v8 =	vsel vm14, v8, v2;
	v14 =	vnsel vm14, $0x0, v9  }
0x43: {  	v53 =	vmax.f32 v8, v3;
	vm10 =	veq.s32 v14, $0x2  }
0x44: {  	v8 =	vsel vm10, v8, v53  }
0x45: {  	vm11 =	veq.s32 v14, $0x3;
	v8 =	vmax.f32 v8, v4  }
0x46: {  	v9 =	vsel vm11, v53, v8  }
0x47: {  	vm6 =	veq.s32 v14, $0x4;
	v9 =	vmax.f32 v9, v5  }
0x48: {  	v8 =	vsel vm6, v8, v9  }
0x49: {  	vm4 =	veq.s32 v14, $0x5;
	v8 =	vmax.f32 v8, v6  }
0x4a: {  	v9 =	vsel vm4, v9, v8  }
0x4b: {  	vm0 =	veq.s32 v14, $0x6;
	v9 =	vmax.f32 v9, v7  }
0x4c: {  	v8 =	vsel vm0, v8, v9  }
0x4d: {  	vm1 =	veq.s32 v14, $0x7;
	v11 =	vmax.f32 v8, v13;
	v8 =	vld [tilespmem:$0x10]  }
0x4e: {  	v15 =	vsel vm1, v9, v11;
	v9 =	vld [tilespmem:$0x90]  }
0x4f: {  	v12 =	vsub.f32 v15, v10;
	v10 =	vld [tilespmem:$0x110]  }
0x50: {  	v54 =	vld [tilespmem:$0x190]  }
0x51: {  	v55 =	vld [tilespmem:$0x210];
	v16 =	vmul.f32 $1.442695020e+00, v12  }
0x52: {  	v21 =	vld [tilespmem:$0x290];
	v0 =	vimm.s32 $0x8;
	vm3 =	vne.s32 v14, $0x7;
	vm5 =	vne.s32 v14, $0x6  }
0x53: {  	v22 =	vld [tilespmem:$0x310];
	vm15 =	vne.s32 v14, $0x5;
	(erf) = vpow2.f32 v16;
	v56 =	vmax.f32 v8, v9  }
0x54: {  	v57 =	vld [tilespmem:$0x390];
	vm2 =	veq.f32 v13, v15;
	vm8 =	veq.f32 v7, v15;
	v17 =	vmax.f32 v56, v10  }
0x55: {  	vm12 =	veq.f32 v6, v15;
	vm2 =	vmand vm3, vm2;
	v17 =	vmax.f32 v17, v54  }
0x56: {  	vm9 =	vmand vm5, vm8;
	vm7 =	vmand vm15, vm12;
	v58 =	vmax.f32 v17, v55  }
0x57: {  	vm8 =	veq.f32 v5, v15;
	v59 =	vsel vm2, $0x7, v0;
	v7 =	vmax.f32 v58, v21  }
0x58: {  	vm12 =	vne.s32 v14, $0x4;
	v61 =	vsel vm9, $0x6, v59;
	v60 =	vmax.f32 v7, v22  }
0x59: {  	vm2 =	vmand vm12, vm8;
	v7 =	vsel vm7, $0x5, v61;
	v6 =	vmax.f32 v60, v57  }
0x5a: {  	vm3 =	veq.f32 v4, v15;
	v7 =	vsel vm2, $0x4, v7;
	vm9 =	veq.f32 v57, v6  }
0x5b: {  	vm15 =	veq.f32 v22, v6;
	vm7 =	veq.f32 v21, v6;
	v62 =	vsel vm9, $0x7, v0  }
0x5c: {  	vm8 =	veq.f32 v55, v6;
	vm12 =	veq.f32 v10, v6;
	v63 =	vpop (erf);
	v5 =	vsel vm15, $0x6, v62  }
0x5d: {  	vm9 =	veq.f32 v54, v6;
	v17 =	vadd.f32 $1.000000000e+00, v63;
	v5 =	vsel vm7, $0x5, v5  }
0x5e: {  	vm15 =	veq.f32 v9, v6;
	vm7 =	vne.s32 v14, $0x3;
	v5 =	vsel vm8, $0x4, v5  }
0x5f: {  	(erf) = vrcp.f32 v17;
	v18 =	vsel vm9, $0x3, v5;
	vm9 =	vne.f32 v8, v6  }
0x60: {  	vm3 =	vmand vm7, vm3;
	v4 =	vsel vm12, $0x2, v18;
	vm2 =	vmand vm9, vm15  }
0x61: {  	vm8 =	vne.s32 v14, $0x2;
	v4 =	vsel vm15, $0x1, v4;
	v19 =	vsel vm2, v8, v56  }
0x62: {  	v16 =	vld [tilespmem:$0xA0];
	v26 =	vsel vm3, $0x3, v7;
	v23 =	vnsel vm9, $0x0, v4;
	v24 =	vsel vm9, v19, v9  }
0x63: {  	v17 =	vld [tilespmem:$0x20];
	vm12 =	veq.f32 v3, v15;
	vm7 =	veq.s32 v23, $0x2;
	v25 =	vmax.f32 v24, v10  }
0x64: {  	vm15 =	vmand vm8, vm12;
	vm12 =	vne.f32 v2, v15;
	v3 =	vsel vm7, v24, v25  }
0x65: {  	v18 =	vld [tilespmem:$0x120];
	v28 =	vsel vm15, $0x2, v26;
	vm5 =	veq.s32 v23, $0x3;
	v27 =	vmax.f32 v3, v54  }
0x66: {  	vm12 =	vmor vm13, vm12;
	vm15 =	veq.f32 v1, v15;
	v4 =	vsel vm5, v25, v27  }
0x67: {  	vm3 =	veq.s32 v23, $0x4;
	vm15 =	vmand vm14, vm15;
	v4 =	vmax.f32 v4, v55  }
0x68: {  	vm8 =	veq.s32 v23, $0x5;
	v49 =	vmax.f32 v17, v16;
	v14 =	vpop (erf);
	v30 =	vsel vm3, v27, v4  }
0x69: {  	v3 =	vnsel vm12, $0x1, v28;
	v29 =	vsub.f32 $1.000000000e+00, v14;
	v1 =	vmax.f32 v30, v21  }
0x6a: {  	v26 =	vmax.f32 v49, v18;
	v31 =	vsel vm15, $0x0, v3;
	v33 =	vsel vm8, v4, v1  }
0x6b: {  	v32 =	vnsel vm15, $0x0, v29;
	vm15 =	vmor vm15, vm12;
	vm12 =	veq.s32 v23, $0x6  }
0x6c: {  	v4 =	vmax.f32 v33, v22;
	v2 =	vsel vm14, v32, v14;
	v34 =	vsel vm15, $0x0, v29  }
0x6d: {  	v35 =	vsel vm12, v1, v4;
	vm15 =	veq.s32 v23, $0x7;
	vm14 =	veq.s32 v31, $0x3  }
0x6e: {  	v36 =	vsel vm13, v14, v34;
	v37 =	vmax.f32 v35, v57;
	vm13 =	veq.s32 v31, $0x2  }
0x6f: {  	v39 =	vnsel vm14, $0x0, v29;
	vm14 =	veq.s32 v31, $0x5;
	v24 =	vsel vm15, v4, v37  }
0x70: {  	v38 =	vnsel vm13, $0x0, v29;
	v41 =	vsel vm11, v14, v39;
	v6 =	vsub.f32 v24, v6  }
0x71: {  	vm13 =	veq.s32 v31, $0x4;
	v44 =	vnsel vm14, $0x0, v29;
	vm11 =	vne.s32 v23, $0x6  }
0x72: {  	v40 =	vsel vm10, v14, v38;
	v42 =	vnsel vm13, $0x0, v29;
	v19 =	vmul.f32 $1.442695020e+00, v6  }
0x73: {  	vm13 =	veq.s32 v31, $0x6;
	v45 =	vsel vm4, v14, v44;
	vm4 =	veq.s32 v31, $0x7  }
0x74: {  	vm14 =	veq.f32 v57, v24;
	vm10 =	veq.f32 v22, v24;
	(erf) = vpow2.f32 v19;
	v19 =	vld [tilespmem:$0x1A0]  }
0x75: {  	v20 =	vld [tilespmem:$0x220];
	v43 =	vsel vm6, v14, v42;
	v25 =	vnsel vm13, $0x0, v29;
	vm13 =	vne.s32 v23, $0x7  }
0x76: {  	[tilespmem:$0x1FF60] =	vst v45;
	v47 =	vnsel vm4, $0x0, v29;
	v29 =	vld [tilespmem:$0x2A0];
	vm6 =	veq.f32 v10, v24;
	v45 =	vimm.s32 $0x8  }
0x77: {  	v48 =	vld [tilespmem:$0x320];
	v46 =	vsel vm0, v14, v25;
	vm14 =	vmand vm13, vm14;
	vm13 =	vmand vm11, vm10  }
0x78: {  	v30 =	vld [tilespmem:$0x3A0];
	vm10 =	vne.s32 v23, $0x5;
	v50 =	vsel vm14, $0x7, v0;
	vm14 =	veq.f32 v21, v24  }
0x79: {  	v25 =	vsel vm13, $0x6, v50;
	vm11 =	vmand vm10, vm14;
	v51 =	vmax.f32 v26, v19  }
0x7a: {  	vm13 =	veq.f32 v55, v24;
	vm14 =	vne.s32 v23, $0x4;
	v21 =	vmax.f32 v51, v20  }
0x7b: {  	v53 =	vsel vm11, $0x5, v25;
	vm10 =	vmand vm14, vm13;
	v52 =	vmax.f32 v21, v29  }
0x7c: {  	vm11 =	veq.f32 v54, v24;
	vm13 =	vne.s32 v23, $0x3;
	v12 =	vmax.f32 v52, v48  }
0x7d: {  	vm0 =	vmand vm13, vm11;
	v21 =	vsel vm10, $0x4, v53;
	v54 =	vpop (erf);
	v27 =	vmax.f32 v12, v30  }
0x7e: {  	v58 =	vsel vm0, $0x3, v21;
	v11 =	vadd.f32 $1.000000000e+00, v54;
	vm14 =	veq.f32 v30, v27  }
0x7f: {  	vm10 =	veq.f32 v48, v27;
	vm11 =	veq.f32 v29, v27;
	vm13 =	veq.f32 v20, v27  }
0x80: {  	v55 =	vsel vm14, $0x7, v0;
	vm14 =	vne.s32 v23, $0x2;
	(erf) = vrcp.f32 v11  }
0x81: {  	v0 =	vimm.s32 $0x8;
	v56 =	vsel vm10, $0x6, v55;
	vm0 =	vmand vm14, vm6  }
0x82: {  	vm14 =	veq.f32 v16, v27;
	vm6 =	vne.f32 v17, v27;
	v57 =	vsel vm11, $0x5, v56  }
0x83: {  	vm11 =	veq.f32 v19, v27;
	v11 =	vsel vm0, $0x2, v58;
	v10 =	vsel vm13, $0x4, v57  }
0x84: {  	vm10 =	vmand vm6, vm14;
	vm13 =	veq.f32 v18, v27;
	v10 =	vsel vm11, $0x3, v10  }
0x85: {  	v60 =	vsel vm10, v17, v49;
	v10 =	vsel vm13, $0x2, v10;
	vm13 =	vne.f32 v9, v24  }
0x86: {  	v62 =	vsel vm6, v60, v16;
	v59 =	vsel vm14, $0x1, v10;
	vm0 =	vmor vm2, vm13  }
0x87: {  	vm14 =	veq.f32 v8, v24;
	v10 =	vmax.f32 v62, v18;
	v61 =	vnsel vm6, $0x0, v59  }
0x88: {  	v8 =	vsel vm1, v14, v47;
	v11 =	vnsel vm0, $0x1, v11;
	vm4 =	veq.s32 v61, $0x2  }
0x89: {  	vm14 =	vmand vm9, vm14;
	vm13 =	veq.s32 v61, $0x3;
	v4 =	vsel vm4, v62, v10;
	v63 =	vpop (erf)  }
0x8a: {  	v32 =	vsel vm14, $0x0, v11;
	v5 =	vmax.f32 v4, v19;
	v31 =	vsub.f32 $1.000000000e+00, v63  }
0x8b: {  	vm11 =	veq.s32 v61, $0x4;
	vm0 =	vmor vm14, vm0;
	v24 =	vsel vm13, v10, v5  }
0x8c: {  	vm1 =	veq.s32 v61, $0x7;
	v26 =	vmax.f32 v24, v20;
	v25 =	vnsel vm14, $0x0, v31  }
0x8d: {  	v28 =	vsel vm11, v5, v26;
	v33 =	vsel vm0, $0x0, v31;
	vm14 =	veq.s32 v61, $0x5  }
0x8e: {  	vm0 =	veq.s32 v61, $0x6;
	v9 =	vsel vm9, v25, v63;
	v34 =	vmax.f32 v28, v29  }
0x8f: {  	v7 =	vsel vm2, v63, v33;
	vm9 =	veq.s32 v32, $0x2;
	v11 =	vsel vm14, v26, v34  }
0x90: {  	[tilespmem:$0x1FF20] =	vst v36;
	v35 =	vnsel vm9, $0x0, v31;
	vm9 =	veq.s32 v32, $0x4;
	v36 =	vmax.f32 v11, v48  }
0x91: {  	v11 =	vsel vm7, v63, v35;
	vm7 =	veq.s32 v32, $0x3;
	v37 =	vsel vm0, v34, v36  }
0x92: {  	[tilespmem:$0x1FF30] =	vst v40;
	v25 =	vld [tilespmem:$0x30];
	v40 =	vnsel vm9, $0x0, v31;
	vm9 =	veq.s32 v32, $0x7;
	v39 =	vmax.f32 v37, v30  }
0x93: {  	v26 =	vld [tilespmem:$0xB0];
	v38 =	vnsel vm7, $0x0, v31;
	vm7 =	veq.s32 v32, $0x6;
	v33 =	vsel vm1, v36, v39  }
0x94: {  	v12 =	vsel vm5, v63, v38;
	vm5 =	veq.s32 v32, $0x5;
	v15 =	vsub.f32 v33, v27;
	v27 =	vld [tilespmem:$0x130]  }
0x95: {  	[tilespmem:$0x1FF40] =	vst v41;
	v24 =	vld [tilespmem:$0x1B0];
	v13 =	vsel vm3, v63, v40;
	v34 =	vnsel vm7, $0x0, v31;
	v41 =	vnsel vm5, $0x0, v31  }
0x96: {  	v28 =	vld [tilespmem:$0x230];
	v31 =	vnsel vm9, $0x0, v31;
	v14 =	vsel vm8, v63, v41;
	v35 =	vmul.f32 $1.442695020e+00, v15  }
0x97: {  	vm8 =	vne.s32 v61, $0x7;
	v15 =	vsel vm12, v63, v34;
	vm12 =	veq.f32 v30, v33;
	v30 =	vld [tilespmem:$0x2B0]  }
0x98: {  	v36 =	vld [tilespmem:$0x330];
	v42 =	vmax.f32 v25, v26;
	vm9 =	vmand vm8, vm12;
	(erf) = vpow2.f32 v35  }
0x99: {  	[tilespmem:$0x1FF50] =	vst v43;
	v38 =	vld [tilespmem:$0x3B0];
	vm12 =	veq.f32 v48, v33;
	vm8 =	vne.s32 v61, $0x6;
	v43 =	vmax.f32 v42, v27  }
0x9a: {  	[tilespmem:$0x1FF70] =	vst v46;
	v46 =	vsel vm9, $0x7, v45;
	vm9 =	vmand vm8, vm12;
	v44 =	vmax.f32 v43, v24  }
0x9b: {  	vm12 =	veq.f32 v29, v33;
	vm8 =	vne.s32 v61, $0x5;
	v22 =	vmax.f32 v44, v28  }
0x9c: {  	v47 =	vsel vm9, $0x6, v46;
	vm9 =	vmand vm8, vm12;
	v22 =	vmax.f32 v22, v30  }
0x9d: {  	vm12 =	veq.f32 v20, v33;
	vm8 =	vne.s32 v61, $0x4;
	v22 =	vmax.f32 v22, v36  }
0x9e: {  	v49 =	vsel vm9, $0x5, v47;
	vm9 =	vmand vm8, vm12;
	v48 =	vmax.f32 v22, v38  }
0x9f: {  	vm3 =	veq.f32 v19, v33;
	v22 =	vsel vm9, $0x4, v49;
	vm12 =	veq.f32 v38, v48  }
0xa0: {  	vm7 =	veq.f32 v36, v48;
	vm8 =	veq.f32 v30, v48;
	v50 =	vsel vm12, $0x7, v45  }
0xa1: {  	vm9 =	veq.f32 v28, v48;
	vm12 =	vne.s32 v61, $0x3;
	v51 =	vpop (erf);
	v29 =	vsel vm7, $0x6, v50  }
0xa2: {  	vm3 =	vmand vm12, vm3;
	vm12 =	veq.f32 v26, v48;
	v19 =	vadd.f32 $1.000000000e+00, v51  }
0xa3: {  	vm7 =	vne.f32 v25, v48;
	v29 =	vsel vm8, $0x5, v29;
	vm8 =	veq.f32 v24, v48  }
0xa4: {  	v22 =	vsel vm3, $0x3, v22;
	v29 =	vsel vm9, $0x4, v29;
	(erf) = vrcp.f32 v19  }
0xa5: {  	vm3 =	vmand vm7, vm12;
	vm9 =	veq.f32 v27, v48;
	v52 =	vsel vm8, $0x3, v29  }
0xa6: {  	v54 =	vsel vm3, v25, v42;
	vm8 =	veq.f32 v18, v33;
	v19 =	vsel vm9, $0x2, v52  }
0xa7: {  	v55 =	vsel vm7, v54, v26;
	vm9 =	vne.s32 v61, $0x2;
	v53 =	vsel vm12, $0x1, v19  }
0xa8: {  	vm2 =	vmand vm9, vm8;
	v19 =	vmax.f32 v55, v27;
	v29 =	vnsel vm7, $0x0, v53  }
0xa9: {  	vm12 =	vne.f32 v16, v33;
	v16 =	vsel vm15, v63, v31;
	vm5 =	veq.s32 v29, $0x2  }
0xaa: {  	v32 =	vld [tilespmem:$0x40];
	vm15 =	veq.f32 v17, v33;
	v63 =	vimm.s32 $0x0;
	v57 =	vsel vm5, v55, v19  }
0xab: {  	v33 =	vld [tilespmem:$0xC0];
	v56 =	vsel vm2, $0x2, v22;
	vm8 =	veq.s32 v29, $0x3;
	v18 =	vmax.f32 v57, v24  }
0xac: {  	vm12 =	vmor vm10, vm12;
	vm15 =	vmand vm6, vm15;
	v19 =	vsel vm8, v19, v18  }
0xad: {  	v21 =	vnsel vm12, $0x1, v56;
	vm2 =	veq.s32 v29, $0x4;
	v58 =	vmax.f32 v19, v28;
	v31 =	vpop (erf)  }
0xae: {  	vm9 =	veq.s32 v29, $0x5;
	v18 =	vsel vm2, v18, v58;
	v39 =	vsub.f32 $1.000000000e+00, v31  }
0xaf: {  	vm12 =	vmor vm15, vm12;
	v40 =	vsel vm15, $0x0, v21;
	v59 =	vmax.f32 v18, v30  }
0xb0: {  	v18 =	vmax.f32 v32, v33;
	v17 =	vsel vm9, v58, v59;
	v60 =	vnsel vm15, $0x0, v39  }
0xb1: {  	v61 =	vsel vm12, $0x0, v39;
	vm15 =	veq.s32 v29, $0x6;
	v62 =	vmax.f32 v17, v36  }
0xb2: {  	vm12 =	veq.s32 v40, $0x2;
	v10 =	vsel vm6, v60, v31;
	v17 =	vsel vm10, v31, v61  }
0xb3: {  	v19 =	vsel vm15, v59, v62;
	vm10 =	veq.s32 v29, $0x7;
	v3 =	vnsel vm12, $0x0, v39  }
0xb4: {  	vm12 =	veq.s32 v40, $0x3;
	v1 =	vsel vm10, $0xFFFFFFFF, v63;
	v19 =	vmax.f32 v19, v38  }
0xb5: {  	v4 =	vnsel vm12, $0x0, v39;
	vm12 =	veq.s32 v40, $0x4;
	v22 =	vsel vm4, v31, v3  }
0xb6: {  	v34 =	vld [tilespmem:$0x140];
	v41 =	vsel vm10, v62, v19;
	v19 =	vsel vm13, v31, v4;
	v5 =	vnsel vm12, $0x0, v39  }
0xb7: {  	v35 =	vld [tilespmem:$0x1C0];
	vm10 =	veq.s32 v40, $0x5;
	vm12 =	veq.s32 v40, $0x6;
	v20 =	vsub.f32 v41, v48  }
0xb8: {  	vm13 =	veq.s32 v40, $0x7;
	v23 =	vsel vm11, v31, v5;
	v6 =	vnsel vm10, $0x0, v39  }
0xb9: {  	v46 =	vld [tilespmem:$0x3C0];
	v42 =	vnsel vm12, $0x0, v39;
	vm10 =	vne.s32 v29, $0x7;
	v37 =	vmul.f32 $1.442695020e+00, v20  }
0xba: {  	v44 =	vld [tilespmem:$0xD0];
	v39 =	vnsel vm13, $0x0, v39;
	vm12 =	veq.f32 v36, v41;
	vm13 =	vne.s32 v29, $0x6  }
0xbb: {  	v48 =	vmax.f32 v18, v34;
	v21 =	vsel vm14, v31, v6;
	(erf) = vpow2.f32 v37;
	v37 =	vld [tilespmem:$0x240]  }
0xbc: {  	vm14 =	veq.f32 v38, v41;
	v38 =	vld [tilespmem:$0x2C0];
	v36 =	vmax.f32 v48, v35;
	v20 =	vsel vm0, v31, v42  }
0xbd: {  	v40 =	vld [tilespmem:$0x340];
	vm11 =	vmand vm10, vm14;
	vm14 =	vmand vm13, vm12;
	vm10 =	veq.f32 v30, v41  }
0xbe: {  	v48 =	vld [tilespmem:$0x50];
	vm13 =	veq.f32 v28, v41;
	v43 =	vsel vm11, $0x7, v0;
	vm11 =	vne.s32 v29, $0x5  }
0xbf: {  	vm0 =	veq.f32 v24, v41;
	v50 =	vsel vm14, $0x6, v43;
	vm12 =	vmand vm11, vm10  }
0xc0: {  	vm14 =	vne.s32 v29, $0x4;
	v52 =	vsel vm12, $0x5, v50;
	v49 =	vmax.f32 v36, v37  }
0xc1: {  	vm6 =	vmand vm14, vm13;
	vm12 =	vne.s32 v29, $0x3;
	v30 =	vmax.f32 v49, v38  }
0xc2: {  	v54 =	vsel vm6, $0x4, v52;
	vm0 =	vmand vm12, vm0;
	v51 =	vmax.f32 v30, v40  }
0xc3: {  	v6 =	vmax.f32 v48, v44;
	v28 =	vsel vm0, $0x3, v54;
	v53 =	vmax.f32 v51, v46  }
0xc4: {  	v55 =	vpop (erf);
	vm10 =	veq.f32 v46, v53;
	vm11 =	veq.f32 v40, v53;
	vm13 =	veq.f32 v38, v53  }
0xc5: {  	vm14 =	veq.f32 v37, v53;
	v24 =	vadd.f32 $1.000000000e+00, v55;
	v56 =	vsel vm10, $0x7, v0  }
0xc6: {  	v36 =	vld [tilespmem:$0x150];
	vm4 =	veq.f32 v33, v53;
	vm12 =	vne.f32 v32, v53;
	v30 =	vsel vm11, $0x6, v56  }
0xc7: {  	vm10 =	veq.f32 v35, v53;
	(erf) = vrcp.f32 v24;
	v57 =	vsel vm13, $0x5, v30  }
0xc8: {  	vm11 =	veq.f32 v34, v53;
	v24 =	vsel vm1, v31, v39;
	v30 =	vsel vm14, $0x4, v57  }
0xc9: {  	vm1 =	vmand vm12, vm4;
	vm13 =	vne.f32 v26, v41;
	v30 =	vsel vm10, $0x3, v30  }
0xca: {  	v59 =	vsel vm1, v32, v18;
	vm14 =	veq.f32 v25, v41;
	v58 =	vsel vm11, $0x2, v30  }
0xcb: {  	v18 =	vmax.f32 v6, v36;
	vm10 =	veq.f32 v27, v41;
	v27 =	vsel vm4, $0x1, v58  }
0xcc: {  	v60 =	vsel vm12, v59, v33;
	vm11 =	vne.s32 v29, $0x2;
	v39 =	vnsel vm12, $0x0, v27  }
0xcd: {  	v61 =	vmax.f32 v60, v34;
	vm0 =	vmand vm11, vm10;
	vm11 =	veq.s32 v39, $0x2  }
0xce: {  	vm4 =	vmand vm7, vm14;
	v28 =	vsel vm0, $0x2, v28;
	v27 =	vsel vm11, v60, v61  }
0xcf: {  	vm0 =	vmor vm3, vm13;
	vm13 =	veq.s32 v39, $0x3;
	v27 =	vmax.f32 v27, v35  }
0xd0: {  	v28 =	vnsel vm0, $0x1, v28;
	vm10 =	veq.s32 v39, $0x4;
	v42 =	vpop (erf);
	v62 =	vsel vm13, v61, v27  }
0xd1: {  	vm0 =	vmor vm4, vm0;
	v41 =	vsub.f32 $1.000000000e+00, v42;
	v26 =	vmax.f32 v62, v37  }
0xd2: {  	vm14 =	veq.s32 v39, $0x5;
	v47 =	vsel vm4, $0x0, v28;
	v27 =	vsel vm10, v27, v26  }
0xd3: {  	vm6 =	veq.s32 v47, $0x4;
	v63 =	vnsel vm4, $0x0, v41;
	v27 =	vmax.f32 v27, v38  }
0xd4: {  	v0 =	vsel vm0, $0x0, v41;
	vm4 =	veq.s32 v47, $0x2;
	vm0 =	veq.s32 v39, $0x6  }
0xd5: {  	v5 =	vnsel vm6, $0x0, v41;
	v25 =	vsel vm7, v63, v42;
	v26 =	vsel vm14, v26, v27  }
0xd6: {  	[tilespmem:$0x1FF10] =	vst v2;
	v2 =	vnsel vm4, $0x0, v41;
	vm7 =	veq.s32 v39, $0x7;
	v31 =	vsel vm2, v42, v5  }
0xd7: {  	[tilespmem:$0x1FF00] =	vst v1;
	vm2 =	veq.s32 v47, $0x7;
	v1 =	vmax.f32 v26, v40;
	v26 =	vsel vm3, v42, v0  }
0xd8: {  	vm3 =	veq.s32 v47, $0x3;
	v63 =	vnsel vm2, $0x0, v41;
	v27 =	vsel vm0, v27, v1  }
0xd9: {  	v4 =	vnsel vm3, $0x0, v41;
	vm3 =	veq.s32 v47, $0x5;
	v3 =	vmax.f32 v27, v46  }
0xda: {  	v27 =	vsel vm5, v42, v2;
	v28 =	vsel vm8, v42, v4;
	v49 =	vsel vm7, v1, v3  }
0xdb: {  	v43 =	vld [tilespmem:$0x1D0];
	vm8 =	veq.s32 v47, $0x6;
	v45 =	vnsel vm3, $0x0, v41;
	v29 =	vsub.f32 v49, v53  }
0xdc: {  	v50 =	vnsel vm8, $0x0, v41;
	v30 =	vsel vm9, v42, v45;
	vm9 =	vne.s32 v39, $0x7  }
0xdd: {  	v45 =	vld [tilespmem:$0x250];
	v41 =	vimm.s32 $0x0;
	vm8 =	veq.f32 v46, v49;
	v51 =	vmul.f32 $1.442695020e+00, v29  }
0xde: {  	vm3 =	vmand vm9, vm8;
	vm8 =	vne.s32 v39, $0x6;
	v29 =	vsel vm15, v42, v50  }
0xdf: {  	vm15 =	veq.f32 v40, v49;
	v50 =	vimm.s32 $0x8;
	(erf) = vpow2.f32 v51;
	v51 =	vld [tilespmem:$0x2D0]  }
0xe0: {  	v52 =	vld [tilespmem:$0x350];
	v40 =	vmax.f32 v18, v43;
	v54 =	vsel vm3, $0x7, v50;
	vm9 =	vmand vm8, vm15  }
0xe1: {  	v53 =	vld [tilespmem:$0x3D0];
	vm15 =	veq.f32 v38, v49;
	vm8 =	vne.s32 v39, $0x5;
	vm3 =	veq.f32 v35, v49  }
0xe2: {  	v55 =	vmax.f32 v40, v45;
	v56 =	vsel vm9, $0x6, v54;
	vm9 =	vmand vm8, vm15  }
0xe3: {  	vm15 =	veq.f32 v37, v49;
	vm8 =	vne.s32 v39, $0x4;
	v58 =	vsel vm9, $0x5, v56  }
0xe4: {  	vm9 =	vmand vm8, vm15;
	vm8 =	vne.s32 v39, $0x3;
	v38 =	vmax.f32 v55, v51  }
0xe5: {  	v59 =	vsel vm9, $0x4, v58;
	vm3 =	vmand vm8, vm3;
	v57 =	vmax.f32 v38, v52  }
0xe6: {  	v18 =	vimm.s32 $0x8;
	v37 =	vsel vm3, $0x3, v59;
	v40 =	vmax.f32 v57, v53  }
0xe7: {  	v59 =	vimm.s32 $0x0;
	vm15 =	veq.f32 v53, v40;
	vm9 =	veq.f32 v52, v40  }
0xe8: {  	vm8 =	veq.f32 v45, v40;
	vm2 =	veq.f32 v36, v40;
	v61 =	vsel vm15, $0x7, v50  }
0xe9: {  	vm3 =	veq.f32 v44, v40;
	v60 =	vpop (erf);
	vm15 =	veq.f32 v51, v40;
	v38 =	vsel vm9, $0x6, v61  }
0xea: {  	v35 =	vadd.f32 $1.000000000e+00, v60;
	vm9 =	veq.f32 v43, v40;
	v38 =	vsel vm15, $0x5, v38  }
0xeb: {  	v61 =	vimm.s32 $0x0;
	vm15 =	veq.f32 v34, v49;
	v62 =	vsel vm8, $0x4, v38  }
0xec: {  	(erf) = vrcp.f32 v35;
	vm8 =	vne.f32 v48, v40;
	v35 =	vsel vm9, $0x3, v62  }
0xed: {  	vm5 =	vmand vm8, vm3;
	vm9 =	vne.s32 v39, $0x2;
	v3 =	vsel vm2, $0x2, v35  }
0xee: {  	v4 =	vsel vm5, v48, v6;
	vm2 =	vmand vm9, vm15;
	vm15 =	vne.f32 v33, v49  }
0xef: {  	vm9 =	veq.f32 v32, v49;
	v34 =	vsel vm3, $0x1, v3;
	v5 =	vsel vm8, v4, v44  }
0xf0: {  	v39 =	vsel vm2, $0x2, v37;
	vm2 =	vmor vm1, vm15;
	v55 =	vnsel vm8, $0x0, v34  }
0xf1: {  	v57 =	vld [tilespmem:$0x1FF00];
	vm9 =	vmand vm12, vm9;
	v6 =	vmax.f32 v5, v36;
	vm4 =	veq.s32 v55, $0x2  }
0xf2: {  	v4 =	vimm.s32 $0x0;
	v47 =	vnsel vm2, $0x1, v39;
	v34 =	vsel vm4, v5, v6  }
0xf3: {  	vm2 =	vmor vm9, vm2;
	vm15 =	veq.s32 v55, $0x3;
	v46 =	vmax.f32 v34, v43  }
0xf4: {  	vm3 =	veq.s32 v55, $0x4;
	v50 =	vsel vm9, $0x0, v47;
	v33 =	vsel vm15, v6, v46  }
0xf5: {  	v0 =	vsel vm15, $0xFFFFFFFF, v41;
	vm6 =	veq.s32 v50, $0x3;
	v49 =	vpop (erf);
	v56 =	vmax.f32 v33, v45  }
0xf6: {  	vm15 =	vnez.u8 v57;
	v54 =	vsub.f32 $1.000000000e+00, v49;
	v32 =	vsel vm3, v46, v56  }
0xf7: {  	v33 =	vsel vm15, v42, v63;
	vm15 =	veq.s32 v55, $0x5;
	v32 =	vmax.f32 v32, v51  }
0xf8: {  	[tilespmem:$0x1FF80] =	vst v0;
	v0 =	vsel vm15, $0xFFFFFFFF, v59;
	v58 =	vnsel vm9, $0x0, v54;
	v35 =	vsel vm15, v56, v32  }
0xf9: {  	v60 =	vsel vm2, $0x0, v54;
	vm9 =	veq.s32 v55, $0x6;
	vm15 =	veq.s32 v55, $0x7  }
0xfa: {  	[tilespmem:$0x1FF90] =	vst v0;
	v5 =	vnsel vm6, $0x0, v54;
	v34 =	vsel vm12, v58, v49;
	v0 =	vsel vm9, $0xFFFFFFFF, v61  }
0xfb: {  	v42 =	vld [tilespmem:$0x60];
	v62 =	vmax.f32 v35, v52;
	v35 =	vsel vm1, v49, v60;
	vm12 =	veq.s32 v50, $0x2  }
0xfc: {  	v46 =	vld [tilespmem:$0xE0];
	v39 =	vsel vm13, v49, v5;
	vm13 =	veq.s32 v50, $0x7;
	v32 =	vsel vm9, v32, v62  }
0xfd: {  	[tilespmem:$0x1FFA0] =	vst v0;
	v63 =	vnsel vm12, $0x0, v54;
	v0 =	vsel vm15, $0xFFFFFFFF, v4;
	v32 =	vmax.f32 v32, v53  }
0xfe: {  	vm9 =	veq.s32 v50, $0x4;
	vm12 =	veq.s32 v50, $0x6;
	v62 =	vsel vm15, v62, v32  }
0xff: {  	v47 =	vld [tilespmem:$0x160];
	v37 =	vsel vm11, v49, v63;
	v6 =	vnsel vm9, $0x0, v54;
	v38 =	vsub.f32 v62, v40  }
0x100: {  	vm11 =	veq.s32 v50, $0x5;
	v61 =	vnsel vm12, $0x0, v54;
	vm9 =	vne.s32 v55, $0x6  }
0x101: {  	[tilespmem:$0x1FFB0] =	vst v0;
	v50 =	vld [tilespmem:$0x1E0];
	v0 =	vmax.f32 v42, v46;
	v60 =	vnsel vm11, $0x0, v54;
	v56 =	vmul.f32 $1.442695020e+00, v38  }
0x102: {  	vm12 =	vne.s32 v55, $0x5;
	v40 =	vsel vm14, v49, v60;
	vm14 =	veq.f32 v53, v62;
	v53 =	vld [tilespmem:$0x260]  }
0x103: {  	v41 =	vsel vm10, v49, v6;
	(erf) = vpow2.f32 v56;
	v56 =	vnsel vm13, $0x0, v54;
	v54 =	vld [tilespmem:$0x2E0]  }
0x104: {  	v57 =	vld [tilespmem:$0x360];
	vm15 =	vne.s32 v55, $0x7;
	v1 =	vmax.f32 v0, v47;
	vm6 =	veq.f32 v52, v62  }
0x105: {  	v59 =	vld [tilespmem:$0x3E0];
	vm11 =	veq.f32 v51, v62;
	vm10 =	vmand vm9, vm6;
	vm9 =	veq.f32 v43, v62  }
0x106: {  	v38 =	vsel vm0, v49, v61;
	vm0 =	vmand vm15, vm14;
	v51 =	vmax.f32 v1, v50  }
0x107: {  	vm14 =	veq.f32 v45, v62;
	vm15 =	vne.s32 v55, $0x4;
	v2 =	vmax.f32 v51, v53  }
0x108: {  	v63 =	vsel vm0, $0x7, v18;
	vm6 =	vmand vm15, vm14;
	v45 =	vmax.f32 v2, v54  }
0x109: {  	v32 =	vsel vm10, $0x6, v63;
	vm13 =	vmand vm12, vm11;
	v3 =	vmax.f32 v45, v57  }
0x10a: {  	vm10 =	vne.s32 v55, $0x3;
	v32 =	vsel vm13, $0x5, v32;
	v63 =	vmax.f32 v3, v59  }
0x10b: {  	vm11 =	vmand vm10, vm9;
	vm13 =	veq.f32 v36, v62;
	vm12 =	veq.f32 v59, v63  }
0x10c: {  	v32 =	vsel vm6, $0x4, v32;
	vm14 =	veq.f32 v57, v63;
	v4 =	vpop (erf);
	v45 =	vsel vm12, $0x7, v18  }
0x10d: {  	vm15 =	veq.f32 v54, v63;
	v6 =	vadd.f32 $1.000000000e+00, v4;
	v51 =	vsel vm14, $0x6, v45  }
0x10e: {  	v5 =	vsel vm11, $0x3, v32;
	v32 =	vld [tilespmem:$0x70];
	vm9 =	veq.f32 v53, v63;
	v36 =	vsel vm15, $0x5, v51  }
0x10f: {  	vm6 =	vne.s32 v55, $0x2;
	(erf) = vrcp.f32 v6;
	v55 =	vsel vm9, $0x4, v36;
	v36 =	vld [tilespmem:$0xF0]  }
0x110: {  	v43 =	vld [tilespmem:$0x170]  }
0x111: {  	vm1 =	vmand vm6, vm13;
	vm10 =	veq.f32 v50, v63;
	vm11 =	veq.f32 v47, v63  }
0x112: {  	vm6 =	veq.f32 v46, v63;
	v51 =	vsel vm7, v49, v56;
	v56 =	vsel vm10, $0x3, v55  }
0x113: {  	vm13 =	vne.f32 v42, v63;
	v45 =	vld [tilespmem:$0x1F0];
	vm7 =	veq.f32 v48, v62;
	v49 =	vsel vm11, $0x2, v56  }
0x114: {  	v48 =	vld [tilespmem:$0x270];
	vm11 =	vmand vm13, vm6;
	v58 =	vsel vm6, $0x1, v49;
	v3 =	vmax.f32 v32, v36  }
0x115: {  	v52 =	vsel vm11, v42, v0;
	v61 =	vnsel vm13, $0x0, v58;
	v58 =	vmax.f32 v3, v43  }
0x116: {  	v49 =	vld [tilespmem:$0x2F0];
	v60 =	vsel vm13, v52, v46  }
0x117: {  	vm15 =	veq.s32 v61, $0x2;
	v4 =	vmax.f32 v60, v47  }
0x118: {  	v56 =	vsel vm15, v60, v4;
	v60 =	vmax.f32 v58, v45;
	v58 =	vpop (erf)  }
0x119: {  	vm2 =	vmand vm8, vm7;
	v6 =	vmax.f32 v60, v48;
	v60 =	vsub.f32 $1.000000000e+00, v58  }
0x11a: {  	vm10 =	veq.s32 v61, $0x3;
	vm12 =	veq.s32 v61, $0x5;
	v56 =	vmax.f32 v56, v50  }
0x11b: {  	v1 =	vmax.f32 v6, v49;
	v6 =	vimm.s32 $0x0;
	v2 =	vnsel vm2, $0x0, v60  }
0x11c: {  	v0 =	vsel vm10, v4, v56;
	v4 =	vsel vm8, v2, v58;
	v2 =	vsel vm12, $0xFFFFFFFF, v6;
	v6 =	vld [tilespmem:$0x1FF10]  }
0x11d: {  	v52 =	vld [tilespmem:$0x370];
	vm14 =	veq.s32 v61, $0x4;
	v0 =	vmax.f32 v0, v53  }
0x11e: {  	v55 =	vld [tilespmem:$0x3F0];
	v56 =	vsel vm14, v56, v0  }
0x11f: {  	vm9 =	vne.f32 v44, v62;
	v56 =	vmax.f32 v56, v54  }
0x120: {  	v5 =	vsel vm1, $0x2, v5;
	vm9 =	vmor vm5, vm9;
	[tilespmem:$0x1FFC0] =	vst v2;
	v2 =	vsel vm12, v0, v56  }
0x121: {  	v5 =	vnsel vm9, $0x1, v5;
	vm0 =	veq.s32 v61, $0x6;
	v2 =	vmax.f32 v2, v57;
	[tilespmem:$0x400] =	vst v6;
	v6 =	vld [tilespmem:$0x1FF20]  }
0x122: {  	v5 =	vsel vm2, $0x0, v5;
	v1 =	vmax.f32 v1, v52;
	v62 =	vsel vm0, v56, v2;
	v56 =	vld [tilespmem:$0x1FF50]  }
0x123: {  	vm6 =	veq.s32 v5, $0x4;
	v1 =	vmax.f32 v1, v55  }
0x124: {  	[tilespmem:$0x710] =	vst v15;
	v44 =	vld [tilespmem:$0x1FF40];
	vm1 =	veq.f32 v55, v1;
	vm2 =	vmor vm2, vm9;
	v15 =	vnsel vm6, $0x0, v60  }
0x125: {  	[tilespmem:$0x420] =	vst v10;
	vm8 =	vne.f32 v32, v1;
	vm12 =	veq.f32 v52, v1;
	v0 =	vsel vm1, $0x7, v18  }
0x126: {  	v0 =	vsel vm12, $0x6, v0;
	vm12 =	veq.f32 v49, v1;
	[tilespmem:$0x480] =	vst v6;
	v6 =	vimm.s32 $0x0  }
0x127: {  	vm1 =	veq.f32 v48, v1;
	v0 =	vsel vm12, $0x5, v0;
	[tilespmem:$0x600] =	vst v56;
	v56 =	vld [tilespmem:$0x1FF60];
	v6 =	vsel vm0, $0xFFFFFFFF, v6  }
0x128: {  	v10 =	vsel vm3, v58, v15;
	vm12 =	veq.s32 v61, $0x7;
	v0 =	vsel vm1, $0x4, v0;
	[tilespmem:$0x1FFD0] =	vst v6;
	v6 =	vld [tilespmem:$0x1FF30]  }
0x129: {  	[tilespmem:$0x580] =	vst v44;
	v44 =	vmax.f32 v62, v59;
	v62 =	vimm.s32 $0x0;
	vm1 =	veq.f32 v45, v1  }
0x12a: {  	[tilespmem:$0x690] =	vst v14;
	v14 =	vld [tilespmem:$0x1FF80];
	v2 =	vsel vm12, v2, v44;
	v0 =	vsel vm1, $0x3, v0;
	vm0 =	veq.f32 v36, v1  }
0x12b: {  	[tilespmem:$0x490] =	vst v7;
	v44 =	vsub.f32 v2, v63;
	v63 =	vimm.s32 $0x0;
	vm9 =	vmand vm8, vm0  }
0x12c: {  	[tilespmem:$0x680] =	vst v56;
	v3 =	vsel vm9, v32, v3;
	v56 =	vsel vm2, $0x0, v60;
	vm2 =	veq.f32 v57, v2  }
0x12d: {  	v3 =	vsel vm8, v3, v36;
	[tilespmem:$0x500] =	vst v6;
	v6 =	vsel vm12, $0xFFFFFFFF, v62;
	v62 =	vld [tilespmem:$0x1FF70];
	vm12 =	veq.f32 v43, v1  }
0x12e: {  	v7 =	vsel vm5, v58, v56;
	[tilespmem:$0x1FFE0] =	vst v6;
	v0 =	vsel vm12, $0x2, v0;
	v6 =	vmul.f32 $1.442695020e+00, v44  }
0x12f: {  	[tilespmem:$0x780] =	vst v8;
	vm5 =	vnez.u8 v14;
	vm12 =	veq.s32 v5, $0x2;
	v0 =	vsel vm0, $0x1, v0  }
0x130: {  	[tilespmem:$0x590] =	vst v12;
	v12 =	vnsel vm12, $0x0, v60;
	vm0 =	vne.s32 v61, $0x6;
	(erf) = vpow2.f32 v6  }
0x131: {  	[tilespmem:$0x410] =	vst v9;
	v0 =	vnsel vm8, $0x0, v0;
	vm2 =	vmand vm0, vm2;
	vm0 =	vne.s32 v61, $0x4  }
0x132: {  	vm7 =	veq.s32 v0, $0x2;
	vm12 =	veq.s32 v0, $0x3;
	[tilespmem:$0x700] =	vst v62;
	v62 =	vmax.f32 v3, v43  }
0x133: {  	[tilespmem:$0x510] =	vst v11;
	vm6 =	veq.s32 v0, $0x5;
	v8 =	vsel vm7, $0xFFFFFFFF, v63;
	v3 =	vsel vm7, v3, v62  }
0x134: {  	[tilespmem:$0x1FFF0] =	vst v8;
	v8 =	vsel vm4, v58, v12;
	vm4 =	veq.s32 v5, $0x3;
	vm7 =	veq.s32 v0, $0x4  }
0x135: {  	[tilespmem:$0x610] =	vst v13;
	v3 =	vmax.f32 v3, v45;
	v13 =	vnsel vm4, $0x0, v60;
	vm4 =	veq.f32 v59, v2  }
0x136: {  	[tilespmem:$0x790] =	vst v16;
	v6 =	vsel vm12, v62, v3;
	v9 =	vsel vm5, v58, v13;
	vm5 =	vne.s32 v61, $0x7  }
0x137: {  	[tilespmem:$0x4A0] =	vst v17;
	v6 =	vmax.f32 v6, v48;
	vm1 =	vmand vm5, vm4;
	vm5 =	veq.s32 v0, $0x6  }
0x138: {  	[tilespmem:$0x520] =	vst v22;
	vm4 =	veq.s32 v0, $0x7;
	v3 =	vsel vm7, v3, v6;
	v17 =	vsel vm1, $0x7, v18  }
0x139: {  	[tilespmem:$0x5A0] =	vst v19;
	vm1 =	veq.f32 v54, v2;
	v3 =	vmax.f32 v3, v49;
	v12 =	vsel vm2, $0x6, v17;
	v16 =	vpop (erf)  }
0x13a: {  	[tilespmem:$0x6A0] =	vst v21;
	v21 =	vld [tilespmem:$0x1FF90];
	vm2 =	vne.s32 v61, $0x5;
	v6 =	vsel vm6, v6, v3;
	v11 =	vadd.f32 $1.000000000e+00, v16  }
0x13b: {  	[tilespmem:$0x620] =	vst v23;
	vm1 =	vmand vm2, vm1;
	vm2 =	veq.f32 v53, v2;
	v6 =	vmax.f32 v6, v52  }
0x13c: {  	[tilespmem:$0x720] =	vst v20;
	v19 =	vsel vm1, $0x5, v12;
	vm3 =	vmand vm0, vm2;
	(erf) = vrcp.f32 v11  }
0x13d: {  	[tilespmem:$0x7A0] =	vst v24;
	vm2 =	veq.f32 v50, v2;
	vm0 =	vne.s32 v61, $0x3;
	v3 =	vsel vm5, v3, v6  }
0x13e: {  	[tilespmem:$0x430] =	vst v25;
	vm1 =	veq.s32 v5, $0x5;
	vm0 =	vmand vm0, vm2;
	v3 =	vmax.f32 v3, v55  }
0x13f: {  	[tilespmem:$0x630] =	vst v31;
	v20 =	vnsel vm1, $0x0, v60;
	vm1 =	vnez.u8 v21;
	v3 =	vsel vm4, v6, v3  }
0x140: {  	[tilespmem:$0x4B0] =	vst v26;
	v23 =	vld [tilespmem:$0x1FFA0];
	vm2 =	vne.s32 v61, $0x2;
	v6 =	vsel vm3, $0x4, v19;
	v1 =	vsub.f32 v3, v1  }
0x141: {  	[tilespmem:$0x530] =	vst v27;
	v11 =	vsel vm1, v58, v20;
	v6 =	vsel vm0, $0x3, v6;
	vm0 =	veq.f32 v47, v2  }
0x142: {  	[tilespmem:$0x5B0] =	vst v28;
	v28 =	vld [tilespmem:$0x1FFB0];
	vm1 =	veq.s32 v5, $0x6;
	vm0 =	vmand vm2, vm0;
	v1 =	vmul.f32 $1.442695020e+00, v1  }
0x143: {  	[tilespmem:$0x6B0] =	vst v30;
	v22 =	vnsel vm1, $0x0, v60;
	vm1 =	vne.f32 v46, v2;
	v6 =	vsel vm0, $0x2, v6  }
0x144: {  	[tilespmem:$0x730] =	vst v29;
	vm0 =	vmor vm11, vm1;
	vm1 =	veq.f32 v42, v2;
	(erf) = vpow2.f32 v1  }
0x145: {  	[tilespmem:$0x7B0] =	vst v33;
	vm2 =	vnez.u8 v23;
	v27 =	vnsel vm0, $0x1, v6;
	vm1 =	vmand vm13, vm1;
	v24 =	vpop (erf)  }
0x146: {  	[tilespmem:$0x440] =	vst v34;
	v1 =	vsel vm2, v58, v22;
	vm2 =	veq.s32 v5, $0x7;
	v25 =	vsub.f32 $1.000000000e+00, v24  }
0x147: {  	[tilespmem:$0x4C0] =	vst v35;
	v5 =	vsel vm1, $0x0, v27;
	v26 =	vnsel vm2, $0x0, v60;
	vm2 =	vnez.u8 v28  }
0x148: {  	[tilespmem:$0x5C0] =	vst v39;
	vm0 =	vmor vm1, vm0;
	v2 =	vsel vm2, v58, v26;
	v29 =	vnsel vm1, $0x0, v25  }
0x149: {  	[tilespmem:$0x540] =	vst v37;
	v30 =	vsel vm0, $0x0, v25;
	v6 =	vsel vm13, v29, v24;
	vm13 =	veq.s32 v5, $0x2  }
0x14a: {  	[tilespmem:$0x740] =	vst v38;
	v38 =	vld [tilespmem:$0x1FFC0];
	v14 =	vsel vm11, v24, v30;
	vm11 =	veq.s32 v5, $0x5;
	v31 =	vnsel vm13, $0x0, v25  }
0x14b: {  	[tilespmem:$0x640] =	vst v41;
	vm13 =	veq.s32 v5, $0x3;
	v37 =	vnsel vm11, $0x0, v25;
	vm11 =	vne.s32 v0, $0x5  }
0x14c: {  	[tilespmem:$0x6C0] =	vst v40;
	v15 =	vsel vm15, v24, v31;
	v33 =	vnsel vm13, $0x0, v25;
	vm13 =	veq.s32 v5, $0x4  }
0x14d: {  	[tilespmem:$0x7C0] =	vst v51;
	vm15 =	veq.f32 v55, v3;
	v34 =	vpop (erf);
	v16 =	vsel vm10, v24, v33;
	v35 =	vnsel vm13, $0x0, v25  }
0x14e: {  	[tilespmem:$0x450] =	vst v4;
	v42 =	vld [tilespmem:$0x1FFD0];
	vm10 =	vne.s32 v0, $0x7;
	v17 =	vadd.f32 $1.000000000e+00, v34;
	vm13 =	veq.f32 v52, v3  }
0x14f: {  	[tilespmem:$0x650] =	vst v10;
	v4 =	vsel vm14, v24, v35;
	vm0 =	vmand vm10, vm15;
	vm14 =	vnez.u8 v38  }
0x150: {  	[tilespmem:$0x4D0] =	vst v7;
	vm15 =	vne.s32 v0, $0x6;
	vm10 =	veq.f32 v49, v3;
	(erf) = vrcp.f32 v17  }
0x151: {  	[tilespmem:$0x550] =	vst v8;
	v7 =	vsel vm14, v24, v37;
	v39 =	vsel vm0, $0x7, v18;
	vm0 =	vmand vm15, vm13  }
0x152: {  	[tilespmem:$0x5D0] =	vst v9;
	vm13 =	veq.f32 v48, v3;
	vm1 =	vmand vm11, vm10;
	vm14 =	veq.s32 v5, $0x6  }
0x153: {  	[tilespmem:$0x6D0] =	vst v11;
	vm15 =	vne.s32 v0, $0x4;
	vm10 =	veq.f32 v45, v3;
	vm11 =	vnez.u8 v42  }
0x154: {  	v47 =	vld [tilespmem:$0x1FFE0];
	[tilespmem:$0x750] =	vst v1;
	v8 =	vsel vm0, $0x6, v39;
	vm0 =	vmand vm15, vm13;
	v41 =	vnsel vm14, $0x0, v25  }
0x155: {  	[tilespmem:$0x7D0] =	vst v2;
	vm13 =	vne.s32 v0, $0x3;
	vm14 =	veq.f32 v43, v3;
	vm15 =	vne.s32 v0, $0x2  }
0x156: {  	v53 =	vld [tilespmem:$0x1FFF0];
	[tilespmem:$0x460] =	vst v6;
	v40 =	vsel vm1, $0x5, v8;
	v2 =	vsel vm11, v24, v41;
	vm11 =	veq.s32 v5, $0x7  }
0x157: {  	[tilespmem:$0x4E0] =	vst v14;
	v1 =	vsel vm0, $0x4, v40;
	vm0 =	vmand vm13, vm10;
	vm10 =	vmand vm15, vm14  }
0x158: {  	[tilespmem:$0x560] =	vst v15;
	v44 =	vnsel vm11, $0x0, v25;
	vm13 =	vne.f32 v36, v3;
	vm14 =	veq.f32 v32, v3  }
0x159: {  	[tilespmem:$0x5E0] =	vst v16;
	vm15 =	vnez.u8 v47;
	v43 =	vsel vm0, $0x3, v1;
	vm0 =	vmor vm9, vm13;
	v45 =	vpop (erf)  }
0x15a: {  	[tilespmem:$0x660] =	vst v4;
	v1 =	vsel vm15, v24, v44;
	v0 =	vsel vm10, $0x2, v43;
	v46 =	vsub.f32 $1.000000000e+00, v45  }
0x15b: {  	[tilespmem:$0x6E0] =	vst v7;
	vm1 =	vmand vm8, vm14;
	vm10 =	vnez.u8 v53;
	v0 =	vnsel vm0, $0x1, v0  }
0x15c: {  	[tilespmem:$0x760] =	vst v2;
	vm0 =	vmor vm1, vm0;
	v0 =	vsel vm1, $0x0, v0;
	v48 =	vnsel vm1, $0x0, v46  }
0x15d: {  	[tilespmem:$0x7E0] =	vst v1;
	vm11 =	veq.s32 v0, $0x4;
	v50 =	vsel vm0, $0x0, v46;
	v49 =	vsel vm8, v48, v45  }
0x15e: {  	vm13 =	veq.s32 v0, $0x5;
	v56 =	vnsel vm11, $0x0, v46;
	v51 =	vsel vm9, v45, v50;
	[tilespmem:$0x470] =	vst v49  }
0x15f: {  	vm14 =	veq.s32 v0, $0x6;
	v58 =	vnsel vm13, $0x0, v46;
	v57 =	vsel vm7, v45, v56;
	[tilespmem:$0x4F0] =	vst v51  }
0x160: {  	vm15 =	veq.s32 v0, $0x7;
	v60 =	vnsel vm14, $0x0, v46;
	v59 =	vsel vm6, v45, v58;
	[tilespmem:$0x670] =	vst v57  }
0x161: {  	v62 =	vnsel vm15, $0x0, v46;
	vm8 =	veq.s32 v0, $0x2;
	v61 =	vsel vm5, v45, v60;
	[tilespmem:$0x6F0] =	vst v59  }
0x162: {  	vm9 =	veq.s32 v0, $0x3;
	v63 =	vsel vm4, v45, v62;
	v52 =	vnsel vm8, $0x0, v46;
	[tilespmem:$0x770] =	vst v61  }
0x163: {  	v54 =	vnsel vm9, $0x0, v46;
	[tilespmem:$0x7F0] =	vst v63;
	v1 =	vsel vm10, v45, v52  }
0x164: {  	s4 =	sadd.s32 $0xE00, s4;
	v55 =	vsel vm12, v45, v54;
	[tilespmem:$0x570] =	vst v1  }
0x165: {  	s18 =	simm.s32 $0x400;
	s7 =	sadd.s32 s4, s7;
	[tilespmem:$0x5F0] =	vst v55  }
0x166: {  	[hbm4b:s7+s2] =	stream.linear.scatter [tilespmem:s18], [sflag:$0x1], $0x80, $0x38;
	[tilespmem:$0x800] =	vst v63  }
0x167: {  	s19 =	simm.s32 $0x480;
	s5 =	sadd.s32 s4, s5  }
0x168: {  	[hbm4b:s5+s2] =	stream.linear.scatter [tilespmem:s19], [sflag:$0x1], $0x80, $0x38;
	[tilespmem:$0x800] =	vst v63  }
0x169: {  	s21 =	simm.s32 $0x500;
	s20 =	sadd.s32 s4, s22  }
0x16a: {  	[hbm4b:s20+s2] =	stream.linear.scatter [tilespmem:s21], [sflag:$0x1], $0x80, $0x38;
	[tilespmem:$0x800] =	vst v63  }
0x16b: {  	s22 =	sadd.s32 s4, s24;
	s23 =	simm.s32 $0x580  }
0x16c: {  	[hbm4b:s22+s2] =	stream.linear.scatter [tilespmem:s23], [sflag:$0x1], $0x80, $0x38;
	[tilespmem:$0x800] =	vst v63  }
0x16d: {  	s24 =	sadd.s32 s4, s26;
	s25 =	simm.s32 $0x600  }
0x16e: {  	[hbm4b:s24+s2] =	stream.linear.scatter [tilespmem:s25], [sflag:$0x1], $0x80, $0x38;
	[tilespmem:$0x800] =	vst v63  }
0x16f: {  	s26 =	sadd.s32 s4, s29;
	s28 =	simm.s32 $0x680  }
0x170: {  	[hbm4b:s26+s2] =	stream.linear.scatter [tilespmem:s28], [sflag:$0x1], $0x80, $0x38;
	[tilespmem:$0x800] =	vst v63  }
0x171: {  	s29 =	sadd.s32 s4, s31;
	s30 =	simm.s32 $0x700  }
0x172: {  	[hbm4b:s29+s2] =	stream.linear.scatter [tilespmem:s30], [sflag:$0x1], $0x80, $0x38;
	[tilespmem:$0x800] =	vst v63  }
0x173: {  	s4 =	sadd.s32 s4, s15;
	s31 =	simm.s32 $0x780  }
0x174: {  	[hbm4b:s4+s2] =	stream.linear.scatter [tilespmem:s31], [sflag:$0x1], $0x80, $0x38;
	[tilespmem:$0x800] =	vst v63  }
0x175: {  	_ =	swait.ge [sflag:s17], $0x80  }
0x176: {  	[sflag:s17] =	ssyncset.done $0x0  }
0x177: {  	[sflag:s17] =	ssyncadd.s32 $0xFFFFFF80  }
0x178: {  	_ =	swait.ge [sflag:s17], $0x80  }
0x179: {  	[sflag:s17] =	ssyncset.done $0x0  }
0x17a: {  	[sflag:s17] =	ssyncadd.s32 $0xFFFFFF80  }
0x17b: {  	_ =	swait.ge [sflag:s17], $0x80  }
0x17c: {  	[sflag:s17] =	ssyncset.done $0x0  }
0x17d: {  	[sflag:s17] =	ssyncadd.s32 $0xFFFFFF80  }
0x17e: {  	_ =	swait.ge [sflag:s17], $0x80  }
0x17f: {  	[sflag:s17] =	ssyncset.done $0x0  }
0x180: {  	[sflag:s17] =	ssyncadd.s32 $0xFFFFFF80  }
0x181: {  	_ =	swait.ge [sflag:s17], $0x80  }
0x182: {  	[sflag:s17] =	ssyncset.done $0x0  }
0x183: {  	[sflag:s17] =	ssyncadd.s32 $0xFFFFFF80  }
0x184: {  	_ =	swait.ge [sflag:s17], $0x80  }
0x185: {  	[sflag:s17] =	ssyncset.done $0x0  }
0x186: {  	[sflag:s17] =	ssyncadd.s32 $0xFFFFFF80  }
0x187: {  	_ =	swait.ge [sflag:s17], $0x80  }
0x188: {  	[sflag:s17] =	ssyncset.done $0x0  }
0x189: {  	[sflag:s17] =	ssyncadd.s32 $0xFFFFFF80  }
0x18a: {  	_ =	swait.ge [sflag:s17], $0x80  }
0x18b: {  	[sflag:s17] =	ssyncset.done $0x0  }
0x18c: {  	[sflag:s17] =	ssyncadd.s32 $0xFFFFFF80  }
0x18d: {  	_ =	sfence.sel $0x180000  }
0x18e: {  	[bflag:$0x0] =	sbarrier.arrive $0xFFFF  }
0x18f: {  	p0 =	sne.s32 s1, $0x0;
	_ =	strace $0x90000047  }
0x190: {  	s0 =	sadd.s32 @!p0 $0x100000, s0;
	[bflag:$0x2] =	sbarrier.arrive $0xFFFF  }
0x191: {  	[sflag:s0] =	ssyncadd.tile.s32 @!p0 $0x1;
	_ =	shalt  }
.Lfunc_end2:
_tile_overlayer_lowered:
.L_overlay_start_2:
0x192: {  	(tag) =	ssettag $0x2  }
0x193: {  	s0 =	rddreg [dreg:$0x0];
	s2 =	stileid.u32  }
0x194: {  	s1 =	rddreg [dreg:$0x1];
	p0 =	sne.s32 s2, $0x0  }
0x195: {  	s3 =	rddreg [dreg:$0x2];
	[bflag:$0x3] =	sbarrier.arrive $0xFFFF;
	s2 =	simm.s32 @!p0 $0x1C02  }
0x196: {  	[timem:s3], [sflag:s2] =	dma.local @!p0 [hbm:s0], s1  }
0x197: {  	s0 =	simm.s32 @!p0 $0x2  }
0x198: {  	_ =	swait.ge @!p0 [sflag:s0], s1  }
0x199: {  	s1 =	ssub.s32 @!p0 $0x0, s1;
	[sflag:s0] =	ssyncset.done @!p0 $0x0  }
0x19a: {  	[sflag:s0] =	ssyncadd.s32 @!p0 s1  }
0x19b: {  	[bflag:$0x3] =	sbarrier.arrive $0xFFFF  }
0x19c: {  	_ =	shalt  }

</sc_bundles>
